<compile_context>
chip_gen: v7x
topology: tpu7x:2x2x1
jax: 0.10.2.dev20260603
libtpu: 0.0.44.dev20260713+nightly
codegen_flags: <defaults>
</compile_context>

<pallas_src>
import functools

import jax
import jax.numpy as jnp
from jax import lax
from jax.experimental import pallas as pl
from jax.experimental.pallas import tpu as pltpu
from jax.experimental.pallas import tpu_sc as plsc

N = 10000
E = 320000
D = 128
H = 64
NC = 2
NS = 16
L = 16
CH = 80
NROWS = E // CH
NPT = 624
ZR = 104
F32 = jnp.float32


def _node_lin_body(h_ref, aw, ab, bw, bb, dw, db, ew, eb,
                   ah_o, bh_o, dh_o, eh_o):
    x = h_ref[...]
    ah_o[...] = jnp.dot(x, aw[...], preferred_element_type=F32) + ab[...]
    for w, b, o in ((bw, bb, bh_o), (dw, db, dh_o), (ew, eb, eh_o)):
        full = jnp.dot(x, w[...], preferred_element_type=F32) + b[...]
        o[0] = full[:, :H]
        o[1] = full[:, H:]


def _node_linears(h, A_w, A_b, B_w, B_b, D_w, D_b, E_w, E_b):
    blk = 2000
    grid = (N // blk,)
    wspec = pl.BlockSpec((D, D), lambda i: (0, 0))
    bspec = pl.BlockSpec((1, D), lambda i: (0, 0))
    half = pl.BlockSpec((2, blk, H), lambda i: (0, i, 0))
    return pl.pallas_call(
        _node_lin_body,
        grid=grid,
        in_specs=[pl.BlockSpec((blk, D), lambda i: (i, 0)),
                  wspec, bspec, wspec, bspec, wspec, bspec, wspec, bspec],
        out_specs=[pl.BlockSpec((blk, D), lambda i: (i, 0)), half, half, half],
        out_shape=[jax.ShapeDtypeStruct((N, D), F32),
                   jax.ShapeDtypeStruct((2, N, H), F32),
                   jax.ShapeDtypeStruct((2, N, H), F32),
                   jax.ShapeDtypeStruct((2, N, H), F32)],
    )(h, A_w, A_b, B_w, B_b, D_w, D_b, E_w, E_b)


def _ce_body(e_ref, cw, cb, ce_o):
    ce_o[...] = jnp.dot(e_ref[...], cw[...], preferred_element_type=F32) + cb[...]


def _ce_full(e, C_w, C_b):
    blk = 4000
    return pl.pallas_call(
        _ce_body,
        grid=(E // blk,),
        in_specs=[pl.BlockSpec((blk, D), lambda i: (i, 0)),
                  pl.BlockSpec((D, D), lambda i: (0, 0)),
                  pl.BlockSpec((1, D), lambda i: (0, 0))],
        out_specs=pl.BlockSpec((blk, D), lambda i: (i, 0)),
        out_shape=jax.ShapeDtypeStruct((E, D), F32),
    )(e, C_w, C_b)


NBUF = 2
NBLK = NROWS // NS + 1


def _sc_edge_body(idx_hbm, dh_t, eh_t, bh_t, ce_t,
                  enew_o, ssh_o, ss_o, bn_o,
                  ir0, ir1, io0, io1,
                  dh0, dh1, eh0, eh1,
                  ce0, ce1, bh0, bh1,
                  bn_v, zero_v, ssh_sh, ss_sh,
                  sx0, sx1, si0, si1,
                  so0, so1, ss0, ss1):
    c = lax.axis_index("c")
    s = lax.axis_index("s")
    off = c * N
    IR = (ir0, ir1)
    IO = (io0, io1)
    DH = (dh0, dh1)
    EH = (eh0, eh1)
    CE = (ce0, ce1)
    BH = (bh0, bh1)
    SX = (sx0, sx1)
    SI = (si0, si1)
    SO = (so0, so1)
    SS = (ss0, ss1)

    def _zrow(r, _):
        for kk in range(H // L):
            zero_v[r, pl.ds(kk * L, L)] = jnp.zeros((L,), F32)
        return 0
    lax.fori_loop(0, ZR, _zrow, 0)
    for piece in range(NPT // ZR):
        pltpu.sync_copy(zero_v, ssh_sh.at[pl.ds(s * NPT + piece * ZR, ZR)])
        pltpu.sync_copy(zero_v, ss_sh.at[pl.ds(s * NPT + piece * ZR, ZR)])

    @pl.when(s == NS - 1)
    def _zero_tail():
        pltpu.sync_copy(zero_v.at[pl.ds(0, N - NS * NPT)],
                        ssh_sh.at[pl.ds(NS * NPT, N - NS * NPT)])
        pltpu.sync_copy(zero_v.at[pl.ds(0, N - NS * NPT)],
                        ss_sh.at[pl.ds(NS * NPT, N - NS * NPT)])

    plsc.subcore_barrier()

    def _rowc(t):
        return jnp.minimum(t * NS + s, NROWS - 1)

    def _issue_idx(t, q):
        pltpu.async_copy(idx_hbm.at[pl.ds(2 * _rowc(t), 2)], IR[q], SX[q])

    def _stage(t, q):
        pltpu.make_async_copy(idx_hbm.at[pl.ds(0, 2)], IR[q], SX[q]).wait()
        valid = (t * NS + s) < NROWS

        def _off(r, _):
            sl = pl.ds(r * L, L)
            sv = IR[q][0, sl]
            dv = IR[q][1, sl]
            IO[q][0, sl] = sv + off
            IO[q][1, sl] = dv + off
            IO[q][2, sl] = jnp.where(valid, dv, jnp.full((L,), N, jnp.int32))
            return 0
        lax.fori_loop(0, CH // L, _off, 0)
        rowc = _rowc(t)
        pltpu.async_copy(dh_t.at[IO[q].at[0]], DH[q], SI[q])
        pltpu.async_copy(eh_t.at[IO[q].at[1]], EH[q], SI[q])
        pltpu.async_copy(bh_t.at[IO[q].at[0]], BH[q], SI[q])
        pltpu.async_copy(ce_t.at[pl.ds(rowc * CH, CH), pl.ds(c * H, H)],
                         CE[q], SI[q])

    def _wait_reads(q):
        pltpu.make_async_copy(dh_t.at[IO[q].at[0]], DH[q], SI[q]).wait()
        pltpu.make_async_copy(eh_t.at[IO[q].at[1]], EH[q], SI[q]).wait()
        pltpu.make_async_copy(bh_t.at[IO[q].at[0]], BH[q], SI[q]).wait()
        pltpu.make_async_copy(ce_t.at[pl.ds(0, CH), pl.ds(c * H, H)],
                              CE[q], SI[q]).wait()

    def _compute(t, q, carry):
        zvec = jnp.zeros((L,), F32)

        def _row(r, cr):
            acc = list(cr)
            for kk in range(H // L):
                sl = pl.ds(kk * L, L)
                x = DH[q][r, sl] + EH[q][r, sl] + CE[q][r, sl]
                CE[q][r, sl] = x
                sg = 1.0 / (1.0 + jnp.exp(-x))
                DH[q][r, sl] = sg
                BH[q][r, sl] = BH[q][r, sl] * sg
                acc[kk] = acc[kk] + x
                acc[4 + kk] = acc[4 + kk] + x * x
            return tuple(acc)
        part = lax.fori_loop(0, CH, _row, (zvec,) * (2 * (H // L)))
        m = jnp.where((t * NS + s) < NROWS, 1.0, 0.0).astype(F32)
        return tuple(carry[i] + part[i] * m for i in range(2 * (H // L)))

    def _issue_outputs(t, q):
        rowc = _rowc(t)
        pltpu.async_copy(CE[q], enew_o.at[pl.ds(rowc * CH, CH),
                                          pl.ds(c * H, H)], SO[q])
        pltpu.async_copy(BH[q], ssh_sh.at[IO[q].at[2]], SS[q], add=True)
        pltpu.async_copy(DH[q], ss_sh.at[IO[q].at[2]], SS[q], add=True)

    def _drain_outputs(q):
        pltpu.make_async_copy(CE[q], enew_o.at[pl.ds(0, CH),
                                               pl.ds(c * H, H)], SO[q]).wait()
        pltpu.make_async_copy(BH[q], ssh_sh.at[IO[q].at[2]], SS[q]).wait()
        pltpu.make_async_copy(DH[q], ss_sh.at[IO[q].at[2]], SS[q]).wait()

    _issue_idx(0, 0)
    _stage(0, 0)

    def _block(jj, t, q, carry, first):
        qn = (q + 1) % NBUF
        if first:
            pl.when(jj > 0)(lambda: _drain_outputs(qn))
        else:
            _drain_outputs(qn)
        _issue_idx(t + 1, qn)
        _wait_reads(q)
        carry = _compute(t, q, carry)
        _issue_outputs(t, q)
        _stage(t + 1, qn)
        return carry

    def _fbody(jj, carry):
        t0 = jj * NBUF
        carry = _block(jj, t0, 0, carry, True)
        carry = _block(jj, t0 + 1, 1, carry, False)
        return carry

    zvec = jnp.zeros((L,), F32)
    carry = lax.fori_loop(0, (NBLK - 1) // NBUF, _fbody,
                          (zvec,) * (2 * (H // L)))

    t_last = NBLK - 1
    _wait_reads(0)
    carry = _compute(t_last, 0, carry)
    _issue_outputs(t_last, 0)
    _drain_outputs(1)
    _drain_outputs(0)

    def _bnz(r, _):
        for kk in range(2 * H // L):
            bn_v[r, pl.ds(kk * L, L)] = jnp.zeros((L,), F32)
        return 0
    lax.fori_loop(0, 8, _bnz, 0)
    for kk in range(H // L):
        bn_v[0, pl.ds(kk * L, L)] = carry[kk]
        bn_v[0, pl.ds(H + kk * L, L)] = carry[4 + kk]
    pltpu.sync_copy(bn_v, bn_o.at[c * NS + s])

    plsc.subcore_barrier()
    pltpu.sync_copy(ssh_sh.at[pl.ds(s * NPT, NPT)],
                    ssh_o.at[pl.ds(c * N + s * NPT, NPT)])
    pltpu.sync_copy(ss_sh.at[pl.ds(s * NPT, NPT)],
                    ss_o.at[pl.ds(c * N + s * NPT, NPT)])

    @pl.when(s == NS - 1)
    def _drain_tail():
        pltpu.sync_copy(ssh_sh.at[pl.ds(NS * NPT, N - NS * NPT)],
                        ssh_o.at[pl.ds(c * N + NS * NPT, N - NS * NPT)])
        pltpu.sync_copy(ss_sh.at[pl.ds(NS * NPT, N - NS * NPT)],
                        ss_o.at[pl.ds(c * N + NS * NPT, N - NS * NPT)])


def _sc_edge(idx_packed, dh_t, eh_t, bh_t, ce_t):
    mesh = plsc.VectorSubcoreMesh(core_axis_name="c", subcore_axis_name="s")
    fn = functools.partial(
        pl.kernel,
        mesh=mesh,
        compiler_params=pltpu.CompilerParams(use_tc_tiling_on_sc=False),
        out_type=[jax.ShapeDtypeStruct((E, D), F32),
                  jax.ShapeDtypeStruct((2 * N, H), F32),
                  jax.ShapeDtypeStruct((2 * N, H), F32),
                  jax.ShapeDtypeStruct((NC * NS, 8, 2 * H), F32)],
        scratch_types=(
            [pltpu.VMEM((2, CH), jnp.int32) for _ in range(NBUF)] +
            [pltpu.VMEM((3, CH), jnp.int32) for _ in range(NBUF)] +
            [pltpu.VMEM((CH, H), F32) for _ in range(4 * NBUF)] +
            [pltpu.VMEM((8, 2 * H), F32),
             pltpu.VMEM((ZR, H), F32),
             pltpu.VMEM_SHARED((N + 8, H), F32),
             pltpu.VMEM_SHARED((N + 8, H), F32)]
            + [pltpu.SemaphoreType.DMA for _ in range(4 * NBUF)]
        ))(_sc_edge_body)
    return fn(idx_packed, dh_t, eh_t, bh_t, ce_t)


def _eout_body(e_ref, enew_ref, bn_ref, g_ref, b_ref, out_ref):
    bn = bn_ref[...]
    s0 = jnp.sum(bn[:NS * 8, :H], axis=0)
    s1 = jnp.sum(bn[NS * 8:, :H], axis=0)
    q0 = jnp.sum(bn[:NS * 8, H:], axis=0)
    q1 = jnp.sum(bn[NS * 8:, H:], axis=0)
    mu = jnp.concatenate([s0, s1]) * (1.0 / E)
    msq = jnp.concatenate([q0, q1]) * (1.0 / E)
    var = msq - mu * mu
    inv = lax.rsqrt(var + 1e-5)
    normed = (enew_ref[...] - mu) * inv * g_ref[...] + b_ref[...]
    out_ref[...] = e_ref[...] + jnp.maximum(normed, 0.0)


def _e_out(e, enew, bn_p, gamma, beta):
    blk = 4000
    return pl.pallas_call(
        _eout_body,
        grid=(E // blk,),
        in_specs=[pl.BlockSpec((blk, D), lambda i: (i, 0)),
                  pl.BlockSpec((blk, D), lambda i: (i, 0)),
                  pl.BlockSpec((NC * NS * 8, 2 * H), lambda i: (0, 0)),
                  pl.BlockSpec((1, D), lambda i: (0, 0)),
                  pl.BlockSpec((1, D), lambda i: (0, 0))],
        out_specs=pl.BlockSpec((blk, D), lambda i: (i, 0)),
        out_shape=jax.ShapeDtypeStruct((E, D), F32),
    )(e, enew, bn_p, gamma, beta)


def _hout_body(h_ref, ah_ref, ssh_ref, ss_ref, g_ref, b_ref, out_ref):
    ssh = jnp.concatenate([ssh_ref[0], ssh_ref[1]], axis=1)
    ss = jnp.concatenate([ss_ref[0], ss_ref[1]], axis=1)
    h_new = ah_ref[...] + ssh / (ss + 1e-6)
    mu = jnp.mean(h_new, axis=0)
    var = jnp.mean(h_new * h_new, axis=0) - mu * mu
    normed = (h_new - mu) * lax.rsqrt(var + 1e-5) * g_ref[...] + b_ref[...]
    out_ref[...] = h_ref[...] + jnp.maximum(normed, 0.0)


def _h_out(h, ah, ssh, ss, gamma, beta):
    return pl.pallas_call(
        _hout_body,
        in_specs=[pl.BlockSpec((N, D), lambda: (0, 0)),
                  pl.BlockSpec((N, D), lambda: (0, 0)),
                  pl.BlockSpec((2, N, H), lambda: (0, 0, 0)),
                  pl.BlockSpec((2, N, H), lambda: (0, 0, 0)),
                  pl.BlockSpec((1, D), lambda: (0, 0)),
                  pl.BlockSpec((1, D), lambda: (0, 0))],
        out_specs=pl.BlockSpec((N, D), lambda: (0, 0)),
        out_shape=jax.ShapeDtypeStruct((N, D), F32),
    )(h, ah, ssh, ss, gamma, beta)


def kernel(h, e, edge_index, A_w, A_b, B_w, B_b, C_w, C_b, D_w, D_b, E_w, E_b,
           bn_h_gamma, bn_h_beta, bn_e_gamma, bn_e_beta):
    ah, bh_c, dh_c, eh_c = _node_linears(
        h, A_w, A_b.reshape(1, D), B_w, B_b.reshape(1, D),
        D_w, D_b.reshape(1, D), E_w, E_b.reshape(1, D))
    ce = _ce_full(e, C_w, C_b.reshape(1, D))

    idx_packed = jnp.stack(
        [edge_index[0].reshape(NROWS, CH), edge_index[1].reshape(NROWS, CH)],
        axis=1).reshape(2 * NROWS, CH)
    enew, ssh_f, ss_f, bn_p = _sc_edge(
        idx_packed,
        dh_c.reshape(2 * N, H), eh_c.reshape(2 * N, H),
        bh_c.reshape(2 * N, H), ce)

    e_out = _e_out(e, enew, bn_p.reshape(NC * NS * 8, 2 * H),
                   bn_e_gamma.reshape(1, D), bn_e_beta.reshape(1, D))
    h_out = _h_out(h, ah, ssh_f.reshape(2, N, H), ss_f.reshape(2, N, H),
                   bn_h_gamma.reshape(1, D), bn_h_beta.reshape(1, D))
    return (h_out, e_out)

# --- scband reference (transcript-rebuilt; emitter-appended) ---
"""Pipeline reference for scband-dgl-res-gated-graph-conv-12120397710134 (READ-ONLY COPY).

The authoritative reference and input builder live on the scoring server;
editing this copy changes nothing except your own understanding.
"""

import jax, jax.numpy as jnp
import numpy as np

N_NODES = 10000
N_EDGES = 320000
D = 128


def _linear_init(key, fan_in, fan_out):
    k1, k2 = jax.random.split(key)
    bound = 1.0 / np.sqrt(fan_in)
    W = jax.random.uniform(k1, (fan_in, fan_out), minval=-bound, maxval=bound, dtype=jnp.float32)
    b = jax.random.uniform(k2, (fan_out,), minval=-bound, maxval=bound, dtype=jnp.float32)
    return W, b


def setup_inputs(seed: int = 0) -> dict:
    key = jax.random.key(seed)
    ks = jax.random.split(key, 10)
    h = jax.random.normal(ks[0], (N_NODES, D), dtype=jnp.float32)
    e = jax.random.normal(ks[1], (N_EDGES, D), dtype=jnp.float32)
    edge_index = jax.random.randint(ks[2], (2, N_EDGES), 0, N_NODES, dtype=jnp.int32)
    A_w, A_b = _linear_init(ks[3], D, D)
    B_w, B_b = _linear_init(ks[4], D, D)
    C_w, C_b = _linear_init(ks[5], D, D)
    D_w, D_b = _linear_init(ks[6], D, D)
    E_w, E_b = _linear_init(ks[7], D, D)
    bn_h_gamma = jnp.ones((D,), dtype=jnp.float32)
    bn_h_beta = jnp.zeros((D,), dtype=jnp.float32)
    bn_e_gamma = jnp.ones((D,), dtype=jnp.float32)
    bn_e_beta = jnp.zeros((D,), dtype=jnp.float32)
    return {"h": h, "e": e, "edge_index": edge_index,
            "A_w": A_w, "A_b": A_b, "B_w": B_w, "B_b": B_b,
            "C_w": C_w, "C_b": C_b, "D_w": D_w, "D_b": D_b,
            "E_w": E_w, "E_b": E_b,
            "bn_h_gamma": bn_h_gamma, "bn_h_beta": bn_h_beta,
            "bn_e_gamma": bn_e_gamma, "bn_e_beta": bn_e_beta}


def _batch_norm(x, gamma, beta, eps=1e-5):
    mu = jnp.mean(x, axis=0)
    var = jnp.var(x, axis=0)  # biased var, matches torch BN training normalization
    return (x - mu) / jnp.sqrt(var + eps) * gamma + beta


def reference(h, e, edge_index, A_w, A_b, B_w, B_b, C_w, C_b, D_w, D_b, E_w, E_b,
              bn_h_gamma, bn_h_beta, bn_e_gamma, bn_e_beta):
    src = edge_index[0]
    dst = edge_index[1]
    Ah = h @ A_w + A_b
    Bh = h @ B_w + B_b
    Dh = h @ D_w + D_b
    Eh = h @ E_w + E_b
    Ce = e @ C_w + C_b
    # u_add_v: Dh[src] + Eh[dst], then add Ce
    e_new = Dh[src] + Eh[dst] + Ce
    sigma = jax.nn.sigmoid(e_new)
    # u_mul_e -> sum at dst
    sum_sigma_h = jax.ops.segment_sum(Bh[src] * sigma, dst, num_segments=N_NODES)
    sum_sigma = jax.ops.segment_sum(sigma, dst, num_segments=N_NODES)
    h_new = Ah + sum_sigma_h / (sum_sigma + 1e-6)
    h_new = _batch_norm(h_new, bn_h_gamma, bn_h_beta)
    e_out = _batch_norm(e_new, bn_e_gamma, bn_e_beta)
    h_new = jax.nn.relu(h_new)
    e_out = jax.nn.relu(e_out)
    h_out = h + h_new  # residual (input_dim == output_dim)
    e_out = e + e_out
    # dropout p=0.0 -> identity
    return (h_out, e_out)

if __name__ == "__main__":
    import jax
    _d = setup_inputs()
    print(jax.jit(kernel)(*tuple(_d.values())))

</pallas_src>

<mosaic_0001>
#map = affine_map<(d0, d1) -> (0, 0)>
#map1 = affine_map<(d0, d1) -> (0, 0, 0)>
module attributes {stable_mosaic.version = 14 : i64} {
  func.func @_sc_edge_body(%arg0: i32, %arg1: i32, %arg2: memref<8000x80xi32, #tpu.memory_space<hbm>>, %arg3: memref<20000x64xf32, #tpu.memory_space<hbm>>, %arg4: memref<20000x64xf32, #tpu.memory_space<hbm>>, %arg5: memref<20000x64xf32, #tpu.memory_space<hbm>>, %arg6: memref<320000x128xf32, #tpu.memory_space<hbm>>, %arg7: memref<320000x128xf32, #tpu.memory_space<hbm>>, %arg8: memref<20000x64xf32, #tpu.memory_space<hbm>>, %arg9: memref<20000x64xf32, #tpu.memory_space<hbm>>, %arg10: memref<32x8x128xf32, #tpu.memory_space<hbm>>, %arg11: memref<2x80xi32, #tpu.memory_space<vmem>>, %arg12: memref<2x80xi32, #tpu.memory_space<vmem>>, %arg13: memref<3x80xi32, #tpu.memory_space<vmem>>, %arg14: memref<3x80xi32, #tpu.memory_space<vmem>>, %arg15: memref<80x64xf32, #tpu.memory_space<vmem>>, %arg16: memref<80x64xf32, #tpu.memory_space<vmem>>, %arg17: memref<80x64xf32, #tpu.memory_space<vmem>>, %arg18: memref<80x64xf32, #tpu.memory_space<vmem>>, %arg19: memref<80x64xf32, #tpu.memory_space<vmem>>, %arg20: memref<80x64xf32, #tpu.memory_space<vmem>>, %arg21: memref<80x64xf32, #tpu.memory_space<vmem>>, %arg22: memref<80x64xf32, #tpu.memory_space<vmem>>, %arg23: memref<8x128xf32, #tpu.memory_space<vmem>>, %arg24: memref<104x64xf32, #tpu.memory_space<vmem>>, %arg25: memref<10008x64xf32, #tpu.memory_space<vmem_shared>>, %arg26: memref<10008x64xf32, #tpu.memory_space<vmem_shared>>, %arg27: memref<!tpu.dma_semaphore, #tpu.memory_space<semaphore_mem>>, %arg28: memref<!tpu.dma_semaphore, #tpu.memory_space<semaphore_mem>>, %arg29: memref<!tpu.dma_semaphore, #tpu.memory_space<semaphore_mem>>, %arg30: memref<!tpu.dma_semaphore, #tpu.memory_space<semaphore_mem>>, %arg31: memref<!tpu.dma_semaphore, #tpu.memory_space<semaphore_mem>>, %arg32: memref<!tpu.dma_semaphore, #tpu.memory_space<semaphore_mem>>, %arg33: memref<!tpu.dma_semaphore, #tpu.memory_space<semaphore_mem>>, %arg34: memref<!tpu.dma_semaphore, #tpu.memory_space<semaphore_mem>>) attributes {dimension_semantics = [#tpu.dimension_semantics<core_parallel>, #tpu.dimension_semantics<subcore_parallel>], iteration_bounds = array<i64: 2, 16>, scalar_prefetch = 0 : i64, scratch_operands = 24 : i64, tpu.core_type = #tpu.core_type<sc_vector_subcore>, window_params = [{transform_indices = #map}, {transform_indices = #map}, {transform_indices = #map}, {transform_indices = #map}, {transform_indices = #map}, {transform_indices = #map}, {transform_indices = #map}, {transform_indices = #map}, {transform_indices = #map1}]} {
    %mul3A = arith.constant 10000 : i32
    %mul3A_0 = arith.muli %arg0, %mul3A : i32
    %scan3A = arith.constant 0 : i32
    %scan3A_1 = arith.constant 0 : i32
    %scan3A_2 = arith.constant 104 : i32
    %scan3A_3 = arith.addi %scan3A_1, %scan3A_2 : i32
    %scan3A_4 = arith.constant 1 : i32
    %scan3A_5 = scf.for %scan3A_322 = %scan3A_1 to %scan3A_3 step %scan3A_4 iter_args(%scan3A_323 = %scan3A) -> (i32)  : i32 {
      %broadcast_in_dim3A_324 = arith.constant 0.000000e+00 : f32
      %broadcast_in_dim3A_325 = vector.broadcast %broadcast_in_dim3A_324 : f32 to vector<16xf32>
      %swap3A_326 = arith.index_cast %scan3A_322 : i32 to index
      %swap3A_327 = arith.constant 0 : index
      %swap3A_328 = tpu.vector_load %arg24[%swap3A_326, %swap3A_327] {strides = array<i32>} : memref<104x64xf32, #tpu.memory_space<vmem>>, vector<1x16xf32>,
      %swap3A_329 = vector.shape_cast %swap3A_328 : vector<1x16xf32> to vector<16xf32>
      %swap3A_330 = vector.shape_cast %broadcast_in_dim3A_325 : vector<16xf32> to vector<1x16xf32>
      tpu.vector_store %arg24[%swap3A_326, %swap3A_327], %swap3A_330 {strides = array<i32>} : memref<104x64xf32, #tpu.memory_space<vmem>>, vector<1x16xf32>,
      %broadcast_in_dim3A_331 = arith.constant 0.000000e+00 : f32
      %broadcast_in_dim3A_332 = vector.broadcast %broadcast_in_dim3A_331 : f32 to vector<16xf32>
      %swap3A_333 = arith.index_cast %scan3A_322 : i32 to index
      %swap3A_334 = arith.constant 16 : index
      %swap3A_335 = tpu.vector_load %arg24[%swap3A_333, %swap3A_334] {strides = array<i32>} : memref<104x64xf32, #tpu.memory_space<vmem>>, vector<1x16xf32>,
      %swap3A_336 = vector.shape_cast %swap3A_335 : vector<1x16xf32> to vector<16xf32>
      %swap3A_337 = vector.shape_cast %broadcast_in_dim3A_332 : vector<16xf32> to vector<1x16xf32>
      tpu.vector_store %arg24[%swap3A_333, %swap3A_334], %swap3A_337 {strides = array<i32>} : memref<104x64xf32, #tpu.memory_space<vmem>>, vector<1x16xf32>,
      %broadcast_in_dim3A_338 = arith.constant 0.000000e+00 : f32
      %broadcast_in_dim3A_339 = vector.broadcast %broadcast_in_dim3A_338 : f32 to vector<16xf32>
      %swap3A_340 = arith.index_cast %scan3A_322 : i32 to index
      %swap3A_341 = arith.constant 32 : index
      %swap3A_342 = tpu.vector_load %arg24[%swap3A_340, %swap3A_341] {strides = array<i32>} : memref<104x64xf32, #tpu.memory_space<vmem>>, vector<1x16xf32>,
      %swap3A_343 = vector.shape_cast %swap3A_342 : vector<1x16xf32> to vector<16xf32>
      %swap3A_344 = vector.shape_cast %broadcast_in_dim3A_339 : vector<16xf32> to vector<1x16xf32>
      tpu.vector_store %arg24[%swap3A_340, %swap3A_341], %swap3A_344 {strides = array<i32>} : memref<104x64xf32, #tpu.memory_space<vmem>>, vector<1x16xf32>,
      %broadcast_in_dim3A_345 = arith.constant 0.000000e+00 : f32
      %broadcast_in_dim3A_346 = vector.broadcast %broadcast_in_dim3A_345 : f32 to vector<16xf32>
      %swap3A_347 = arith.index_cast %scan3A_322 : i32 to index
      %swap3A_348 = arith.constant 48 : index
      %swap3A_349 = tpu.vector_load %arg24[%swap3A_347, %swap3A_348] {strides = array<i32>} : memref<104x64xf32, #tpu.memory_space<vmem>>, vector<1x16xf32>,
      %swap3A_350 = vector.shape_cast %swap3A_349 : vector<1x16xf32> to vector<16xf32>
      %swap3A_351 = vector.shape_cast %broadcast_in_dim3A_346 : vector<16xf32> to vector<1x16xf32>
      tpu.vector_store %arg24[%swap3A_347, %swap3A_348], %swap3A_351 {strides = array<i32>} : memref<104x64xf32, #tpu.memory_space<vmem>>, vector<1x16xf32>,
      %scan3A_352 = arith.constant 0 : i32
      scf.yield %scan3A_352 : i32
    }
    %scan3A_6 = arith.constant 104 : i32
    %mul3A_7 = arith.constant 624 : i32
    %mul3A_8 = arith.muli %arg1, %mul3A_7 : i32
    %add3A = arith.constant 0 : i32
    %add3A_9 = arith.addi %mul3A_8, %add3A : i32
    "tpu.region"() ({
      %run_scoped3A = tpu.sem_alloc : memref<!tpu.dma_semaphore, #tpu.memory_space<semaphore_mem>>
      %dma_start3A_322 = arith.constant 0 : i32
      %dma_start3A_323 = tpu.memref_slice %arg25[%add3A_9, %dma_start3A_322] : memref<10008x64xf32, #tpu.memory_space<vmem_shared>> -> memref<104x64xf32, #tpu.memory_space<vmem_shared>>
      %dma_start3A_324 = arith.constant 0 : i32
      %dma_start3A_325 = tpu.memref_slice %arg25[%add3A_9, %dma_start3A_324] : memref<10008x64xf32, #tpu.memory_space<vmem_shared>> -> memref<104x64xf32, #tpu.memory_space<vmem_shared>>
      tpu.enqueue_dma source(%arg24 : memref<104x64xf32, #tpu.memory_space<vmem>>) target(%dma_start3A_325 : memref<104x64xf32, #tpu.memory_space<vmem_shared>>) target_semaphore(%run_scoped3A : memref<!tpu.dma_semaphore, #tpu.memory_space<semaphore_mem>>)
      %dma_wait3A_326 = arith.constant 0 : i32
      %dma_wait3A_327 = tpu.memref_slice %arg25[%add3A_9, %dma_wait3A_326] : memref<10008x64xf32, #tpu.memory_space<vmem_shared>> -> memref<104x64xf32, #tpu.memory_space<vmem_shared>>
      %dma_wait3A_328 = arith.constant 0 : i32
      %dma_wait3A_329 = tpu.memref_slice %arg25[%add3A_9, %dma_wait3A_328] : memref<10008x64xf32, #tpu.memory_space<vmem_shared>> -> memref<104x64xf32, #tpu.memory_space<vmem_shared>>
      tpu.wait_dma2 semaphore(%run_scoped3A : memref<!tpu.dma_semaphore, #tpu.memory_space<semaphore_mem>>) src(%arg24 : memref<104x64xf32, #tpu.memory_space<vmem>>) dst(%dma_wait3A_329 : memref<104x64xf32, #tpu.memory_space<vmem_shared>>)
      tpu.yield
    }) : () -> ()
    %mul3A_10 = arith.constant 624 : i32
    %mul3A_11 = arith.muli %arg1, %mul3A_10 : i32
    %add3A_12 = arith.constant 0 : i32
    %add3A_13 = arith.addi %mul3A_11, %add3A_12 : i32
    "tpu.region"() ({
      %run_scoped3A = tpu.sem_alloc : memref<!tpu.dma_semaphore, #tpu.memory_space<semaphore_mem>>
      %dma_start3A_322 = arith.constant 0 : i32
      %dma_start3A_323 = tpu.memref_slice %arg26[%add3A_13, %dma_start3A_322] : memref<10008x64xf32, #tpu.memory_space<vmem_shared>> -> memref<104x64xf32, #tpu.memory_space<vmem_shared>>
      %dma_start3A_324 = arith.constant 0 : i32
      %dma_start3A_325 = tpu.memref_slice %arg26[%add3A_13, %dma_start3A_324] : memref<10008x64xf32, #tpu.memory_space<vmem_shared>> -> memref<104x64xf32, #tpu.memory_space<vmem_shared>>
      tpu.enqueue_dma source(%arg24 : memref<104x64xf32, #tpu.memory_space<vmem>>) target(%dma_start3A_325 : memref<104x64xf32, #tpu.memory_space<vmem_shared>>) target_semaphore(%run_scoped3A : memref<!tpu.dma_semaphore, #tpu.memory_space<semaphore_mem>>)
      %dma_wait3A_326 = arith.constant 0 : i32
      %dma_wait3A_327 = tpu.memref_slice %arg26[%add3A_13, %dma_wait3A_326] : memref<10008x64xf32, #tpu.memory_space<vmem_shared>> -> memref<104x64xf32, #tpu.memory_space<vmem_shared>>
      %dma_wait3A_328 = arith.constant 0 : i32
      %dma_wait3A_329 = tpu.memref_slice %arg26[%add3A_13, %dma_wait3A_328] : memref<10008x64xf32, #tpu.memory_space<vmem_shared>> -> memref<104x64xf32, #tpu.memory_space<vmem_shared>>
      tpu.wait_dma2 semaphore(%run_scoped3A : memref<!tpu.dma_semaphore, #tpu.memory_space<semaphore_mem>>) src(%arg24 : memref<104x64xf32, #tpu.memory_space<vmem>>) dst(%dma_wait3A_329 : memref<104x64xf32, #tpu.memory_space<vmem_shared>>)
      tpu.yield
    }) : () -> ()
    %mul3A_14 = arith.constant 624 : i32
    %mul3A_15 = arith.muli %arg1, %mul3A_14 : i32
    %add3A_16 = arith.constant 104 : i32
    %add3A_17 = arith.addi %mul3A_15, %add3A_16 : i32
    "tpu.region"() ({
      %run_scoped3A = tpu.sem_alloc : memref<!tpu.dma_semaphore, #tpu.memory_space<semaphore_mem>>
      %dma_start3A_322 = arith.constant 0 : i32
      %dma_start3A_323 = tpu.memref_slice %arg25[%add3A_17, %dma_start3A_322] : memref<10008x64xf32, #tpu.memory_space<vmem_shared>> -> memref<104x64xf32, #tpu.memory_space<vmem_shared>>
      %dma_start3A_324 = arith.constant 0 : i32
      %dma_start3A_325 = tpu.memref_slice %arg25[%add3A_17, %dma_start3A_324] : memref<10008x64xf32, #tpu.memory_space<vmem_shared>> -> memref<104x64xf32, #tpu.memory_space<vmem_shared>>
      tpu.enqueue_dma source(%arg24 : memref<104x64xf32, #tpu.memory_space<vmem>>) target(%dma_start3A_325 : memref<104x64xf32, #tpu.memory_space<vmem_shared>>) target_semaphore(%run_scoped3A : memref<!tpu.dma_semaphore, #tpu.memory_space<semaphore_mem>>)
      %dma_wait3A_326 = arith.constant 0 : i32
      %dma_wait3A_327 = tpu.memref_slice %arg25[%add3A_17, %dma_wait3A_326] : memref<10008x64xf32, #tpu.memory_space<vmem_shared>> -> memref<104x64xf32, #tpu.memory_space<vmem_shared>>
      %dma_wait3A_328 = arith.constant 0 : i32
      %dma_wait3A_329 = tpu.memref_slice %arg25[%add3A_17, %dma_wait3A_328] : memref<10008x64xf32, #tpu.memory_space<vmem_shared>> -> memref<104x64xf32, #tpu.memory_space<vmem_shared>>
      tpu.wait_dma2 semaphore(%run_scoped3A : memref<!tpu.dma_semaphore, #tpu.memory_space<semaphore_mem>>) src(%arg24 : memref<104x64xf32, #tpu.memory_space<vmem>>) dst(%dma_wait3A_329 : memref<104x64xf32, #tpu.memory_space<vmem_shared>>)
      tpu.yield
    }) : () -> ()
    %mul3A_18 = arith.constant 624 : i32
    %mul3A_19 = arith.muli %arg1, %mul3A_18 : i32
    %add3A_20 = arith.constant 104 : i32
    %add3A_21 = arith.addi %mul3A_19, %add3A_20 : i32
    "tpu.region"() ({
      %run_scoped3A = tpu.sem_alloc : memref<!tpu.dma_semaphore, #tpu.memory_space<semaphore_mem>>
      %dma_start3A_322 = arith.constant 0 : i32
      %dma_start3A_323 = tpu.memref_slice %arg26[%add3A_21, %dma_start3A_322] : memref<10008x64xf32, #tpu.memory_space<vmem_shared>> -> memref<104x64xf32, #tpu.memory_space<vmem_shared>>
      %dma_start3A_324 = arith.constant 0 : i32
      %dma_start3A_325 = tpu.memref_slice %arg26[%add3A_21, %dma_start3A_324] : memref<10008x64xf32, #tpu.memory_space<vmem_shared>> -> memref<104x64xf32, #tpu.memory_space<vmem_shared>>
      tpu.enqueue_dma source(%arg24 : memref<104x64xf32, #tpu.memory_space<vmem>>) target(%dma_start3A_325 : memref<104x64xf32, #tpu.memory_space<vmem_shared>>) target_semaphore(%run_scoped3A : memref<!tpu.dma_semaphore, #tpu.memory_space<semaphore_mem>>)
      %dma_wait3A_326 = arith.constant 0 : i32
      %dma_wait3A_327 = tpu.memref_slice %arg26[%add3A_21, %dma_wait3A_326] : memref<10008x64xf32, #tpu.memory_space<vmem_shared>> -> memref<104x64xf32, #tpu.memory_space<vmem_shared>>
      %dma_wait3A_328 = arith.constant 0 : i32
      %dma_wait3A_329 = tpu.memref_slice %arg26[%add3A_21, %dma_wait3A_328] : memref<10008x64xf32, #tpu.memory_space<vmem_shared>> -> memref<104x64xf32, #tpu.memory_space<vmem_shared>>
      tpu.wait_dma2 semaphore(%run_scoped3A : memref<!tpu.dma_semaphore, #tpu.memory_space<semaphore_mem>>) src(%arg24 : memref<104x64xf32, #tpu.memory_space<vmem>>) dst(%dma_wait3A_329 : memref<104x64xf32, #tpu.memory_space<vmem_shared>>)
      tpu.yield
    }) : () -> ()
    %mul3A_22 = arith.constant 624 : i32
    %mul3A_23 = arith.muli %arg1, %mul3A_22 : i32
    %add3A_24 = arith.constant 208 : i32
    %add3A_25 = arith.addi %mul3A_23, %add3A_24 : i32
    "tpu.region"() ({
      %run_scoped3A = tpu.sem_alloc : memref<!tpu.dma_semaphore, #tpu.memory_space<semaphore_mem>>
      %dma_start3A_322 = arith.constant 0 : i32
      %dma_start3A_323 = tpu.memref_slice %arg25[%add3A_25, %dma_start3A_322] : memref<10008x64xf32, #tpu.memory_space<vmem_shared>> -> memref<104x64xf32, #tpu.memory_space<vmem_shared>>
      %dma_start3A_324 = arith.constant 0 : i32
      %dma_start3A_325 = tpu.memref_slice %arg25[%add3A_25, %dma_start3A_324] : memref<10008x64xf32, #tpu.memory_space<vmem_shared>> -> memref<104x64xf32, #tpu.memory_space<vmem_shared>>
      tpu.enqueue_dma source(%arg24 : memref<104x64xf32, #tpu.memory_space<vmem>>) target(%dma_start3A_325 : memref<104x64xf32, #tpu.memory_space<vmem_shared>>) target_semaphore(%run_scoped3A : memref<!tpu.dma_semaphore, #tpu.memory_space<semaphore_mem>>)
      %dma_wait3A_326 = arith.constant 0 : i32
      %dma_wait3A_327 = tpu.memref_slice %arg25[%add3A_25, %dma_wait3A_326] : memref<10008x64xf32, #tpu.memory_space<vmem_shared>> -> memref<104x64xf32, #tpu.memory_space<vmem_shared>>
      %dma_wait3A_328 = arith.constant 0 : i32
      %dma_wait3A_329 = tpu.memref_slice %arg25[%add3A_25, %dma_wait3A_328] : memref<10008x64xf32, #tpu.memory_space<vmem_shared>> -> memref<104x64xf32, #tpu.memory_space<vmem_shared>>
      tpu.wait_dma2 semaphore(%run_scoped3A : memref<!tpu.dma_semaphore, #tpu.memory_space<semaphore_mem>>) src(%arg24 : memref<104x64xf32, #tpu.memory_space<vmem>>) dst(%dma_wait3A_329 : memref<104x64xf32, #tpu.memory_space<vmem_shared>>)
      tpu.yield
    }) : () -> ()
    %mul3A_26 = arith.constant 624 : i32
    %mul3A_27 = arith.muli %arg1, %mul3A_26 : i32
    %add3A_28 = arith.constant 208 : i32
    %add3A_29 = arith.addi %mul3A_27, %add3A_28 : i32
    "tpu.region"() ({
      %run_scoped3A = tpu.sem_alloc : memref<!tpu.dma_semaphore, #tpu.memory_space<semaphore_mem>>
      %dma_start3A_322 = arith.constant 0 : i32
      %dma_start3A_323 = tpu.memref_slice %arg26[%add3A_29, %dma_start3A_322] : memref<10008x64xf32, #tpu.memory_space<vmem_shared>> -> memref<104x64xf32, #tpu.memory_space<vmem_shared>>
      %dma_start3A_324 = arith.constant 0 : i32
      %dma_start3A_325 = tpu.memref_slice %arg26[%add3A_29, %dma_start3A_324] : memref<10008x64xf32, #tpu.memory_space<vmem_shared>> -> memref<104x64xf32, #tpu.memory_space<vmem_shared>>
      tpu.enqueue_dma source(%arg24 : memref<104x64xf32, #tpu.memory_space<vmem>>) target(%dma_start3A_325 : memref<104x64xf32, #tpu.memory_space<vmem_shared>>) target_semaphore(%run_scoped3A : memref<!tpu.dma_semaphore, #tpu.memory_space<semaphore_mem>>)
      %dma_wait3A_326 = arith.constant 0 : i32
      %dma_wait3A_327 = tpu.memref_slice %arg26[%add3A_29, %dma_wait3A_326] : memref<10008x64xf32, #tpu.memory_space<vmem_shared>> -> memref<104x64xf32, #tpu.memory_space<vmem_shared>>
      %dma_wait3A_328 = arith.constant 0 : i32
      %dma_wait3A_329 = tpu.memref_slice %arg26[%add3A_29, %dma_wait3A_328] : memref<10008x64xf32, #tpu.memory_space<vmem_shared>> -> memref<104x64xf32, #tpu.memory_space<vmem_shared>>
      tpu.wait_dma2 semaphore(%run_scoped3A : memref<!tpu.dma_semaphore, #tpu.memory_space<semaphore_mem>>) src(%arg24 : memref<104x64xf32, #tpu.memory_space<vmem>>) dst(%dma_wait3A_329 : memref<104x64xf32, #tpu.memory_space<vmem_shared>>)
      tpu.yield
    }) : () -> ()
    %mul3A_30 = arith.constant 624 : i32
    %mul3A_31 = arith.muli %arg1, %mul3A_30 : i32
    %add3A_32 = arith.constant 312 : i32
    %add3A_33 = arith.addi %mul3A_31, %add3A_32 : i32
    "tpu.region"() ({
      %run_scoped3A = tpu.sem_alloc : memref<!tpu.dma_semaphore, #tpu.memory_space<semaphore_mem>>
      %dma_start3A_322 = arith.constant 0 : i32
      %dma_start3A_323 = tpu.memref_slice %arg25[%add3A_33, %dma_start3A_322] : memref<10008x64xf32, #tpu.memory_space<vmem_shared>> -> memref<104x64xf32, #tpu.memory_space<vmem_shared>>
      %dma_start3A_324 = arith.constant 0 : i32
      %dma_start3A_325 = tpu.memref_slice %arg25[%add3A_33, %dma_start3A_324] : memref<10008x64xf32, #tpu.memory_space<vmem_shared>> -> memref<104x64xf32, #tpu.memory_space<vmem_shared>>
      tpu.enqueue_dma source(%arg24 : memref<104x64xf32, #tpu.memory_space<vmem>>) target(%dma_start3A_325 : memref<104x64xf32, #tpu.memory_space<vmem_shared>>) target_semaphore(%run_scoped3A : memref<!tpu.dma_semaphore, #tpu.memory_space<semaphore_mem>>)
      %dma_wait3A_326 = arith.constant 0 : i32
      %dma_wait3A_327 = tpu.memref_slice %arg25[%add3A_33, %dma_wait3A_326] : memref<10008x64xf32, #tpu.memory_space<vmem_shared>> -> memref<104x64xf32, #tpu.memory_space<vmem_shared>>
      %dma_wait3A_328 = arith.constant 0 : i32
      %dma_wait3A_329 = tpu.memref_slice %arg25[%add3A_33, %dma_wait3A_328] : memref<10008x64xf32, #tpu.memory_space<vmem_shared>> -> memref<104x64xf32, #tpu.memory_space<vmem_shared>>
      tpu.wait_dma2 semaphore(%run_scoped3A : memref<!tpu.dma_semaphore, #tpu.memory_space<semaphore_mem>>) src(%arg24 : memref<104x64xf32, #tpu.memory_space<vmem>>) dst(%dma_wait3A_329 : memref<104x64xf32, #tpu.memory_space<vmem_shared>>)
      tpu.yield
    }) : () -> ()
    %mul3A_34 = arith.constant 624 : i32
    %mul3A_35 = arith.muli %arg1, %mul3A_34 : i32
    %add3A_36 = arith.constant 312 : i32
    %add3A_37 = arith.addi %mul3A_35, %add3A_36 : i32
    "tpu.region"() ({
      %run_scoped3A = tpu.sem_alloc : memref<!tpu.dma_semaphore, #tpu.memory_space<semaphore_mem>>
      %dma_start3A_322 = arith.constant 0 : i32
      %dma_start3A_323 = tpu.memref_slice %arg26[%add3A_37, %dma_start3A_322] : memref<10008x64xf32, #tpu.memory_space<vmem_shared>> -> memref<104x64xf32, #tpu.memory_space<vmem_shared>>
      %dma_start3A_324 = arith.constant 0 : i32
      %dma_start3A_325 = tpu.memref_slice %arg26[%add3A_37, %dma_start3A_324] : memref<10008x64xf32, #tpu.memory_space<vmem_shared>> -> memref<104x64xf32, #tpu.memory_space<vmem_shared>>
      tpu.enqueue_dma source(%arg24 : memref<104x64xf32, #tpu.memory_space<vmem>>) target(%dma_start3A_325 : memref<104x64xf32, #tpu.memory_space<vmem_shared>>) target_semaphore(%run_scoped3A : memref<!tpu.dma_semaphore, #tpu.memory_space<semaphore_mem>>)
      %dma_wait3A_326 = arith.constant 0 : i32
      %dma_wait3A_327 = tpu.memref_slice %arg26[%add3A_37, %dma_wait3A_326] : memref<10008x64xf32, #tpu.memory_space<vmem_shared>> -> memref<104x64xf32, #tpu.memory_space<vmem_shared>>
      %dma_wait3A_328 = arith.constant 0 : i32
      %dma_wait3A_329 = tpu.memref_slice %arg26[%add3A_37, %dma_wait3A_328] : memref<10008x64xf32, #tpu.memory_space<vmem_shared>> -> memref<104x64xf32, #tpu.memory_space<vmem_shared>>
      tpu.wait_dma2 semaphore(%run_scoped3A : memref<!tpu.dma_semaphore, #tpu.memory_space<semaphore_mem>>) src(%arg24 : memref<104x64xf32, #tpu.memory_space<vmem>>) dst(%dma_wait3A_329 : memref<104x64xf32, #tpu.memory_space<vmem_shared>>)
      tpu.yield
    }) : () -> ()
    %mul3A_38 = arith.constant 624 : i32
    %mul3A_39 = arith.muli %arg1, %mul3A_38 : i32
    %add3A_40 = arith.constant 416 : i32
    %add3A_41 = arith.addi %mul3A_39, %add3A_40 : i32
    "tpu.region"() ({
      %run_scoped3A = tpu.sem_alloc : memref<!tpu.dma_semaphore, #tpu.memory_space<semaphore_mem>>
      %dma_start3A_322 = arith.constant 0 : i32
      %dma_start3A_323 = tpu.memref_slice %arg25[%add3A_41, %dma_start3A_322] : memref<10008x64xf32, #tpu.memory_space<vmem_shared>> -> memref<104x64xf32, #tpu.memory_space<vmem_shared>>
      %dma_start3A_324 = arith.constant 0 : i32
      %dma_start3A_325 = tpu.memref_slice %arg25[%add3A_41, %dma_start3A_324] : memref<10008x64xf32, #tpu.memory_space<vmem_shared>> -> memref<104x64xf32, #tpu.memory_space<vmem_shared>>
      tpu.enqueue_dma source(%arg24 : memref<104x64xf32, #tpu.memory_space<vmem>>) target(%dma_start3A_325 : memref<104x64xf32, #tpu.memory_space<vmem_shared>>) target_semaphore(%run_scoped3A : memref<!tpu.dma_semaphore, #tpu.memory_space<semaphore_mem>>)
      %dma_wait3A_326 = arith.constant 0 : i32
      %dma_wait3A_327 = tpu.memref_slice %arg25[%add3A_41, %dma_wait3A_326] : memref<10008x64xf32, #tpu.memory_space<vmem_shared>> -> memref<104x64xf32, #tpu.memory_space<vmem_shared>>
      %dma_wait3A_328 = arith.constant 0 : i32
      %dma_wait3A_329 = tpu.memref_slice %arg25[%add3A_41, %dma_wait3A_328] : memref<10008x64xf32, #tpu.memory_space<vmem_shared>> -> memref<104x64xf32, #tpu.memory_space<vmem_shared>>
      tpu.wait_dma2 semaphore(%run_scoped3A : memref<!tpu.dma_semaphore, #tpu.memory_space<semaphore_mem>>) src(%arg24 : memref<104x64xf32, #tpu.memory_space<vmem>>) dst(%dma_wait3A_329 : memref<104x64xf32, #tpu.memory_space<vmem_shared>>)
      tpu.yield
    }) : () -> ()
    %mul3A_42 = arith.constant 624 : i32
    %mul3A_43 = arith.muli %arg1, %mul3A_42 : i32
    %add3A_44 = arith.constant 416 : i32
    %add3A_45 = arith.addi %mul3A_43, %add3A_44 : i32
    "tpu.region"() ({
      %run_scoped3A = tpu.sem_alloc : memref<!tpu.dma_semaphore, #tpu.memory_space<semaphore_mem>>
      %dma_start3A_322 = arith.constant 0 : i32
      %dma_start3A_323 = tpu.memref_slice %arg26[%add3A_45, %dma_start3A_322] : memref<10008x64xf32, #tpu.memory_space<vmem_shared>> -> memref<104x64xf32, #tpu.memory_space<vmem_shared>>
      %dma_start3A_324 = arith.constant 0 : i32
      %dma_start3A_325 = tpu.memref_slice %arg26[%add3A_45, %dma_start3A_324] : memref<10008x64xf32, #tpu.memory_space<vmem_shared>> -> memref<104x64xf32, #tpu.memory_space<vmem_shared>>
      tpu.enqueue_dma source(%arg24 : memref<104x64xf32, #tpu.memory_space<vmem>>) target(%dma_start3A_325 : memref<104x64xf32, #tpu.memory_space<vmem_shared>>) target_semaphore(%run_scoped3A : memref<!tpu.dma_semaphore, #tpu.memory_space<semaphore_mem>>)
      %dma_wait3A_326 = arith.constant 0 : i32
      %dma_wait3A_327 = tpu.memref_slice %arg26[%add3A_45, %dma_wait3A_326] : memref<10008x64xf32, #tpu.memory_space<vmem_shared>> -> memref<104x64xf32, #tpu.memory_space<vmem_shared>>
      %dma_wait3A_328 = arith.constant 0 : i32
      %dma_wait3A_329 = tpu.memref_slice %arg26[%add3A_45, %dma_wait3A_328] : memref<10008x64xf32, #tpu.memory_space<vmem_shared>> -> memref<104x64xf32, #tpu.memory_space<vmem_shared>>
      tpu.wait_dma2 semaphore(%run_scoped3A : memref<!tpu.dma_semaphore, #tpu.memory_space<semaphore_mem>>) src(%arg24 : memref<104x64xf32, #tpu.memory_space<vmem>>) dst(%dma_wait3A_329 : memref<104x64xf32, #tpu.memory_space<vmem_shared>>)
      tpu.yield
    }) : () -> ()
    %mul3A_46 = arith.constant 624 : i32
    %mul3A_47 = arith.muli %arg1, %mul3A_46 : i32
    %add3A_48 = arith.constant 520 : i32
    %add3A_49 = arith.addi %mul3A_47, %add3A_48 : i32
    "tpu.region"() ({
      %run_scoped3A = tpu.sem_alloc : memref<!tpu.dma_semaphore, #tpu.memory_space<semaphore_mem>>
      %dma_start3A_322 = arith.constant 0 : i32
      %dma_start3A_323 = tpu.memref_slice %arg25[%add3A_49, %dma_start3A_322] : memref<10008x64xf32, #tpu.memory_space<vmem_shared>> -> memref<104x64xf32, #tpu.memory_space<vmem_shared>>
      %dma_start3A_324 = arith.constant 0 : i32
      %dma_start3A_325 = tpu.memref_slice %arg25[%add3A_49, %dma_start3A_324] : memref<10008x64xf32, #tpu.memory_space<vmem_shared>> -> memref<104x64xf32, #tpu.memory_space<vmem_shared>>
      tpu.enqueue_dma source(%arg24 : memref<104x64xf32, #tpu.memory_space<vmem>>) target(%dma_start3A_325 : memref<104x64xf32, #tpu.memory_space<vmem_shared>>) target_semaphore(%run_scoped3A : memref<!tpu.dma_semaphore, #tpu.memory_space<semaphore_mem>>)
      %dma_wait3A_326 = arith.constant 0 : i32
      %dma_wait3A_327 = tpu.memref_slice %arg25[%add3A_49, %dma_wait3A_326] : memref<10008x64xf32, #tpu.memory_space<vmem_shared>> -> memref<104x64xf32, #tpu.memory_space<vmem_shared>>
      %dma_wait3A_328 = arith.constant 0 : i32
      %dma_wait3A_329 = tpu.memref_slice %arg25[%add3A_49, %dma_wait3A_328] : memref<10008x64xf32, #tpu.memory_space<vmem_shared>> -> memref<104x64xf32, #tpu.memory_space<vmem_shared>>
      tpu.wait_dma2 semaphore(%run_scoped3A : memref<!tpu.dma_semaphore, #tpu.memory_space<semaphore_mem>>) src(%arg24 : memref<104x64xf32, #tpu.memory_space<vmem>>) dst(%dma_wait3A_329 : memref<104x64xf32, #tpu.memory_space<vmem_shared>>)
      tpu.yield
    }) : () -> ()
    %mul3A_50 = arith.constant 624 : i32
    %mul3A_51 = arith.muli %arg1, %mul3A_50 : i32
    %add3A_52 = arith.constant 520 : i32
    %add3A_53 = arith.addi %mul3A_51, %add3A_52 : i32
    "tpu.region"() ({
      %run_scoped3A = tpu.sem_alloc : memref<!tpu.dma_semaphore, #tpu.memory_space<semaphore_mem>>
      %dma_start3A_322 = arith.constant 0 : i32
      %dma_start3A_323 = tpu.memref_slice %arg26[%add3A_53, %dma_start3A_322] : memref<10008x64xf32, #tpu.memory_space<vmem_shared>> -> memref<104x64xf32, #tpu.memory_space<vmem_shared>>
      %dma_start3A_324 = arith.constant 0 : i32
      %dma_start3A_325 = tpu.memref_slice %arg26[%add3A_53, %dma_start3A_324] : memref<10008x64xf32, #tpu.memory_space<vmem_shared>> -> memref<104x64xf32, #tpu.memory_space<vmem_shared>>
      tpu.enqueue_dma source(%arg24 : memref<104x64xf32, #tpu.memory_space<vmem>>) target(%dma_start3A_325 : memref<104x64xf32, #tpu.memory_space<vmem_shared>>) target_semaphore(%run_scoped3A : memref<!tpu.dma_semaphore, #tpu.memory_space<semaphore_mem>>)
      %dma_wait3A_326 = arith.constant 0 : i32
      %dma_wait3A_327 = tpu.memref_slice %arg26[%add3A_53, %dma_wait3A_326] : memref<10008x64xf32, #tpu.memory_space<vmem_shared>> -> memref<104x64xf32, #tpu.memory_space<vmem_shared>>
      %dma_wait3A_328 = arith.constant 0 : i32
      %dma_wait3A_329 = tpu.memref_slice %arg26[%add3A_53, %dma_wait3A_328] : memref<10008x64xf32, #tpu.memory_space<vmem_shared>> -> memref<104x64xf32, #tpu.memory_space<vmem_shared>>
      tpu.wait_dma2 semaphore(%run_scoped3A : memref<!tpu.dma_semaphore, #tpu.memory_space<semaphore_mem>>) src(%arg24 : memref<104x64xf32, #tpu.memory_space<vmem>>) dst(%dma_wait3A_329 : memref<104x64xf32, #tpu.memory_space<vmem_shared>>)
      tpu.yield
    }) : () -> ()
    %eq3A = arith.constant 15 : i32
    %eq3A_54 = arith.cmpi eq, %arg1, %eq3A : i32
    %convert_element_type3A = arith.extui %eq3A_54 : i1 to i32
    %cond3A = arith.constant 0 : i32
    %cond3A_55 = arith.cmpi ne, %convert_element_type3A, %cond3A : i32
    scf.if %cond3A_55 {
      "tpu.region"() ({
        %run_scoped3A = tpu.sem_alloc : memref<!tpu.dma_semaphore, #tpu.memory_space<semaphore_mem>>
        %dma_start3A_322 = arith.constant 0 : i32
        %dma_start3A_323 = arith.constant 0 : i32
        %dma_start3A_324 = tpu.memref_slice %arg24[%dma_start3A_322, %dma_start3A_323] : memref<104x64xf32, #tpu.memory_space<vmem>> -> memref<16x64xf32, #tpu.memory_space<vmem>>
        %dma_start3A_325 = arith.constant 9984 : i32
        %dma_start3A_326 = arith.constant 0 : i32
        %dma_start3A_327 = tpu.memref_slice %arg25[%dma_start3A_325, %dma_start3A_326] : memref<10008x64xf32, #tpu.memory_space<vmem_shared>> -> memref<16x64xf32, #tpu.memory_space<vmem_shared>>
        %dma_start3A_328 = arith.constant 9984 : i32
        %dma_start3A_329 = arith.constant 0 : i32
        %dma_start3A_330 = tpu.memref_slice %arg25[%dma_start3A_328, %dma_start3A_329] : memref<10008x64xf32, #tpu.memory_space<vmem_shared>> -> memref<16x64xf32, #tpu.memory_space<vmem_shared>>
        %dma_start3A_331 = arith.constant 0 : i32
        %dma_start3A_332 = arith.constant 0 : i32
        %dma_start3A_333 = tpu.memref_slice %arg24[%dma_start3A_331, %dma_start3A_332] : memref<104x64xf32, #tpu.memory_space<vmem>> -> memref<16x64xf32, #tpu.memory_space<vmem>>
        tpu.enqueue_dma source(%dma_start3A_333 : memref<16x64xf32, #tpu.memory_space<vmem>>) target(%dma_start3A_330 : memref<16x64xf32, #tpu.memory_space<vmem_shared>>) target_semaphore(%run_scoped3A : memref<!tpu.dma_semaphore, #tpu.memory_space<semaphore_mem>>)
        %dma_wait3A_334 = arith.constant 0 : i32
        %dma_wait3A_335 = arith.constant 0 : i32
        %dma_wait3A_336 = tpu.memref_slice %arg24[%dma_wait3A_334, %dma_wait3A_335] : memref<104x64xf32, #tpu.memory_space<vmem>> -> memref<16x64xf32, #tpu.memory_space<vmem>>
        %dma_wait3A_337 = arith.constant 9984 : i32
        %dma_wait3A_338 = arith.constant 0 : i32
        %dma_wait3A_339 = tpu.memref_slice %arg25[%dma_wait3A_337, %dma_wait3A_338] : memref<10008x64xf32, #tpu.memory_space<vmem_shared>> -> memref<16x64xf32, #tpu.memory_space<vmem_shared>>
        %dma_wait3A_340 = arith.constant 9984 : i32
        %dma_wait3A_341 = arith.constant 0 : i32
        %dma_wait3A_342 = tpu.memref_slice %arg25[%dma_wait3A_340, %dma_wait3A_341] : memref<10008x64xf32, #tpu.memory_space<vmem_shared>> -> memref<16x64xf32, #tpu.memory_space<vmem_shared>>
        %dma_wait3A_343 = arith.constant 0 : i32
        %dma_wait3A_344 = arith.constant 0 : i32
        %dma_wait3A_345 = tpu.memref_slice %arg24[%dma_wait3A_343, %dma_wait3A_344] : memref<104x64xf32, #tpu.memory_space<vmem>> -> memref<16x64xf32, #tpu.memory_space<vmem>>
        tpu.wait_dma2 semaphore(%run_scoped3A : memref<!tpu.dma_semaphore, #tpu.memory_space<semaphore_mem>>) src(%dma_wait3A_345 : memref<16x64xf32, #tpu.memory_space<vmem>>) dst(%dma_wait3A_342 : memref<16x64xf32, #tpu.memory_space<vmem_shared>>)
        tpu.yield
      }) : () -> ()
      "tpu.region"() ({
        %run_scoped3A = tpu.sem_alloc : memref<!tpu.dma_semaphore, #tpu.memory_space<semaphore_mem>>
        %dma_start3A_322 = arith.constant 0 : i32
        %dma_start3A_323 = arith.constant 0 : i32
        %dma_start3A_324 = tpu.memref_slice %arg24[%dma_start3A_322, %dma_start3A_323] : memref<104x64xf32, #tpu.memory_space<vmem>> -> memref<16x64xf32, #tpu.memory_space<vmem>>
        %dma_start3A_325 = arith.constant 9984 : i32
        %dma_start3A_326 = arith.constant 0 : i32
        %dma_start3A_327 = tpu.memref_slice %arg26[%dma_start3A_325, %dma_start3A_326] : memref<10008x64xf32, #tpu.memory_space<vmem_shared>> -> memref<16x64xf32, #tpu.memory_space<vmem_shared>>
        %dma_start3A_328 = arith.constant 9984 : i32
        %dma_start3A_329 = arith.constant 0 : i32
        %dma_start3A_330 = tpu.memref_slice %arg26[%dma_start3A_328, %dma_start3A_329] : memref<10008x64xf32, #tpu.memory_space<vmem_shared>> -> memref<16x64xf32, #tpu.memory_space<vmem_shared>>
        %dma_start3A_331 = arith.constant 0 : i32
        %dma_start3A_332 = arith.constant 0 : i32
        %dma_start3A_333 = tpu.memref_slice %arg24[%dma_start3A_331, %dma_start3A_332] : memref<104x64xf32, #tpu.memory_space<vmem>> -> memref<16x64xf32, #tpu.memory_space<vmem>>
        tpu.enqueue_dma source(%dma_start3A_333 : memref<16x64xf32, #tpu.memory_space<vmem>>) target(%dma_start3A_330 : memref<16x64xf32, #tpu.memory_space<vmem_shared>>) target_semaphore(%run_scoped3A : memref<!tpu.dma_semaphore, #tpu.memory_space<semaphore_mem>>)
        %dma_wait3A_334 = arith.constant 0 : i32
        %dma_wait3A_335 = arith.constant 0 : i32
        %dma_wait3A_336 = tpu.memref_slice %arg24[%dma_wait3A_334, %dma_wait3A_335] : memref<104x64xf32, #tpu.memory_space<vmem>> -> memref<16x64xf32, #tpu.memory_space<vmem>>
        %dma_wait3A_337 = arith.constant 9984 : i32
        %dma_wait3A_338 = arith.constant 0 : i32
        %dma_wait3A_339 = tpu.memref_slice %arg26[%dma_wait3A_337, %dma_wait3A_338] : memref<10008x64xf32, #tpu.memory_space<vmem_shared>> -> memref<16x64xf32, #tpu.memory_space<vmem_shared>>
        %dma_wait3A_340 = arith.constant 9984 : i32
        %dma_wait3A_341 = arith.constant 0 : i32
        %dma_wait3A_342 = tpu.memref_slice %arg26[%dma_wait3A_340, %dma_wait3A_341] : memref<10008x64xf32, #tpu.memory_space<vmem_shared>> -> memref<16x64xf32, #tpu.memory_space<vmem_shared>>
        %dma_wait3A_343 = arith.constant 0 : i32
        %dma_wait3A_344 = arith.constant 0 : i32
        %dma_wait3A_345 = tpu.memref_slice %arg24[%dma_wait3A_343, %dma_wait3A_344] : memref<104x64xf32, #tpu.memory_space<vmem>> -> memref<16x64xf32, #tpu.memory_space<vmem>>
        tpu.wait_dma2 semaphore(%run_scoped3A : memref<!tpu.dma_semaphore, #tpu.memory_space<semaphore_mem>>) src(%dma_wait3A_345 : memref<16x64xf32, #tpu.memory_space<vmem>>) dst(%dma_wait3A_342 : memref<16x64xf32, #tpu.memory_space<vmem_shared>>)
        tpu.yield
      }) : () -> ()
    } else {
    }
    %barrier3A = arith.constant 0 : index
    tpu.barrier barrier_id(%barrier3A)
    %add3A_56 = arith.constant 0 : i32
    %add3A_57 = arith.addi %add3A_56, %arg1 : i32
    %min3A = arith.constant 3999 : i32
    %min3A_58 = arith.minsi %add3A_57, %min3A : i32
    %mul3A_59 = arith.constant 2 : i32
    %mul3A_60 = arith.muli %mul3A_59, %min3A_58 : i32
    %dma_start3A = arith.constant 0 : i32
    %dma_start3A_61 = tpu.memref_slice %arg2[%mul3A_60, %dma_start3A] : memref<8000x80xi32, #tpu.memory_space<hbm>> -> memref<2x80xi32, #tpu.memory_space<hbm>>
    %dma_start3A_62 = arith.constant 0 : i32
    %dma_start3A_63 = tpu.memref_slice %arg2[%mul3A_60, %dma_start3A_62] : memref<8000x80xi32, #tpu.memory_space<hbm>> -> memref<2x80xi32, #tpu.memory_space<hbm>>
    tpu.enqueue_dma source(%dma_start3A_63 : memref<2x80xi32, #tpu.memory_space<hbm>>) target(%arg11 : memref<2x80xi32, #tpu.memory_space<vmem>>) target_semaphore(%arg27 : memref<!tpu.dma_semaphore, #tpu.memory_space<semaphore_mem>>)
    %dma_wait3A = arith.constant 0 : i32
    %dma_wait3A_64 = arith.constant 0 : i32
    %dma_wait3A_65 = tpu.memref_slice %arg2[%dma_wait3A, %dma_wait3A_64] : memref<8000x80xi32, #tpu.memory_space<hbm>> -> memref<2x80xi32, #tpu.memory_space<hbm>>
    %dma_wait3A_66 = arith.constant 0 : i32
    %dma_wait3A_67 = arith.constant 0 : i32
    %dma_wait3A_68 = tpu.memref_slice %arg2[%dma_wait3A_66, %dma_wait3A_67] : memref<8000x80xi32, #tpu.memory_space<hbm>> -> memref<2x80xi32, #tpu.memory_space<hbm>>
    tpu.wait_dma2 semaphore(%arg27 : memref<!tpu.dma_semaphore, #tpu.memory_space<semaphore_mem>>) src(%dma_wait3A_68 : memref<2x80xi32, #tpu.memory_space<hbm>>) dst(%arg11 : memref<2x80xi32, #tpu.memory_space<vmem>>)
    %add3A_69 = arith.constant 0 : i32
    %add3A_70 = arith.addi %add3A_69, %arg1 : i32
    %lt3A = arith.constant 4000 : i32
    %lt3A_71 = arith.cmpi slt, %add3A_70, %lt3A : i32
    %scan3A_72 = arith.constant 0 : i32
    %scan3A_73 = arith.constant 0 : i32
    %scan3A_74 = arith.constant 5 : i32
    %scan3A_75 = arith.addi %scan3A_73, %scan3A_74 : i32
    %scan3A_76 = arith.constant 1 : i32
    %scan3A_77 = scf.for %scan3A_322 = %scan3A_73 to %scan3A_75 step %scan3A_76 iter_args(%scan3A_323 = %scan3A_72) -> (i32)  : i32 {
      %mul3A_324 = arith.constant 16 : i32
      %mul3A_325 = arith.muli %scan3A_322, %mul3A_324 : i32
      %get3A = arith.constant 0 : i32
      %get3A_326 = arith.index_cast %get3A : i32 to index
      %get3A_327 = arith.index_cast %mul3A_325 : i32 to index
      %get3A_328 = tpu.vector_load %arg11[%get3A_326, %get3A_327] {strides = array<i32>} : memref<2x80xi32, #tpu.memory_space<vmem>>, vector<1x16xi32>,
      %get3A_329 = vector.shape_cast %get3A_328 : vector<1x16xi32> to vector<16xi32>
      %get3A_330 = arith.constant 1 : i32
      %get3A_331 = arith.index_cast %get3A_330 : i32 to index
      %get3A_332 = arith.index_cast %mul3A_325 : i32 to index
      %get3A_333 = tpu.vector_load %arg11[%get3A_331, %get3A_332] {strides = array<i32>} : memref<2x80xi32, #tpu.memory_space<vmem>>, vector<1x16xi32>,
      %get3A_334 = vector.shape_cast %get3A_333 : vector<1x16xi32> to vector<16xi32>
      %add3A_335 = vector.broadcast %mul3A_0 : i32 to vector<16xi32>
      %add3A_336 = arith.addi %get3A_329, %add3A_335 : vector<16xi32>
      %swap3A_337 = arith.constant 0 : i32
      %swap3A_338 = arith.index_cast %swap3A_337 : i32 to index
      %swap3A_339 = arith.index_cast %mul3A_325 : i32 to index
      %swap3A_340 = tpu.vector_load %arg13[%swap3A_338, %swap3A_339] {strides = array<i32>} : memref<3x80xi32, #tpu.memory_space<vmem>>, vector<1x16xi32>,
      %swap3A_341 = vector.shape_cast %swap3A_340 : vector<1x16xi32> to vector<16xi32>
      %swap3A_342 = vector.shape_cast %add3A_336 : vector<16xi32> to vector<1x16xi32>
      tpu.vector_store %arg13[%swap3A_338, %swap3A_339], %swap3A_342 {strides = array<i32>} : memref<3x80xi32, #tpu.memory_space<vmem>>, vector<1x16xi32>,
      %add3A_343 = vector.broadcast %mul3A_0 : i32 to vector<16xi32>
      %add3A_344 = arith.addi %get3A_334, %add3A_343 : vector<16xi32>
      %swap3A_345 = arith.constant 1 : i32
      %swap3A_346 = arith.index_cast %swap3A_345 : i32 to index
      %swap3A_347 = arith.index_cast %mul3A_325 : i32 to index
      %swap3A_348 = tpu.vector_load %arg13[%swap3A_346, %swap3A_347] {strides = array<i32>} : memref<3x80xi32, #tpu.memory_space<vmem>>, vector<1x16xi32>,
      %swap3A_349 = vector.shape_cast %swap3A_348 : vector<1x16xi32> to vector<16xi32>
      %swap3A_350 = vector.shape_cast %add3A_344 : vector<16xi32> to vector<1x16xi32>
      tpu.vector_store %arg13[%swap3A_346, %swap3A_347], %swap3A_350 {strides = array<i32>} : memref<3x80xi32, #tpu.memory_space<vmem>>, vector<1x16xi32>,
      %broadcast_in_dim3A_351 = arith.constant 10000 : i32
      %broadcast_in_dim3A_352 = vector.broadcast %broadcast_in_dim3A_351 : i32 to vector<16xi32>
      %select_n3A_353 = arith.select %lt3A_71, %get3A_334, %broadcast_in_dim3A_352 : vector<16xi32>
      %swap3A_354 = arith.constant 2 : i32
      %swap3A_355 = arith.index_cast %swap3A_354 : i32 to index
      %swap3A_356 = arith.index_cast %mul3A_325 : i32 to index
      %swap3A_357 = tpu.vector_load %arg13[%swap3A_355, %swap3A_356] {strides = array<i32>} : memref<3x80xi32, #tpu.memory_space<vmem>>, vector<1x16xi32>,
      %swap3A_358 = vector.shape_cast %swap3A_357 : vector<1x16xi32> to vector<16xi32>
      %swap3A_359 = vector.shape_cast %select_n3A_353 : vector<16xi32> to vector<1x16xi32>
      tpu.vector_store %arg13[%swap3A_355, %swap3A_356], %swap3A_359 {strides = array<i32>} : memref<3x80xi32, #tpu.memory_space<vmem>>, vector<1x16xi32>,
      %scan3A_360 = arith.constant 0 : i32
      scf.yield %scan3A_360 : i32
    }
    %scan3A_78 = arith.constant 5 : i32
    %add3A_79 = arith.constant 0 : i32
    %add3A_80 = arith.addi %add3A_79, %arg1 : i32
    %min3A_81 = arith.constant 3999 : i32
    %min3A_82 = arith.minsi %add3A_80, %min3A_81 : i32
    %dma_start3A_83 = arith.constant 0 : i32
    %dma_start3A_84 = arith.constant 0 : i32
    %dma_start3A_85 = tpu.memref_slice %arg13[%dma_start3A_83, %dma_start3A_84] : memref<3x80xi32, #tpu.memory_space<vmem>> -> memref<1x80xi32, #tpu.memory_space<vmem>>
    %dma_start3A_86 = tpu.memref_squeeze %dma_start3A_85 : memref<1x80xi32, #tpu.memory_space<vmem>> -> memref<80xi32, #tpu.memory_space<vmem>>
    %dma_start3A_87 = arith.constant 0 : i32
    %dma_start3A_88 = arith.constant 0 : i32
    %dma_start3A_89 = tpu.memref_slice %arg3[%dma_start3A_87, %dma_start3A_88] : memref<20000x64xf32, #tpu.memory_space<hbm>> -> memref<20000x64xf32, #tpu.memory_space<hbm>>
    tpu.enqueue_indirect_dma source(%dma_start3A_89 : memref<20000x64xf32, #tpu.memory_space<hbm>>) target(%arg15 : memref<80x64xf32, #tpu.memory_space<vmem>>) offsets(%dma_start3A_86 : memref<80xi32, #tpu.memory_space<vmem>>) semaphore(%arg29 : memref<!tpu.dma_semaphore, #tpu.memory_space<semaphore_mem>>)
    %dma_start3A_90 = arith.constant 1 : i32
    %dma_start3A_91 = arith.constant 0 : i32
    %dma_start3A_92 = tpu.memref_slice %arg13[%dma_start3A_90, %dma_start3A_91] : memref<3x80xi32, #tpu.memory_space<vmem>> -> memref<1x80xi32, #tpu.memory_space<vmem>>
    %dma_start3A_93 = tpu.memref_squeeze %dma_start3A_92 : memref<1x80xi32, #tpu.memory_space<vmem>> -> memref<80xi32, #tpu.memory_space<vmem>>
    %dma_start3A_94 = arith.constant 0 : i32
    %dma_start3A_95 = arith.constant 0 : i32
    %dma_start3A_96 = tpu.memref_slice %arg4[%dma_start3A_94, %dma_start3A_95] : memref<20000x64xf32, #tpu.memory_space<hbm>> -> memref<20000x64xf32, #tpu.memory_space<hbm>>
    tpu.enqueue_indirect_dma source(%dma_start3A_96 : memref<20000x64xf32, #tpu.memory_space<hbm>>) target(%arg17 : memref<80x64xf32, #tpu.memory_space<vmem>>) offsets(%dma_start3A_93 : memref<80xi32, #tpu.memory_space<vmem>>) semaphore(%arg29 : memref<!tpu.dma_semaphore, #tpu.memory_space<semaphore_mem>>)
    %dma_start3A_97 = arith.constant 0 : i32
    %dma_start3A_98 = arith.constant 0 : i32
    %dma_start3A_99 = tpu.memref_slice %arg13[%dma_start3A_97, %dma_start3A_98] : memref<3x80xi32, #tpu.memory_space<vmem>> -> memref<1x80xi32, #tpu.memory_space<vmem>>
    %dma_start3A_100 = tpu.memref_squeeze %dma_start3A_99 : memref<1x80xi32, #tpu.memory_space<vmem>> -> memref<80xi32, #tpu.memory_space<vmem>>
    %dma_start3A_101 = arith.constant 0 : i32
    %dma_start3A_102 = arith.constant 0 : i32
    %dma_start3A_103 = tpu.memref_slice %arg5[%dma_start3A_101, %dma_start3A_102] : memref<20000x64xf32, #tpu.memory_space<hbm>> -> memref<20000x64xf32, #tpu.memory_space<hbm>>
    tpu.enqueue_indirect_dma source(%dma_start3A_103 : memref<20000x64xf32, #tpu.memory_space<hbm>>) target(%arg21 : memref<80x64xf32, #tpu.memory_space<vmem>>) offsets(%dma_start3A_100 : memref<80xi32, #tpu.memory_space<vmem>>) semaphore(%arg29 : memref<!tpu.dma_semaphore, #tpu.memory_space<semaphore_mem>>)
    %mul3A_104 = arith.constant 80 : i32
    %mul3A_105 = arith.muli %min3A_82, %mul3A_104 : i32
    %mul3A_106 = arith.constant 64 : i32
    %mul3A_107 = arith.muli %arg0, %mul3A_106 : i32
    %dma_start3A_108 = tpu.memref_slice %arg6[%mul3A_105, %mul3A_107] : memref<320000x128xf32, #tpu.memory_space<hbm>> -> memref<80x64xf32, #tpu.memory_space<hbm>>
    %dma_start3A_109 = tpu.memref_slice %arg6[%mul3A_105, %mul3A_107] : memref<320000x128xf32, #tpu.memory_space<hbm>> -> memref<80x64xf32, #tpu.memory_space<hbm>>
    tpu.enqueue_dma source(%dma_start3A_109 : memref<80x64xf32, #tpu.memory_space<hbm>>) target(%arg19 : memref<80x64xf32, #tpu.memory_space<vmem>>) target_semaphore(%arg29 : memref<!tpu.dma_semaphore, #tpu.memory_space<semaphore_mem>>)
    %broadcast_in_dim3A = arith.constant 0.000000e+00 : f32
    %broadcast_in_dim3A_110 = vector.broadcast %broadcast_in_dim3A : f32 to vector<16xf32>
    %scan3A_111 = arith.constant 0 : i32
    %scan3A_112 = arith.constant 125 : i32
    %scan3A_113 = arith.addi %scan3A_111, %scan3A_112 : i32
    %scan3A_114 = arith.constant 1 : i32
    %scan3A_115:8 = scf.for %scan3A_322 = %scan3A_111 to %scan3A_113 step %scan3A_114 iter_args(%scan3A_323 = %broadcast_in_dim3A_110, %scan3A_324 = %broadcast_in_dim3A_110, %scan3A_325 = %broadcast_in_dim3A_110, %scan3A_326 = %broadcast_in_dim3A_110, %scan3A_327 = %broadcast_in_dim3A_110, %scan3A_328 = %broadcast_in_dim3A_110, %scan3A_329 = %broadcast_in_dim3A_110, %scan3A_330 = %broadcast_in_dim3A_110) -> (vector<16xf32>, vector<16xf32>, vector<16xf32>, vector<16xf32>, vector<16xf32>, vector<16xf32>, vector<16xf32>, vector<16xf32>)  : i32 {
      %mul3A_331 = arith.constant 2 : i32
      %mul3A_332 = arith.muli %scan3A_322, %mul3A_331 : i32
      %gt3A = arith.constant 0 : i32
      %gt3A_333 = arith.cmpi sgt, %scan3A_322, %gt3A : i32
      %convert_element_type3A_334 = arith.extui %gt3A_333 : i1 to i32
      %cond3A_335 = arith.constant 0 : i32
      %cond3A_336 = arith.cmpi ne, %convert_element_type3A_334, %cond3A_335 : i32
      scf.if %cond3A_336 {
        %mul3A_673 = arith.constant 64 : i32
        %mul3A_674 = arith.muli %arg0, %mul3A_673 : i32
        %dma_wait3A_675 = arith.constant 0 : i32
        %dma_wait3A_676 = tpu.memref_slice %arg7[%dma_wait3A_675, %mul3A_674] : memref<320000x128xf32, #tpu.memory_space<hbm>> -> memref<80x64xf32, #tpu.memory_space<hbm>>
        %dma_wait3A_677 = arith.constant 0 : i32
        %dma_wait3A_678 = tpu.memref_slice %arg7[%dma_wait3A_677, %mul3A_674] : memref<320000x128xf32, #tpu.memory_space<hbm>> -> memref<80x64xf32, #tpu.memory_space<hbm>>
        tpu.wait_dma2 semaphore(%arg32 : memref<!tpu.dma_semaphore, #tpu.memory_space<semaphore_mem>>) src(%arg20 : memref<80x64xf32, #tpu.memory_space<vmem>>) dst(%dma_wait3A_678 : memref<80x64xf32, #tpu.memory_space<hbm>>)
        %dma_wait3A_679 = arith.constant 2 : i32
        %dma_wait3A_680 = arith.constant 0 : i32
        %dma_wait3A_681 = tpu.memref_slice %arg14[%dma_wait3A_679, %dma_wait3A_680] : memref<3x80xi32, #tpu.memory_space<vmem>> -> memref<1x80xi32, #tpu.memory_space<vmem>>
        %dma_wait3A_682 = tpu.memref_squeeze %dma_wait3A_681 : memref<1x80xi32, #tpu.memory_space<vmem>> -> memref<80xi32, #tpu.memory_space<vmem>>
        %dma_wait3A_683 = arith.constant 0 : i32
        %dma_wait3A_684 = arith.constant 0 : i32
        %dma_wait3A_685 = tpu.memref_slice %arg25[%dma_wait3A_683, %dma_wait3A_684] : memref<10008x64xf32, #tpu.memory_space<vmem_shared>> -> memref<10008x64xf32, #tpu.memory_space<vmem_shared>>
        tpu.wait_indirect_dma semaphore(%arg34 : memref<!tpu.dma_semaphore, #tpu.memory_space<semaphore_mem>>) src(%arg22 : memref<80x64xf32, #tpu.memory_space<vmem>>) dst(%dma_wait3A_685 : memref<10008x64xf32, #tpu.memory_space<vmem_shared>>)
        %dma_wait3A_686 = arith.constant 2 : i32
        %dma_wait3A_687 = arith.constant 0 : i32
        %dma_wait3A_688 = tpu.memref_slice %arg14[%dma_wait3A_686, %dma_wait3A_687] : memref<3x80xi32, #tpu.memory_space<vmem>> -> memref<1x80xi32, #tpu.memory_space<vmem>>
        %dma_wait3A_689 = tpu.memref_squeeze %dma_wait3A_688 : memref<1x80xi32, #tpu.memory_space<vmem>> -> memref<80xi32, #tpu.memory_space<vmem>>
        %dma_wait3A_690 = arith.constant 0 : i32
        %dma_wait3A_691 = arith.constant 0 : i32
        %dma_wait3A_692 = tpu.memref_slice %arg26[%dma_wait3A_690, %dma_wait3A_691] : memref<10008x64xf32, #tpu.memory_space<vmem_shared>> -> memref<10008x64xf32, #tpu.memory_space<vmem_shared>>
        tpu.wait_indirect_dma semaphore(%arg34 : memref<!tpu.dma_semaphore, #tpu.memory_space<semaphore_mem>>) src(%arg16 : memref<80x64xf32, #tpu.memory_space<vmem>>) dst(%dma_wait3A_692 : memref<10008x64xf32, #tpu.memory_space<vmem_shared>>)
      } else {
      }
      %add3A_337 = arith.constant 1 : i32
      %add3A_338 = arith.addi %mul3A_332, %add3A_337 : i32
      %mul3A_339 = arith.constant 16 : i32
      %mul3A_340 = arith.muli %add3A_338, %mul3A_339 : i32
      %add3A_341 = arith.addi %mul3A_340, %arg1 : i32
      %min3A_342 = arith.constant 3999 : i32
      %min3A_343 = arith.minsi %add3A_341, %min3A_342 : i32
      %mul3A_344 = arith.constant 2 : i32
      %mul3A_345 = arith.muli %mul3A_344, %min3A_343 : i32
      %dma_start3A_346 = arith.constant 0 : i32
      %dma_start3A_347 = tpu.memref_slice %arg2[%mul3A_345, %dma_start3A_346] : memref<8000x80xi32, #tpu.memory_space<hbm>> -> memref<2x80xi32, #tpu.memory_space<hbm>>
      %dma_start3A_348 = arith.constant 0 : i32
      %dma_start3A_349 = tpu.memref_slice %arg2[%mul3A_345, %dma_start3A_348] : memref<8000x80xi32, #tpu.memory_space<hbm>> -> memref<2x80xi32, #tpu.memory_space<hbm>>
      tpu.enqueue_dma source(%dma_start3A_349 : memref<2x80xi32, #tpu.memory_space<hbm>>) target(%arg12 : memref<2x80xi32, #tpu.memory_space<vmem>>) target_semaphore(%arg28 : memref<!tpu.dma_semaphore, #tpu.memory_space<semaphore_mem>>)
      %dma_wait3A_350 = arith.constant 0 : i32
      %dma_wait3A_351 = arith.constant 0 : i32
      %dma_wait3A_352 = tpu.memref_slice %arg13[%dma_wait3A_350, %dma_wait3A_351] : memref<3x80xi32, #tpu.memory_space<vmem>> -> memref<1x80xi32, #tpu.memory_space<vmem>>
      %dma_wait3A_353 = tpu.memref_squeeze %dma_wait3A_352 : memref<1x80xi32, #tpu.memory_space<vmem>> -> memref<80xi32, #tpu.memory_space<vmem>>
      %dma_wait3A_354 = arith.constant 0 : i32
      %dma_wait3A_355 = arith.constant 0 : i32
      %dma_wait3A_356 = tpu.memref_slice %arg3[%dma_wait3A_354, %dma_wait3A_355] : memref<20000x64xf32, #tpu.memory_space<hbm>> -> memref<20000x64xf32, #tpu.memory_space<hbm>>
      tpu.wait_indirect_dma semaphore(%arg29 : memref<!tpu.dma_semaphore, #tpu.memory_space<semaphore_mem>>) src(%dma_wait3A_356 : memref<20000x64xf32, #tpu.memory_space<hbm>>) dst(%arg15 : memref<80x64xf32, #tpu.memory_space<vmem>>)
      %dma_wait3A_357 = arith.constant 1 : i32
      %dma_wait3A_358 = arith.constant 0 : i32
      %dma_wait3A_359 = tpu.memref_slice %arg13[%dma_wait3A_357, %dma_wait3A_358] : memref<3x80xi32, #tpu.memory_space<vmem>> -> memref<1x80xi32, #tpu.memory_space<vmem>>
      %dma_wait3A_360 = tpu.memref_squeeze %dma_wait3A_359 : memref<1x80xi32, #tpu.memory_space<vmem>> -> memref<80xi32, #tpu.memory_space<vmem>>
      %dma_wait3A_361 = arith.constant 0 : i32
      %dma_wait3A_362 = arith.constant 0 : i32
      %dma_wait3A_363 = tpu.memref_slice %arg4[%dma_wait3A_361, %dma_wait3A_362] : memref<20000x64xf32, #tpu.memory_space<hbm>> -> memref<20000x64xf32, #tpu.memory_space<hbm>>
      tpu.wait_indirect_dma semaphore(%arg29 : memref<!tpu.dma_semaphore, #tpu.memory_space<semaphore_mem>>) src(%dma_wait3A_363 : memref<20000x64xf32, #tpu.memory_space<hbm>>) dst(%arg17 : memref<80x64xf32, #tpu.memory_space<vmem>>)
      %dma_wait3A_364 = arith.constant 0 : i32
      %dma_wait3A_365 = arith.constant 0 : i32
      %dma_wait3A_366 = tpu.memref_slice %arg13[%dma_wait3A_364, %dma_wait3A_365] : memref<3x80xi32, #tpu.memory_space<vmem>> -> memref<1x80xi32, #tpu.memory_space<vmem>>
      %dma_wait3A_367 = tpu.memref_squeeze %dma_wait3A_366 : memref<1x80xi32, #tpu.memory_space<vmem>> -> memref<80xi32, #tpu.memory_space<vmem>>
      %dma_wait3A_368 = arith.constant 0 : i32
      %dma_wait3A_369 = arith.constant 0 : i32
      %dma_wait3A_370 = tpu.memref_slice %arg5[%dma_wait3A_368, %dma_wait3A_369] : memref<20000x64xf32, #tpu.memory_space<hbm>> -> memref<20000x64xf32, #tpu.memory_space<hbm>>
      tpu.wait_indirect_dma semaphore(%arg29 : memref<!tpu.dma_semaphore, #tpu.memory_space<semaphore_mem>>) src(%dma_wait3A_370 : memref<20000x64xf32, #tpu.memory_space<hbm>>) dst(%arg21 : memref<80x64xf32, #tpu.memory_space<vmem>>)
      %mul3A_371 = arith.constant 64 : i32
      %mul3A_372 = arith.muli %arg0, %mul3A_371 : i32
      %dma_wait3A_373 = arith.constant 0 : i32
      %dma_wait3A_374 = tpu.memref_slice %arg6[%dma_wait3A_373, %mul3A_372] : memref<320000x128xf32, #tpu.memory_space<hbm>> -> memref<80x64xf32, #tpu.memory_space<hbm>>
      %dma_wait3A_375 = arith.constant 0 : i32
      %dma_wait3A_376 = tpu.memref_slice %arg6[%dma_wait3A_375, %mul3A_372] : memref<320000x128xf32, #tpu.memory_space<hbm>> -> memref<80x64xf32, #tpu.memory_space<hbm>>
      tpu.wait_dma2 semaphore(%arg29 : memref<!tpu.dma_semaphore, #tpu.memory_space<semaphore_mem>>) src(%dma_wait3A_376 : memref<80x64xf32, #tpu.memory_space<hbm>>) dst(%arg19 : memref<80x64xf32, #tpu.memory_space<vmem>>)
      %broadcast_in_dim3A_377 = arith.constant 0.000000e+00 : f32
      %broadcast_in_dim3A_378 = vector.broadcast %broadcast_in_dim3A_377 : f32 to vector<16xf32>
      %scan3A_379 = arith.constant 0 : i32
      %scan3A_380 = arith.constant 80 : i32
      %scan3A_381 = arith.addi %scan3A_379, %scan3A_380 : i32
      %scan3A_382 = arith.constant 1 : i32
      %scan3A_383:8 = scf.for %scan3A_673 = %scan3A_379 to %scan3A_381 step %scan3A_382 iter_args(%scan3A_674 = %broadcast_in_dim3A_378, %scan3A_675 = %broadcast_in_dim3A_378, %scan3A_676 = %broadcast_in_dim3A_378, %scan3A_677 = %broadcast_in_dim3A_378, %scan3A_678 = %broadcast_in_dim3A_378, %scan3A_679 = %broadcast_in_dim3A_378, %scan3A_680 = %broadcast_in_dim3A_378, %scan3A_681 = %broadcast_in_dim3A_378) -> (vector<16xf32>, vector<16xf32>, vector<16xf32>, vector<16xf32>, vector<16xf32>, vector<16xf32>, vector<16xf32>, vector<16xf32>)  : i32 {
        %get3A = arith.index_cast %scan3A_673 : i32 to index
        %get3A_682 = arith.constant 0 : index
        %get3A_683 = tpu.vector_load %arg15[%get3A, %get3A_682] {strides = array<i32>} : memref<80x64xf32, #tpu.memory_space<vmem>>, vector<1x16xf32>,
        %get3A_684 = vector.shape_cast %get3A_683 : vector<1x16xf32> to vector<16xf32>
        %get3A_685 = arith.index_cast %scan3A_673 : i32 to index
        %get3A_686 = arith.constant 0 : index
        %get3A_687 = tpu.vector_load %arg17[%get3A_685, %get3A_686] {strides = array<i32>} : memref<80x64xf32, #tpu.memory_space<vmem>>, vector<1x16xf32>,
        %get3A_688 = vector.shape_cast %get3A_687 : vector<1x16xf32> to vector<16xf32>
        %add3A_689 = arith.addf %get3A_684, %get3A_688 : vector<16xf32>
        %get3A_690 = arith.index_cast %scan3A_673 : i32 to index
        %get3A_691 = arith.constant 0 : index
        %get3A_692 = tpu.vector_load %arg19[%get3A_690, %get3A_691] {strides = array<i32>} : memref<80x64xf32, #tpu.memory_space<vmem>>, vector<1x16xf32>,
        %get3A_693 = vector.shape_cast %get3A_692 : vector<1x16xf32> to vector<16xf32>
        %add3A_694 = arith.addf %add3A_689, %get3A_693 : vector<16xf32>
        %swap3A_695 = arith.index_cast %scan3A_673 : i32 to index
        %swap3A_696 = arith.constant 0 : index
        %swap3A_697 = tpu.vector_load %arg19[%swap3A_695, %swap3A_696] {strides = array<i32>} : memref<80x64xf32, #tpu.memory_space<vmem>>, vector<1x16xf32>,
        %swap3A_698 = vector.shape_cast %swap3A_697 : vector<1x16xf32> to vector<16xf32>
        %swap3A_699 = vector.shape_cast %add3A_694 : vector<16xf32> to vector<1x16xf32>
        tpu.vector_store %arg19[%swap3A_695, %swap3A_696], %swap3A_699 {strides = array<i32>} : memref<80x64xf32, #tpu.memory_space<vmem>>, vector<1x16xf32>,
        %neg3A = arith.constant 0.000000e+00 : f32
        %neg3A_700 = vector.broadcast %neg3A : f32 to vector<16xf32>
        %neg3A_701 = arith.subf %neg3A_700, %add3A_694 : vector<16xf32>
        %exp3A = math.exp %neg3A_701 : vector<16xf32>
        %add3A_702 = arith.constant 1.000000e+00 : f32
        %add3A_703 = vector.broadcast %add3A_702 : f32 to vector<16xf32>
        %add3A_704 = arith.addf %add3A_703, %exp3A : vector<16xf32>
        %div3A = arith.constant 1.000000e+00 : f32
        %div3A_705 = vector.broadcast %div3A : f32 to vector<16xf32>
        %div3A_706 = arith.divf %div3A_705, %add3A_704 : vector<16xf32>
        %swap3A_707 = arith.index_cast %scan3A_673 : i32 to index
        %swap3A_708 = arith.constant 0 : index
        %swap3A_709 = tpu.vector_load %arg15[%swap3A_707, %swap3A_708] {strides = array<i32>} : memref<80x64xf32, #tpu.memory_space<vmem>>, vector<1x16xf32>,
        %swap3A_710 = vector.shape_cast %swap3A_709 : vector<1x16xf32> to vector<16xf32>
        %swap3A_711 = vector.shape_cast %div3A_706 : vector<16xf32> to vector<1x16xf32>
        tpu.vector_store %arg15[%swap3A_707, %swap3A_708], %swap3A_711 {strides = array<i32>} : memref<80x64xf32, #tpu.memory_space<vmem>>, vector<1x16xf32>,
        %get3A_712 = arith.index_cast %scan3A_673 : i32 to index
        %get3A_713 = arith.constant 0 : index
        %get3A_714 = tpu.vector_load %arg21[%get3A_712, %get3A_713] {strides = array<i32>} : memref<80x64xf32, #tpu.memory_space<vmem>>, vector<1x16xf32>,
        %get3A_715 = vector.shape_cast %get3A_714 : vector<1x16xf32> to vector<16xf32>
        %mul3A_716 = arith.mulf %get3A_715, %div3A_706 : vector<16xf32>
        %swap3A_717 = arith.index_cast %scan3A_673 : i32 to index
        %swap3A_718 = arith.constant 0 : index
        %swap3A_719 = tpu.vector_load %arg21[%swap3A_717, %swap3A_718] {strides = array<i32>} : memref<80x64xf32, #tpu.memory_space<vmem>>, vector<1x16xf32>,
        %swap3A_720 = vector.shape_cast %swap3A_719 : vector<1x16xf32> to vector<16xf32>
        %swap3A_721 = vector.shape_cast %mul3A_716 : vector<16xf32> to vector<1x16xf32>
        tpu.vector_store %arg21[%swap3A_717, %swap3A_718], %swap3A_721 {strides = array<i32>} : memref<80x64xf32, #tpu.memory_space<vmem>>, vector<1x16xf32>,
        %add3A_722 = arith.addf %scan3A_674, %add3A_694 : vector<16xf32>
        %mul3A_723 = arith.mulf %add3A_694, %add3A_694 : vector<16xf32>
        %add3A_724 = arith.addf %scan3A_678, %mul3A_723 : vector<16xf32>
        %get3A_725 = arith.index_cast %scan3A_673 : i32 to index
        %get3A_726 = arith.constant 16 : index
        %get3A_727 = tpu.vector_load %arg15[%get3A_725, %get3A_726] {strides = array<i32>} : memref<80x64xf32, #tpu.memory_space<vmem>>, vector<1x16xf32>,
        %get3A_728 = vector.shape_cast %get3A_727 : vector<1x16xf32> to vector<16xf32>
        %get3A_729 = arith.index_cast %scan3A_673 : i32 to index
        %get3A_730 = arith.constant 16 : index
        %get3A_731 = tpu.vector_load %arg17[%get3A_729, %get3A_730] {strides = array<i32>} : memref<80x64xf32, #tpu.memory_space<vmem>>, vector<1x16xf32>,
        %get3A_732 = vector.shape_cast %get3A_731 : vector<1x16xf32> to vector<16xf32>
        %add3A_733 = arith.addf %get3A_728, %get3A_732 : vector<16xf32>
        %get3A_734 = arith.index_cast %scan3A_673 : i32 to index
        %get3A_735 = arith.constant 16 : index
        %get3A_736 = tpu.vector_load %arg19[%get3A_734, %get3A_735] {strides = array<i32>} : memref<80x64xf32, #tpu.memory_space<vmem>>, vector<1x16xf32>,
        %get3A_737 = vector.shape_cast %get3A_736 : vector<1x16xf32> to vector<16xf32>
        %add3A_738 = arith.addf %add3A_733, %get3A_737 : vector<16xf32>
        %swap3A_739 = arith.index_cast %scan3A_673 : i32 to index
        %swap3A_740 = arith.constant 16 : index
        %swap3A_741 = tpu.vector_load %arg19[%swap3A_739, %swap3A_740] {strides = array<i32>} : memref<80x64xf32, #tpu.memory_space<vmem>>, vector<1x16xf32>,
        %swap3A_742 = vector.shape_cast %swap3A_741 : vector<1x16xf32> to vector<16xf32>
        %swap3A_743 = vector.shape_cast %add3A_738 : vector<16xf32> to vector<1x16xf32>
        tpu.vector_store %arg19[%swap3A_739, %swap3A_740], %swap3A_743 {strides = array<i32>} : memref<80x64xf32, #tpu.memory_space<vmem>>, vector<1x16xf32>,
        %neg3A_744 = arith.constant 0.000000e+00 : f32
        %neg3A_745 = vector.broadcast %neg3A_744 : f32 to vector<16xf32>
        %neg3A_746 = arith.subf %neg3A_745, %add3A_738 : vector<16xf32>
        %exp3A_747 = math.exp %neg3A_746 : vector<16xf32>
        %add3A_748 = arith.constant 1.000000e+00 : f32
        %add3A_749 = vector.broadcast %add3A_748 : f32 to vector<16xf32>
        %add3A_750 = arith.addf %add3A_749, %exp3A_747 : vector<16xf32>
        %div3A_751 = arith.constant 1.000000e+00 : f32
        %div3A_752 = vector.broadcast %div3A_751 : f32 to vector<16xf32>
        %div3A_753 = arith.divf %div3A_752, %add3A_750 : vector<16xf32>
        %swap3A_754 = arith.index_cast %scan3A_673 : i32 to index
        %swap3A_755 = arith.constant 16 : index
        %swap3A_756 = tpu.vector_load %arg15[%swap3A_754, %swap3A_755] {strides = array<i32>} : memref<80x64xf32, #tpu.memory_space<vmem>>, vector<1x16xf32>,
        %swap3A_757 = vector.shape_cast %swap3A_756 : vector<1x16xf32> to vector<16xf32>
        %swap3A_758 = vector.shape_cast %div3A_753 : vector<16xf32> to vector<1x16xf32>
        tpu.vector_store %arg15[%swap3A_754, %swap3A_755], %swap3A_758 {strides = array<i32>} : memref<80x64xf32, #tpu.memory_space<vmem>>, vector<1x16xf32>,
        %get3A_759 = arith.index_cast %scan3A_673 : i32 to index
        %get3A_760 = arith.constant 16 : index
        %get3A_761 = tpu.vector_load %arg21[%get3A_759, %get3A_760] {strides = array<i32>} : memref<80x64xf32, #tpu.memory_space<vmem>>, vector<1x16xf32>,
        %get3A_762 = vector.shape_cast %get3A_761 : vector<1x16xf32> to vector<16xf32>
        %mul3A_763 = arith.mulf %get3A_762, %div3A_753 : vector<16xf32>
        %swap3A_764 = arith.index_cast %scan3A_673 : i32 to index
        %swap3A_765 = arith.constant 16 : index
        %swap3A_766 = tpu.vector_load %arg21[%swap3A_764, %swap3A_765] {strides = array<i32>} : memref<80x64xf32, #tpu.memory_space<vmem>>, vector<1x16xf32>,
        %swap3A_767 = vector.shape_cast %swap3A_766 : vector<1x16xf32> to vector<16xf32>
        %swap3A_768 = vector.shape_cast %mul3A_763 : vector<16xf32> to vector<1x16xf32>
        tpu.vector_store %arg21[%swap3A_764, %swap3A_765], %swap3A_768 {strides = array<i32>} : memref<80x64xf32, #tpu.memory_space<vmem>>, vector<1x16xf32>,
        %add3A_769 = arith.addf %scan3A_675, %add3A_738 : vector<16xf32>
        %mul3A_770 = arith.mulf %add3A_738, %add3A_738 : vector<16xf32>
        %add3A_771 = arith.addf %scan3A_679, %mul3A_770 : vector<16xf32>
        %get3A_772 = arith.index_cast %scan3A_673 : i32 to index
        %get3A_773 = arith.constant 32 : index
        %get3A_774 = tpu.vector_load %arg15[%get3A_772, %get3A_773] {strides = array<i32>} : memref<80x64xf32, #tpu.memory_space<vmem>>, vector<1x16xf32>,
        %get3A_775 = vector.shape_cast %get3A_774 : vector<1x16xf32> to vector<16xf32>
        %get3A_776 = arith.index_cast %scan3A_673 : i32 to index
        %get3A_777 = arith.constant 32 : index
        %get3A_778 = tpu.vector_load %arg17[%get3A_776, %get3A_777] {strides = array<i32>} : memref<80x64xf32, #tpu.memory_space<vmem>>, vector<1x16xf32>,
        %get3A_779 = vector.shape_cast %get3A_778 : vector<1x16xf32> to vector<16xf32>
        %add3A_780 = arith.addf %get3A_775, %get3A_779 : vector<16xf32>
        %get3A_781 = arith.index_cast %scan3A_673 : i32 to index
        %get3A_782 = arith.constant 32 : index
        %get3A_783 = tpu.vector_load %arg19[%get3A_781, %get3A_782] {strides = array<i32>} : memref<80x64xf32, #tpu.memory_space<vmem>>, vector<1x16xf32>,
        %get3A_784 = vector.shape_cast %get3A_783 : vector<1x16xf32> to vector<16xf32>
        %add3A_785 = arith.addf %add3A_780, %get3A_784 : vector<16xf32>
        %swap3A_786 = arith.index_cast %scan3A_673 : i32 to index
        %swap3A_787 = arith.constant 32 : index
        %swap3A_788 = tpu.vector_load %arg19[%swap3A_786, %swap3A_787] {strides = array<i32>} : memref<80x64xf32, #tpu.memory_space<vmem>>, vector<1x16xf32>,
        %swap3A_789 = vector.shape_cast %swap3A_788 : vector<1x16xf32> to vector<16xf32>
        %swap3A_790 = vector.shape_cast %add3A_785 : vector<16xf32> to vector<1x16xf32>
        tpu.vector_store %arg19[%swap3A_786, %swap3A_787], %swap3A_790 {strides = array<i32>} : memref<80x64xf32, #tpu.memory_space<vmem>>, vector<1x16xf32>,
        %neg3A_791 = arith.constant 0.000000e+00 : f32
        %neg3A_792 = vector.broadcast %neg3A_791 : f32 to vector<16xf32>
        %neg3A_793 = arith.subf %neg3A_792, %add3A_785 : vector<16xf32>
        %exp3A_794 = math.exp %neg3A_793 : vector<16xf32>
        %add3A_795 = arith.constant 1.000000e+00 : f32
        %add3A_796 = vector.broadcast %add3A_795 : f32 to vector<16xf32>
        %add3A_797 = arith.addf %add3A_796, %exp3A_794 : vector<16xf32>
        %div3A_798 = arith.constant 1.000000e+00 : f32
        %div3A_799 = vector.broadcast %div3A_798 : f32 to vector<16xf32>
        %div3A_800 = arith.divf %div3A_799, %add3A_797 : vector<16xf32>
        %swap3A_801 = arith.index_cast %scan3A_673 : i32 to index
        %swap3A_802 = arith.constant 32 : index
        %swap3A_803 = tpu.vector_load %arg15[%swap3A_801, %swap3A_802] {strides = array<i32>} : memref<80x64xf32, #tpu.memory_space<vmem>>, vector<1x16xf32>,
        %swap3A_804 = vector.shape_cast %swap3A_803 : vector<1x16xf32> to vector<16xf32>
        %swap3A_805 = vector.shape_cast %div3A_800 : vector<16xf32> to vector<1x16xf32>
        tpu.vector_store %arg15[%swap3A_801, %swap3A_802], %swap3A_805 {strides = array<i32>} : memref<80x64xf32, #tpu.memory_space<vmem>>, vector<1x16xf32>,
        %get3A_806 = arith.index_cast %scan3A_673 : i32 to index
        %get3A_807 = arith.constant 32 : index
        %get3A_808 = tpu.vector_load %arg21[%get3A_806, %get3A_807] {strides = array<i32>} : memref<80x64xf32, #tpu.memory_space<vmem>>, vector<1x16xf32>,
        %get3A_809 = vector.shape_cast %get3A_808 : vector<1x16xf32> to vector<16xf32>
        %mul3A_810 = arith.mulf %get3A_809, %div3A_800 : vector<16xf32>
        %swap3A_811 = arith.index_cast %scan3A_673 : i32 to index
        %swap3A_812 = arith.constant 32 : index
        %swap3A_813 = tpu.vector_load %arg21[%swap3A_811, %swap3A_812] {strides = array<i32>} : memref<80x64xf32, #tpu.memory_space<vmem>>, vector<1x16xf32>,
        %swap3A_814 = vector.shape_cast %swap3A_813 : vector<1x16xf32> to vector<16xf32>
        %swap3A_815 = vector.shape_cast %mul3A_810 : vector<16xf32> to vector<1x16xf32>
        tpu.vector_store %arg21[%swap3A_811, %swap3A_812], %swap3A_815 {strides = array<i32>} : memref<80x64xf32, #tpu.memory_space<vmem>>, vector<1x16xf32>,
        %add3A_816 = arith.addf %scan3A_676, %add3A_785 : vector<16xf32>
        %mul3A_817 = arith.mulf %add3A_785, %add3A_785 : vector<16xf32>
        %add3A_818 = arith.addf %scan3A_680, %mul3A_817 : vector<16xf32>
        %get3A_819 = arith.index_cast %scan3A_673 : i32 to index
        %get3A_820 = arith.constant 48 : index
        %get3A_821 = tpu.vector_load %arg15[%get3A_819, %get3A_820] {strides = array<i32>} : memref<80x64xf32, #tpu.memory_space<vmem>>, vector<1x16xf32>,
        %get3A_822 = vector.shape_cast %get3A_821 : vector<1x16xf32> to vector<16xf32>
        %get3A_823 = arith.index_cast %scan3A_673 : i32 to index
        %get3A_824 = arith.constant 48 : index
        %get3A_825 = tpu.vector_load %arg17[%get3A_823, %get3A_824] {strides = array<i32>} : memref<80x64xf32, #tpu.memory_space<vmem>>, vector<1x16xf32>,
        %get3A_826 = vector.shape_cast %get3A_825 : vector<1x16xf32> to vector<16xf32>
        %add3A_827 = arith.addf %get3A_822, %get3A_826 : vector<16xf32>
        %get3A_828 = arith.index_cast %scan3A_673 : i32 to index
        %get3A_829 = arith.constant 48 : index
        %get3A_830 = tpu.vector_load %arg19[%get3A_828, %get3A_829] {strides = array<i32>} : memref<80x64xf32, #tpu.memory_space<vmem>>, vector<1x16xf32>,
        %get3A_831 = vector.shape_cast %get3A_830 : vector<1x16xf32> to vector<16xf32>
        %add3A_832 = arith.addf %add3A_827, %get3A_831 : vector<16xf32>
        %swap3A_833 = arith.index_cast %scan3A_673 : i32 to index
        %swap3A_834 = arith.constant 48 : index
        %swap3A_835 = tpu.vector_load %arg19[%swap3A_833, %swap3A_834] {strides = array<i32>} : memref<80x64xf32, #tpu.memory_space<vmem>>, vector<1x16xf32>,
        %swap3A_836 = vector.shape_cast %swap3A_835 : vector<1x16xf32> to vector<16xf32>
        %swap3A_837 = vector.shape_cast %add3A_832 : vector<16xf32> to vector<1x16xf32>
        tpu.vector_store %arg19[%swap3A_833, %swap3A_834], %swap3A_837 {strides = array<i32>} : memref<80x64xf32, #tpu.memory_space<vmem>>, vector<1x16xf32>,
        %neg3A_838 = arith.constant 0.000000e+00 : f32
        %neg3A_839 = vector.broadcast %neg3A_838 : f32 to vector<16xf32>
        %neg3A_840 = arith.subf %neg3A_839, %add3A_832 : vector<16xf32>
        %exp3A_841 = math.exp %neg3A_840 : vector<16xf32>
        %add3A_842 = arith.constant 1.000000e+00 : f32
        %add3A_843 = vector.broadcast %add3A_842 : f32 to vector<16xf32>
        %add3A_844 = arith.addf %add3A_843, %exp3A_841 : vector<16xf32>
        %div3A_845 = arith.constant 1.000000e+00 : f32
        %div3A_846 = vector.broadcast %div3A_845 : f32 to vector<16xf32>
        %div3A_847 = arith.divf %div3A_846, %add3A_844 : vector<16xf32>
        %swap3A_848 = arith.index_cast %scan3A_673 : i32 to index
        %swap3A_849 = arith.constant 48 : index
        %swap3A_850 = tpu.vector_load %arg15[%swap3A_848, %swap3A_849] {strides = array<i32>} : memref<80x64xf32, #tpu.memory_space<vmem>>, vector<1x16xf32>,
        %swap3A_851 = vector.shape_cast %swap3A_850 : vector<1x16xf32> to vector<16xf32>
        %swap3A_852 = vector.shape_cast %div3A_847 : vector<16xf32> to vector<1x16xf32>
        tpu.vector_store %arg15[%swap3A_848, %swap3A_849], %swap3A_852 {strides = array<i32>} : memref<80x64xf32, #tpu.memory_space<vmem>>, vector<1x16xf32>,
        %get3A_853 = arith.index_cast %scan3A_673 : i32 to index
        %get3A_854 = arith.constant 48 : index
        %get3A_855 = tpu.vector_load %arg21[%get3A_853, %get3A_854] {strides = array<i32>} : memref<80x64xf32, #tpu.memory_space<vmem>>, vector<1x16xf32>,
        %get3A_856 = vector.shape_cast %get3A_855 : vector<1x16xf32> to vector<16xf32>
        %mul3A_857 = arith.mulf %get3A_856, %div3A_847 : vector<16xf32>
        %swap3A_858 = arith.index_cast %scan3A_673 : i32 to index
        %swap3A_859 = arith.constant 48 : index
        %swap3A_860 = tpu.vector_load %arg21[%swap3A_858, %swap3A_859] {strides = array<i32>} : memref<80x64xf32, #tpu.memory_space<vmem>>, vector<1x16xf32>,
        %swap3A_861 = vector.shape_cast %swap3A_860 : vector<1x16xf32> to vector<16xf32>
        %swap3A_862 = vector.shape_cast %mul3A_857 : vector<16xf32> to vector<1x16xf32>
        tpu.vector_store %arg21[%swap3A_858, %swap3A_859], %swap3A_862 {strides = array<i32>} : memref<80x64xf32, #tpu.memory_space<vmem>>, vector<1x16xf32>,
        %add3A_863 = arith.addf %scan3A_677, %add3A_832 : vector<16xf32>
        %mul3A_864 = arith.mulf %add3A_832, %add3A_832 : vector<16xf32>
        %add3A_865 = arith.addf %scan3A_681, %mul3A_864 : vector<16xf32>
        scf.yield %add3A_722, %add3A_769, %add3A_816, %add3A_863, %add3A_724, %add3A_771, %add3A_818, %add3A_865 : vector<16xf32>, vector<16xf32>, vector<16xf32>, vector<16xf32>, vector<16xf32>, vector<16xf32>, vector<16xf32>, vector<16xf32>
      }
      %scan3A_384 = arith.constant 80 : i32
      %mul3A_385 = arith.constant 16 : i32
      %mul3A_386 = arith.muli %mul3A_332, %mul3A_385 : i32
      %add3A_387 = arith.addi %mul3A_386, %arg1 : i32
      %lt3A_388 = arith.constant 4000 : i32
      %lt3A_389 = arith.cmpi slt, %add3A_387, %lt3A_388 : i32
      %jit3A_390 = arith.constant 1.000000e+00 : f32
      %jit3A_391 = arith.constant 0.000000e+00 : f32
      %select_n3A_392 = arith.select %lt3A_389, %jit3A_390, %jit3A_391 : f32
      %mul3A_393 = vector.broadcast %select_n3A_392 : f32 to vector<16xf32>
      %mul3A_394 = arith.mulf %scan3A_383#0, %mul3A_393 : vector<16xf32>
      %add3A_395 = arith.addf %scan3A_323, %mul3A_394 : vector<16xf32>
      %mul3A_396 = vector.broadcast %select_n3A_392 : f32 to vector<16xf32>
      %mul3A_397 = arith.mulf %scan3A_383#1, %mul3A_396 : vector<16xf32>
      %add3A_398 = arith.addf %scan3A_324, %mul3A_397 : vector<16xf32>
      %mul3A_399 = vector.broadcast %select_n3A_392 : f32 to vector<16xf32>
      %mul3A_400 = arith.mulf %scan3A_383#2, %mul3A_399 : vector<16xf32>
      %add3A_401 = arith.addf %scan3A_325, %mul3A_400 : vector<16xf32>
      %mul3A_402 = vector.broadcast %select_n3A_392 : f32 to vector<16xf32>
      %mul3A_403 = arith.mulf %scan3A_383#3, %mul3A_402 : vector<16xf32>
      %add3A_404 = arith.addf %scan3A_326, %mul3A_403 : vector<16xf32>
      %mul3A_405 = vector.broadcast %select_n3A_392 : f32 to vector<16xf32>
      %mul3A_406 = arith.mulf %scan3A_383#4, %mul3A_405 : vector<16xf32>
      %add3A_407 = arith.addf %scan3A_327, %mul3A_406 : vector<16xf32>
      %mul3A_408 = vector.broadcast %select_n3A_392 : f32 to vector<16xf32>
      %mul3A_409 = arith.mulf %scan3A_383#5, %mul3A_408 : vector<16xf32>
      %add3A_410 = arith.addf %scan3A_328, %mul3A_409 : vector<16xf32>
      %mul3A_411 = vector.broadcast %select_n3A_392 : f32 to vector<16xf32>
      %mul3A_412 = arith.mulf %scan3A_383#6, %mul3A_411 : vector<16xf32>
      %add3A_413 = arith.addf %scan3A_329, %mul3A_412 : vector<16xf32>
      %mul3A_414 = vector.broadcast %select_n3A_392 : f32 to vector<16xf32>
      %mul3A_415 = arith.mulf %scan3A_383#7, %mul3A_414 : vector<16xf32>
      %add3A_416 = arith.addf %scan3A_330, %mul3A_415 : vector<16xf32>
      %mul3A_417 = arith.constant 16 : i32
      %mul3A_418 = arith.muli %mul3A_332, %mul3A_417 : i32
      %add3A_419 = arith.addi %mul3A_418, %arg1 : i32
      %min3A_420 = arith.constant 3999 : i32
      %min3A_421 = arith.minsi %add3A_419, %min3A_420 : i32
      %mul3A_422 = arith.constant 80 : i32
      %mul3A_423 = arith.muli %min3A_421, %mul3A_422 : i32
      %mul3A_424 = arith.constant 64 : i32
      %mul3A_425 = arith.muli %arg0, %mul3A_424 : i32
      %dma_start3A_426 = tpu.memref_slice %arg7[%mul3A_423, %mul3A_425] : memref<320000x128xf32, #tpu.memory_space<hbm>> -> memref<80x64xf32, #tpu.memory_space<hbm>>
      %dma_start3A_427 = tpu.memref_slice %arg7[%mul3A_423, %mul3A_425] : memref<320000x128xf32, #tpu.memory_space<hbm>> -> memref<80x64xf32, #tpu.memory_space<hbm>>
      tpu.enqueue_dma source(%arg19 : memref<80x64xf32, #tpu.memory_space<vmem>>) target(%dma_start3A_427 : memref<80x64xf32, #tpu.memory_space<hbm>>) target_semaphore(%arg31 : memref<!tpu.dma_semaphore, #tpu.memory_space<semaphore_mem>>)
      %dma_start3A_428 = arith.constant 2 : i32
      %dma_start3A_429 = arith.constant 0 : i32
      %dma_start3A_430 = tpu.memref_slice %arg13[%dma_start3A_428, %dma_start3A_429] : memref<3x80xi32, #tpu.memory_space<vmem>> -> memref<1x80xi32, #tpu.memory_space<vmem>>
      %dma_start3A_431 = tpu.memref_squeeze %dma_start3A_430 : memref<1x80xi32, #tpu.memory_space<vmem>> -> memref<80xi32, #tpu.memory_space<vmem>>
      %dma_start3A_432 = arith.constant 0 : i32
      %dma_start3A_433 = arith.constant 0 : i32
      %dma_start3A_434 = tpu.memref_slice %arg25[%dma_start3A_432, %dma_start3A_433] : memref<10008x64xf32, #tpu.memory_space<vmem_shared>> -> memref<10008x64xf32, #tpu.memory_space<vmem_shared>>
      tpu.enqueue_indirect_dma source(%arg21 : memref<80x64xf32, #tpu.memory_space<vmem>>) target(%dma_start3A_434 : memref<10008x64xf32, #tpu.memory_space<vmem_shared>>) offsets(%dma_start3A_431 : memref<80xi32, #tpu.memory_space<vmem>>) semaphore(%arg33 : memref<!tpu.dma_semaphore, #tpu.memory_space<semaphore_mem>>) {add = true}
      %dma_start3A_435 = arith.constant 2 : i32
      %dma_start3A_436 = arith.constant 0 : i32
      %dma_start3A_437 = tpu.memref_slice %arg13[%dma_start3A_435, %dma_start3A_436] : memref<3x80xi32, #tpu.memory_space<vmem>> -> memref<1x80xi32, #tpu.memory_space<vmem>>
      %dma_start3A_438 = tpu.memref_squeeze %dma_start3A_437 : memref<1x80xi32, #tpu.memory_space<vmem>> -> memref<80xi32, #tpu.memory_space<vmem>>
      %dma_start3A_439 = arith.constant 0 : i32
      %dma_start3A_440 = arith.constant 0 : i32
      %dma_start3A_441 = tpu.memref_slice %arg26[%dma_start3A_439, %dma_start3A_440] : memref<10008x64xf32, #tpu.memory_space<vmem_shared>> -> memref<10008x64xf32, #tpu.memory_space<vmem_shared>>
      tpu.enqueue_indirect_dma source(%arg15 : memref<80x64xf32, #tpu.memory_space<vmem>>) target(%dma_start3A_441 : memref<10008x64xf32, #tpu.memory_space<vmem_shared>>) offsets(%dma_start3A_438 : memref<80xi32, #tpu.memory_space<vmem>>) semaphore(%arg33 : memref<!tpu.dma_semaphore, #tpu.memory_space<semaphore_mem>>) {add = true}
      %add3A_442 = arith.constant 1 : i32
      %add3A_443 = arith.addi %mul3A_332, %add3A_442 : i32
      %dma_wait3A_444 = arith.constant 0 : i32
      %dma_wait3A_445 = arith.constant 0 : i32
      %dma_wait3A_446 = tpu.memref_slice %arg2[%dma_wait3A_444, %dma_wait3A_445] : memref<8000x80xi32, #tpu.memory_space<hbm>> -> memref<2x80xi32, #tpu.memory_space<hbm>>
      %dma_wait3A_447 = arith.constant 0 : i32
      %dma_wait3A_448 = arith.constant 0 : i32
      %dma_wait3A_449 = tpu.memref_slice %arg2[%dma_wait3A_447, %dma_wait3A_448] : memref<8000x80xi32, #tpu.memory_space<hbm>> -> memref<2x80xi32, #tpu.memory_space<hbm>>
      tpu.wait_dma2 semaphore(%arg28 : memref<!tpu.dma_semaphore, #tpu.memory_space<semaphore_mem>>) src(%dma_wait3A_449 : memref<2x80xi32, #tpu.memory_space<hbm>>) dst(%arg12 : memref<2x80xi32, #tpu.memory_space<vmem>>)
      %mul3A_450 = arith.constant 16 : i32
      %mul3A_451 = arith.muli %add3A_443, %mul3A_450 : i32
      %add3A_452 = arith.addi %mul3A_451, %arg1 : i32
      %lt3A_453 = arith.constant 4000 : i32
      %lt3A_454 = arith.cmpi slt, %add3A_452, %lt3A_453 : i32
      %scan3A_455 = arith.constant 0 : i32
      %scan3A_456 = arith.constant 0 : i32
      %scan3A_457 = arith.constant 5 : i32
      %scan3A_458 = arith.addi %scan3A_456, %scan3A_457 : i32
      %scan3A_459 = arith.constant 1 : i32
      %scan3A_460 = scf.for %scan3A_673 = %scan3A_456 to %scan3A_458 step %scan3A_459 iter_args(%scan3A_674 = %scan3A_455) -> (i32)  : i32 {
        %mul3A_675 = arith.constant 16 : i32
        %mul3A_676 = arith.muli %scan3A_673, %mul3A_675 : i32
        %get3A = arith.constant 0 : i32
        %get3A_677 = arith.index_cast %get3A : i32 to index
        %get3A_678 = arith.index_cast %mul3A_676 : i32 to index
        %get3A_679 = tpu.vector_load %arg12[%get3A_677, %get3A_678] {strides = array<i32>} : memref<2x80xi32, #tpu.memory_space<vmem>>, vector<1x16xi32>,
        %get3A_680 = vector.shape_cast %get3A_679 : vector<1x16xi32> to vector<16xi32>
        %get3A_681 = arith.constant 1 : i32
        %get3A_682 = arith.index_cast %get3A_681 : i32 to index
        %get3A_683 = arith.index_cast %mul3A_676 : i32 to index
        %get3A_684 = tpu.vector_load %arg12[%get3A_682, %get3A_683] {strides = array<i32>} : memref<2x80xi32, #tpu.memory_space<vmem>>, vector<1x16xi32>,
        %get3A_685 = vector.shape_cast %get3A_684 : vector<1x16xi32> to vector<16xi32>
        %add3A_686 = vector.broadcast %mul3A_0 : i32 to vector<16xi32>
        %add3A_687 = arith.addi %get3A_680, %add3A_686 : vector<16xi32>
        %swap3A_688 = arith.constant 0 : i32
        %swap3A_689 = arith.index_cast %swap3A_688 : i32 to index
        %swap3A_690 = arith.index_cast %mul3A_676 : i32 to index
        %swap3A_691 = tpu.vector_load %arg14[%swap3A_689, %swap3A_690] {strides = array<i32>} : memref<3x80xi32, #tpu.memory_space<vmem>>, vector<1x16xi32>,
        %swap3A_692 = vector.shape_cast %swap3A_691 : vector<1x16xi32> to vector<16xi32>
        %swap3A_693 = vector.shape_cast %add3A_687 : vector<16xi32> to vector<1x16xi32>
        tpu.vector_store %arg14[%swap3A_689, %swap3A_690], %swap3A_693 {strides = array<i32>} : memref<3x80xi32, #tpu.memory_space<vmem>>, vector<1x16xi32>,
        %add3A_694 = vector.broadcast %mul3A_0 : i32 to vector<16xi32>
        %add3A_695 = arith.addi %get3A_685, %add3A_694 : vector<16xi32>
        %swap3A_696 = arith.constant 1 : i32
        %swap3A_697 = arith.index_cast %swap3A_696 : i32 to index
        %swap3A_698 = arith.index_cast %mul3A_676 : i32 to index
        %swap3A_699 = tpu.vector_load %arg14[%swap3A_697, %swap3A_698] {strides = array<i32>} : memref<3x80xi32, #tpu.memory_space<vmem>>, vector<1x16xi32>,
        %swap3A_700 = vector.shape_cast %swap3A_699 : vector<1x16xi32> to vector<16xi32>
        %swap3A_701 = vector.shape_cast %add3A_695 : vector<16xi32> to vector<1x16xi32>
        tpu.vector_store %arg14[%swap3A_697, %swap3A_698], %swap3A_701 {strides = array<i32>} : memref<3x80xi32, #tpu.memory_space<vmem>>, vector<1x16xi32>,
        %broadcast_in_dim3A_702 = arith.constant 10000 : i32
        %broadcast_in_dim3A_703 = vector.broadcast %broadcast_in_dim3A_702 : i32 to vector<16xi32>
        %select_n3A_704 = arith.select %lt3A_454, %get3A_685, %broadcast_in_dim3A_703 : vector<16xi32>
        %swap3A_705 = arith.constant 2 : i32
        %swap3A_706 = arith.index_cast %swap3A_705 : i32 to index
        %swap3A_707 = arith.index_cast %mul3A_676 : i32 to index
        %swap3A_708 = tpu.vector_load %arg14[%swap3A_706, %swap3A_707] {strides = array<i32>} : memref<3x80xi32, #tpu.memory_space<vmem>>, vector<1x16xi32>,
        %swap3A_709 = vector.shape_cast %swap3A_708 : vector<1x16xi32> to vector<16xi32>
        %swap3A_710 = vector.shape_cast %select_n3A_704 : vector<16xi32> to vector<1x16xi32>
        tpu.vector_store %arg14[%swap3A_706, %swap3A_707], %swap3A_710 {strides = array<i32>} : memref<3x80xi32, #tpu.memory_space<vmem>>, vector<1x16xi32>,
        %scan3A_711 = arith.constant 0 : i32
        scf.yield %scan3A_711 : i32
      }
      %scan3A_461 = arith.constant 5 : i32
      %mul3A_462 = arith.constant 16 : i32
      %mul3A_463 = arith.muli %add3A_443, %mul3A_462 : i32
      %add3A_464 = arith.addi %mul3A_463, %arg1 : i32
      %min3A_465 = arith.constant 3999 : i32
      %min3A_466 = arith.minsi %add3A_464, %min3A_465 : i32
      %dma_start3A_467 = arith.constant 0 : i32
      %dma_start3A_468 = arith.constant 0 : i32
      %dma_start3A_469 = tpu.memref_slice %arg14[%dma_start3A_467, %dma_start3A_468] : memref<3x80xi32, #tpu.memory_space<vmem>> -> memref<1x80xi32, #tpu.memory_space<vmem>>
      %dma_start3A_470 = tpu.memref_squeeze %dma_start3A_469 : memref<1x80xi32, #tpu.memory_space<vmem>> -> memref<80xi32, #tpu.memory_space<vmem>>
      %dma_start3A_471 = arith.constant 0 : i32
      %dma_start3A_472 = arith.constant 0 : i32
      %dma_start3A_473 = tpu.memref_slice %arg3[%dma_start3A_471, %dma_start3A_472] : memref<20000x64xf32, #tpu.memory_space<hbm>> -> memref<20000x64xf32, #tpu.memory_space<hbm>>
      tpu.enqueue_indirect_dma source(%dma_start3A_473 : memref<20000x64xf32, #tpu.memory_space<hbm>>) target(%arg16 : memref<80x64xf32, #tpu.memory_space<vmem>>) offsets(%dma_start3A_470 : memref<80xi32, #tpu.memory_space<vmem>>) semaphore(%arg30 : memref<!tpu.dma_semaphore, #tpu.memory_space<semaphore_mem>>)
      %dma_start3A_474 = arith.constant 1 : i32
      %dma_start3A_475 = arith.constant 0 : i32
      %dma_start3A_476 = tpu.memref_slice %arg14[%dma_start3A_474, %dma_start3A_475] : memref<3x80xi32, #tpu.memory_space<vmem>> -> memref<1x80xi32, #tpu.memory_space<vmem>>
      %dma_start3A_477 = tpu.memref_squeeze %dma_start3A_476 : memref<1x80xi32, #tpu.memory_space<vmem>> -> memref<80xi32, #tpu.memory_space<vmem>>
      %dma_start3A_478 = arith.constant 0 : i32
      %dma_start3A_479 = arith.constant 0 : i32
      %dma_start3A_480 = tpu.memref_slice %arg4[%dma_start3A_478, %dma_start3A_479] : memref<20000x64xf32, #tpu.memory_space<hbm>> -> memref<20000x64xf32, #tpu.memory_space<hbm>>
      tpu.enqueue_indirect_dma source(%dma_start3A_480 : memref<20000x64xf32, #tpu.memory_space<hbm>>) target(%arg18 : memref<80x64xf32, #tpu.memory_space<vmem>>) offsets(%dma_start3A_477 : memref<80xi32, #tpu.memory_space<vmem>>) semaphore(%arg30 : memref<!tpu.dma_semaphore, #tpu.memory_space<semaphore_mem>>)
      %dma_start3A_481 = arith.constant 0 : i32
      %dma_start3A_482 = arith.constant 0 : i32
      %dma_start3A_483 = tpu.memref_slice %arg14[%dma_start3A_481, %dma_start3A_482] : memref<3x80xi32, #tpu.memory_space<vmem>> -> memref<1x80xi32, #tpu.memory_space<vmem>>
      %dma_start3A_484 = tpu.memref_squeeze %dma_start3A_483 : memref<1x80xi32, #tpu.memory_space<vmem>> -> memref<80xi32, #tpu.memory_space<vmem>>
      %dma_start3A_485 = arith.constant 0 : i32
      %dma_start3A_486 = arith.constant 0 : i32
      %dma_start3A_487 = tpu.memref_slice %arg5[%dma_start3A_485, %dma_start3A_486] : memref<20000x64xf32, #tpu.memory_space<hbm>> -> memref<20000x64xf32, #tpu.memory_space<hbm>>
      tpu.enqueue_indirect_dma source(%dma_start3A_487 : memref<20000x64xf32, #tpu.memory_space<hbm>>) target(%arg22 : memref<80x64xf32, #tpu.memory_space<vmem>>) offsets(%dma_start3A_484 : memref<80xi32, #tpu.memory_space<vmem>>) semaphore(%arg30 : memref<!tpu.dma_semaphore, #tpu.memory_space<semaphore_mem>>)
      %mul3A_488 = arith.constant 80 : i32
      %mul3A_489 = arith.muli %min3A_466, %mul3A_488 : i32
      %mul3A_490 = arith.constant 64 : i32
      %mul3A_491 = arith.muli %arg0, %mul3A_490 : i32
      %dma_start3A_492 = tpu.memref_slice %arg6[%mul3A_489, %mul3A_491] : memref<320000x128xf32, #tpu.memory_space<hbm>> -> memref<80x64xf32, #tpu.memory_space<hbm>>
      %dma_start3A_493 = tpu.memref_slice %arg6[%mul3A_489, %mul3A_491] : memref<320000x128xf32, #tpu.memory_space<hbm>> -> memref<80x64xf32, #tpu.memory_space<hbm>>
      tpu.enqueue_dma source(%dma_start3A_493 : memref<80x64xf32, #tpu.memory_space<hbm>>) target(%arg20 : memref<80x64xf32, #tpu.memory_space<vmem>>) target_semaphore(%arg30 : memref<!tpu.dma_semaphore, #tpu.memory_space<semaphore_mem>>)
      %add3A_494 = arith.constant 1 : i32
      %add3A_495 = arith.addi %mul3A_332, %add3A_494 : i32
      %mul3A_496 = arith.constant 64 : i32
      %mul3A_497 = arith.muli %arg0, %mul3A_496 : i32
      %dma_wait3A_498 = arith.constant 0 : i32
      %dma_wait3A_499 = tpu.memref_slice %arg7[%dma_wait3A_498, %mul3A_497] : memref<320000x128xf32, #tpu.memory_space<hbm>> -> memref<80x64xf32, #tpu.memory_space<hbm>>
      %dma_wait3A_500 = arith.constant 0 : i32
      %dma_wait3A_501 = tpu.memref_slice %arg7[%dma_wait3A_500, %mul3A_497] : memref<320000x128xf32, #tpu.memory_space<hbm>> -> memref<80x64xf32, #tpu.memory_space<hbm>>
      tpu.wait_dma2 semaphore(%arg31 : memref<!tpu.dma_semaphore, #tpu.memory_space<semaphore_mem>>) src(%arg19 : memref<80x64xf32, #tpu.memory_space<vmem>>) dst(%dma_wait3A_501 : memref<80x64xf32, #tpu.memory_space<hbm>>)
      %dma_wait3A_502 = arith.constant 2 : i32
      %dma_wait3A_503 = arith.constant 0 : i32
      %dma_wait3A_504 = tpu.memref_slice %arg13[%dma_wait3A_502, %dma_wait3A_503] : memref<3x80xi32, #tpu.memory_space<vmem>> -> memref<1x80xi32, #tpu.memory_space<vmem>>
      %dma_wait3A_505 = tpu.memref_squeeze %dma_wait3A_504 : memref<1x80xi32, #tpu.memory_space<vmem>> -> memref<80xi32, #tpu.memory_space<vmem>>
      %dma_wait3A_506 = arith.constant 0 : i32
      %dma_wait3A_507 = arith.constant 0 : i32
      %dma_wait3A_508 = tpu.memref_slice %arg25[%dma_wait3A_506, %dma_wait3A_507] : memref<10008x64xf32, #tpu.memory_space<vmem_shared>> -> memref<10008x64xf32, #tpu.memory_space<vmem_shared>>
      tpu.wait_indirect_dma semaphore(%arg33 : memref<!tpu.dma_semaphore, #tpu.memory_space<semaphore_mem>>) src(%arg21 : memref<80x64xf32, #tpu.memory_space<vmem>>) dst(%dma_wait3A_508 : memref<10008x64xf32, #tpu.memory_space<vmem_shared>>)
      %dma_wait3A_509 = arith.constant 2 : i32
      %dma_wait3A_510 = arith.constant 0 : i32
      %dma_wait3A_511 = tpu.memref_slice %arg13[%dma_wait3A_509, %dma_wait3A_510] : memref<3x80xi32, #tpu.memory_space<vmem>> -> memref<1x80xi32, #tpu.memory_space<vmem>>
      %dma_wait3A_512 = tpu.memref_squeeze %dma_wait3A_511 : memref<1x80xi32, #tpu.memory_space<vmem>> -> memref<80xi32, #tpu.memory_space<vmem>>
      %dma_wait3A_513 = arith.constant 0 : i32
      %dma_wait3A_514 = arith.constant 0 : i32
      %dma_wait3A_515 = tpu.memref_slice %arg26[%dma_wait3A_513, %dma_wait3A_514] : memref<10008x64xf32, #tpu.memory_space<vmem_shared>> -> memref<10008x64xf32, #tpu.memory_space<vmem_shared>>
      tpu.wait_indirect_dma semaphore(%arg33 : memref<!tpu.dma_semaphore, #tpu.memory_space<semaphore_mem>>) src(%arg15 : memref<80x64xf32, #tpu.memory_space<vmem>>) dst(%dma_wait3A_515 : memref<10008x64xf32, #tpu.memory_space<vmem_shared>>)
      %add3A_516 = arith.constant 1 : i32
      %add3A_517 = arith.addi %add3A_495, %add3A_516 : i32
      %mul3A_518 = arith.constant 16 : i32
      %mul3A_519 = arith.muli %add3A_517, %mul3A_518 : i32
      %add3A_520 = arith.addi %mul3A_519, %arg1 : i32
      %min3A_521 = arith.constant 3999 : i32
      %min3A_522 = arith.minsi %add3A_520, %min3A_521 : i32
      %mul3A_523 = arith.constant 2 : i32
      %mul3A_524 = arith.muli %mul3A_523, %min3A_522 : i32
      %dma_start3A_525 = arith.constant 0 : i32
      %dma_start3A_526 = tpu.memref_slice %arg2[%mul3A_524, %dma_start3A_525] : memref<8000x80xi32, #tpu.memory_space<hbm>> -> memref<2x80xi32, #tpu.memory_space<hbm>>
      %dma_start3A_527 = arith.constant 0 : i32
      %dma_start3A_528 = tpu.memref_slice %arg2[%mul3A_524, %dma_start3A_527] : memref<8000x80xi32, #tpu.memory_space<hbm>> -> memref<2x80xi32, #tpu.memory_space<hbm>>
      tpu.enqueue_dma source(%dma_start3A_528 : memref<2x80xi32, #tpu.memory_space<hbm>>) target(%arg11 : memref<2x80xi32, #tpu.memory_space<vmem>>) target_semaphore(%arg27 : memref<!tpu.dma_semaphore, #tpu.memory_space<semaphore_mem>>)
      %dma_wait3A_529 = arith.constant 0 : i32
      %dma_wait3A_530 = arith.constant 0 : i32
      %dma_wait3A_531 = tpu.memref_slice %arg14[%dma_wait3A_529, %dma_wait3A_530] : memref<3x80xi32, #tpu.memory_space<vmem>> -> memref<1x80xi32, #tpu.memory_space<vmem>>
      %dma_wait3A_532 = tpu.memref_squeeze %dma_wait3A_531 : memref<1x80xi32, #tpu.memory_space<vmem>> -> memref<80xi32, #tpu.memory_space<vmem>>
      %dma_wait3A_533 = arith.constant 0 : i32
      %dma_wait3A_534 = arith.constant 0 : i32
      %dma_wait3A_535 = tpu.memref_slice %arg3[%dma_wait3A_533, %dma_wait3A_534] : memref<20000x64xf32, #tpu.memory_space<hbm>> -> memref<20000x64xf32, #tpu.memory_space<hbm>>
      tpu.wait_indirect_dma semaphore(%arg30 : memref<!tpu.dma_semaphore, #tpu.memory_space<semaphore_mem>>) src(%dma_wait3A_535 : memref<20000x64xf32, #tpu.memory_space<hbm>>) dst(%arg16 : memref<80x64xf32, #tpu.memory_space<vmem>>)
      %dma_wait3A_536 = arith.constant 1 : i32
      %dma_wait3A_537 = arith.constant 0 : i32
      %dma_wait3A_538 = tpu.memref_slice %arg14[%dma_wait3A_536, %dma_wait3A_537] : memref<3x80xi32, #tpu.memory_space<vmem>> -> memref<1x80xi32, #tpu.memory_space<vmem>>
      %dma_wait3A_539 = tpu.memref_squeeze %dma_wait3A_538 : memref<1x80xi32, #tpu.memory_space<vmem>> -> memref<80xi32, #tpu.memory_space<vmem>>
      %dma_wait3A_540 = arith.constant 0 : i32
      %dma_wait3A_541 = arith.constant 0 : i32
      %dma_wait3A_542 = tpu.memref_slice %arg4[%dma_wait3A_540, %dma_wait3A_541] : memref<20000x64xf32, #tpu.memory_space<hbm>> -> memref<20000x64xf32, #tpu.memory_space<hbm>>
      tpu.wait_indirect_dma semaphore(%arg30 : memref<!tpu.dma_semaphore, #tpu.memory_space<semaphore_mem>>) src(%dma_wait3A_542 : memref<20000x64xf32, #tpu.memory_space<hbm>>) dst(%arg18 : memref<80x64xf32, #tpu.memory_space<vmem>>)
      %dma_wait3A_543 = arith.constant 0 : i32
      %dma_wait3A_544 = arith.constant 0 : i32
      %dma_wait3A_545 = tpu.memref_slice %arg14[%dma_wait3A_543, %dma_wait3A_544] : memref<3x80xi32, #tpu.memory_space<vmem>> -> memref<1x80xi32, #tpu.memory_space<vmem>>
      %dma_wait3A_546 = tpu.memref_squeeze %dma_wait3A_545 : memref<1x80xi32, #tpu.memory_space<vmem>> -> memref<80xi32, #tpu.memory_space<vmem>>
      %dma_wait3A_547 = arith.constant 0 : i32
      %dma_wait3A_548 = arith.constant 0 : i32
      %dma_wait3A_549 = tpu.memref_slice %arg5[%dma_wait3A_547, %dma_wait3A_548] : memref<20000x64xf32, #tpu.memory_space<hbm>> -> memref<20000x64xf32, #tpu.memory_space<hbm>>
      tpu.wait_indirect_dma semaphore(%arg30 : memref<!tpu.dma_semaphore, #tpu.memory_space<semaphore_mem>>) src(%dma_wait3A_549 : memref<20000x64xf32, #tpu.memory_space<hbm>>) dst(%arg22 : memref<80x64xf32, #tpu.memory_space<vmem>>)
      %mul3A_550 = arith.constant 64 : i32
      %mul3A_551 = arith.muli %arg0, %mul3A_550 : i32
      %dma_wait3A_552 = arith.constant 0 : i32
      %dma_wait3A_553 = tpu.memref_slice %arg6[%dma_wait3A_552, %mul3A_551] : memref<320000x128xf32, #tpu.memory_space<hbm>> -> memref<80x64xf32, #tpu.memory_space<hbm>>
      %dma_wait3A_554 = arith.constant 0 : i32
      %dma_wait3A_555 = tpu.memref_slice %arg6[%dma_wait3A_554, %mul3A_551] : memref<320000x128xf32, #tpu.memory_space<hbm>> -> memref<80x64xf32, #tpu.memory_space<hbm>>
      tpu.wait_dma2 semaphore(%arg30 : memref<!tpu.dma_semaphore, #tpu.memory_space<semaphore_mem>>) src(%dma_wait3A_555 : memref<80x64xf32, #tpu.memory_space<hbm>>) dst(%arg20 : memref<80x64xf32, #tpu.memory_space<vmem>>)
      %broadcast_in_dim3A_556 = arith.constant 0.000000e+00 : f32
      %broadcast_in_dim3A_557 = vector.broadcast %broadcast_in_dim3A_556 : f32 to vector<16xf32>
      %scan3A_558 = arith.constant 0 : i32
      %scan3A_559 = arith.constant 80 : i32
      %scan3A_560 = arith.addi %scan3A_558, %scan3A_559 : i32
      %scan3A_561 = arith.constant 1 : i32
      %scan3A_562:8 = scf.for %scan3A_673 = %scan3A_558 to %scan3A_560 step %scan3A_561 iter_args(%scan3A_674 = %broadcast_in_dim3A_557, %scan3A_675 = %broadcast_in_dim3A_557, %scan3A_676 = %broadcast_in_dim3A_557, %scan3A_677 = %broadcast_in_dim3A_557, %scan3A_678 = %broadcast_in_dim3A_557, %scan3A_679 = %broadcast_in_dim3A_557, %scan3A_680 = %broadcast_in_dim3A_557, %scan3A_681 = %broadcast_in_dim3A_557) -> (vector<16xf32>, vector<16xf32>, vector<16xf32>, vector<16xf32>, vector<16xf32>, vector<16xf32>, vector<16xf32>, vector<16xf32>)  : i32 {
        %get3A = arith.index_cast %scan3A_673 : i32 to index
        %get3A_682 = arith.constant 0 : index
        %get3A_683 = tpu.vector_load %arg16[%get3A, %get3A_682] {strides = array<i32>} : memref<80x64xf32, #tpu.memory_space<vmem>>, vector<1x16xf32>,
        %get3A_684 = vector.shape_cast %get3A_683 : vector<1x16xf32> to vector<16xf32>
        %get3A_685 = arith.index_cast %scan3A_673 : i32 to index
        %get3A_686 = arith.constant 0 : index
        %get3A_687 = tpu.vector_load %arg18[%get3A_685, %get3A_686] {strides = array<i32>} : memref<80x64xf32, #tpu.memory_space<vmem>>, vector<1x16xf32>,
        %get3A_688 = vector.shape_cast %get3A_687 : vector<1x16xf32> to vector<16xf32>
        %add3A_689 = arith.addf %get3A_684, %get3A_688 : vector<16xf32>
        %get3A_690 = arith.index_cast %scan3A_673 : i32 to index
        %get3A_691 = arith.constant 0 : index
        %get3A_692 = tpu.vector_load %arg20[%get3A_690, %get3A_691] {strides = array<i32>} : memref<80x64xf32, #tpu.memory_space<vmem>>, vector<1x16xf32>,
        %get3A_693 = vector.shape_cast %get3A_692 : vector<1x16xf32> to vector<16xf32>
        %add3A_694 = arith.addf %add3A_689, %get3A_693 : vector<16xf32>
        %swap3A_695 = arith.index_cast %scan3A_673 : i32 to index
        %swap3A_696 = arith.constant 0 : index
        %swap3A_697 = tpu.vector_load %arg20[%swap3A_695, %swap3A_696] {strides = array<i32>} : memref<80x64xf32, #tpu.memory_space<vmem>>, vector<1x16xf32>,
        %swap3A_698 = vector.shape_cast %swap3A_697 : vector<1x16xf32> to vector<16xf32>
        %swap3A_699 = vector.shape_cast %add3A_694 : vector<16xf32> to vector<1x16xf32>
        tpu.vector_store %arg20[%swap3A_695, %swap3A_696], %swap3A_699 {strides = array<i32>} : memref<80x64xf32, #tpu.memory_space<vmem>>, vector<1x16xf32>,
        %neg3A = arith.constant 0.000000e+00 : f32
        %neg3A_700 = vector.broadcast %neg3A : f32 to vector<16xf32>
        %neg3A_701 = arith.subf %neg3A_700, %add3A_694 : vector<16xf32>
        %exp3A = math.exp %neg3A_701 : vector<16xf32>
        %add3A_702 = arith.constant 1.000000e+00 : f32
        %add3A_703 = vector.broadcast %add3A_702 : f32 to vector<16xf32>
        %add3A_704 = arith.addf %add3A_703, %exp3A : vector<16xf32>
        %div3A = arith.constant 1.000000e+00 : f32
        %div3A_705 = vector.broadcast %div3A : f32 to vector<16xf32>
        %div3A_706 = arith.divf %div3A_705, %add3A_704 : vector<16xf32>
        %swap3A_707 = arith.index_cast %scan3A_673 : i32 to index
        %swap3A_708 = arith.constant 0 : index
        %swap3A_709 = tpu.vector_load %arg16[%swap3A_707, %swap3A_708] {strides = array<i32>} : memref<80x64xf32, #tpu.memory_space<vmem>>, vector<1x16xf32>,
        %swap3A_710 = vector.shape_cast %swap3A_709 : vector<1x16xf32> to vector<16xf32>
        %swap3A_711 = vector.shape_cast %div3A_706 : vector<16xf32> to vector<1x16xf32>
        tpu.vector_store %arg16[%swap3A_707, %swap3A_708], %swap3A_711 {strides = array<i32>} : memref<80x64xf32, #tpu.memory_space<vmem>>, vector<1x16xf32>,
        %get3A_712 = arith.index_cast %scan3A_673 : i32 to index
        %get3A_713 = arith.constant 0 : index
        %get3A_714 = tpu.vector_load %arg22[%get3A_712, %get3A_713] {strides = array<i32>} : memref<80x64xf32, #tpu.memory_space<vmem>>, vector<1x16xf32>,
        %get3A_715 = vector.shape_cast %get3A_714 : vector<1x16xf32> to vector<16xf32>
        %mul3A_716 = arith.mulf %get3A_715, %div3A_706 : vector<16xf32>
        %swap3A_717 = arith.index_cast %scan3A_673 : i32 to index
        %swap3A_718 = arith.constant 0 : index
        %swap3A_719 = tpu.vector_load %arg22[%swap3A_717, %swap3A_718] {strides = array<i32>} : memref<80x64xf32, #tpu.memory_space<vmem>>, vector<1x16xf32>,
        %swap3A_720 = vector.shape_cast %swap3A_719 : vector<1x16xf32> to vector<16xf32>
        %swap3A_721 = vector.shape_cast %mul3A_716 : vector<16xf32> to vector<1x16xf32>
        tpu.vector_store %arg22[%swap3A_717, %swap3A_718], %swap3A_721 {strides = array<i32>} : memref<80x64xf32, #tpu.memory_space<vmem>>, vector<1x16xf32>,
        %add3A_722 = arith.addf %scan3A_674, %add3A_694 : vector<16xf32>
        %mul3A_723 = arith.mulf %add3A_694, %add3A_694 : vector<16xf32>
        %add3A_724 = arith.addf %scan3A_678, %mul3A_723 : vector<16xf32>
        %get3A_725 = arith.index_cast %scan3A_673 : i32 to index
        %get3A_726 = arith.constant 16 : index
        %get3A_727 = tpu.vector_load %arg16[%get3A_725, %get3A_726] {strides = array<i32>} : memref<80x64xf32, #tpu.memory_space<vmem>>, vector<1x16xf32>,
        %get3A_728 = vector.shape_cast %get3A_727 : vector<1x16xf32> to vector<16xf32>
        %get3A_729 = arith.index_cast %scan3A_673 : i32 to index
        %get3A_730 = arith.constant 16 : index
        %get3A_731 = tpu.vector_load %arg18[%get3A_729, %get3A_730] {strides = array<i32>} : memref<80x64xf32, #tpu.memory_space<vmem>>, vector<1x16xf32>,
        %get3A_732 = vector.shape_cast %get3A_731 : vector<1x16xf32> to vector<16xf32>
        %add3A_733 = arith.addf %get3A_728, %get3A_732 : vector<16xf32>
        %get3A_734 = arith.index_cast %scan3A_673 : i32 to index
        %get3A_735 = arith.constant 16 : index
        %get3A_736 = tpu.vector_load %arg20[%get3A_734, %get3A_735] {strides = array<i32>} : memref<80x64xf32, #tpu.memory_space<vmem>>, vector<1x16xf32>,
        %get3A_737 = vector.shape_cast %get3A_736 : vector<1x16xf32> to vector<16xf32>
        %add3A_738 = arith.addf %add3A_733, %get3A_737 : vector<16xf32>
        %swap3A_739 = arith.index_cast %scan3A_673 : i32 to index
        %swap3A_740 = arith.constant 16 : index
        %swap3A_741 = tpu.vector_load %arg20[%swap3A_739, %swap3A_740] {strides = array<i32>} : memref<80x64xf32, #tpu.memory_space<vmem>>, vector<1x16xf32>,
        %swap3A_742 = vector.shape_cast %swap3A_741 : vector<1x16xf32> to vector<16xf32>
        %swap3A_743 = vector.shape_cast %add3A_738 : vector<16xf32> to vector<1x16xf32>
        tpu.vector_store %arg20[%swap3A_739, %swap3A_740], %swap3A_743 {strides = array<i32>} : memref<80x64xf32, #tpu.memory_space<vmem>>, vector<1x16xf32>,
        %neg3A_744 = arith.constant 0.000000e+00 : f32
        %neg3A_745 = vector.broadcast %neg3A_744 : f32 to vector<16xf32>
        %neg3A_746 = arith.subf %neg3A_745, %add3A_738 : vector<16xf32>
        %exp3A_747 = math.exp %neg3A_746 : vector<16xf32>
        %add3A_748 = arith.constant 1.000000e+00 : f32
        %add3A_749 = vector.broadcast %add3A_748 : f32 to vector<16xf32>
        %add3A_750 = arith.addf %add3A_749, %exp3A_747 : vector<16xf32>
        %div3A_751 = arith.constant 1.000000e+00 : f32
        %div3A_752 = vector.broadcast %div3A_751 : f32 to vector<16xf32>
        %div3A_753 = arith.divf %div3A_752, %add3A_750 : vector<16xf32>
        %swap3A_754 = arith.index_cast %scan3A_673 : i32 to index
        %swap3A_755 = arith.constant 16 : index
        %swap3A_756 = tpu.vector_load %arg16[%swap3A_754, %swap3A_755] {strides = array<i32>} : memref<80x64xf32, #tpu.memory_space<vmem>>, vector<1x16xf32>,
        %swap3A_757 = vector.shape_cast %swap3A_756 : vector<1x16xf32> to vector<16xf32>
        %swap3A_758 = vector.shape_cast %div3A_753 : vector<16xf32> to vector<1x16xf32>
        tpu.vector_store %arg16[%swap3A_754, %swap3A_755], %swap3A_758 {strides = array<i32>} : memref<80x64xf32, #tpu.memory_space<vmem>>, vector<1x16xf32>,
        %get3A_759 = arith.index_cast %scan3A_673 : i32 to index
        %get3A_760 = arith.constant 16 : index
        %get3A_761 = tpu.vector_load %arg22[%get3A_759, %get3A_760] {strides = array<i32>} : memref<80x64xf32, #tpu.memory_space<vmem>>, vector<1x16xf32>,
        %get3A_762 = vector.shape_cast %get3A_761 : vector<1x16xf32> to vector<16xf32>
        %mul3A_763 = arith.mulf %get3A_762, %div3A_753 : vector<16xf32>
        %swap3A_764 = arith.index_cast %scan3A_673 : i32 to index
        %swap3A_765 = arith.constant 16 : index
        %swap3A_766 = tpu.vector_load %arg22[%swap3A_764, %swap3A_765] {strides = array<i32>} : memref<80x64xf32, #tpu.memory_space<vmem>>, vector<1x16xf32>,
        %swap3A_767 = vector.shape_cast %swap3A_766 : vector<1x16xf32> to vector<16xf32>
        %swap3A_768 = vector.shape_cast %mul3A_763 : vector<16xf32> to vector<1x16xf32>
        tpu.vector_store %arg22[%swap3A_764, %swap3A_765], %swap3A_768 {strides = array<i32>} : memref<80x64xf32, #tpu.memory_space<vmem>>, vector<1x16xf32>,
        %add3A_769 = arith.addf %scan3A_675, %add3A_738 : vector<16xf32>
        %mul3A_770 = arith.mulf %add3A_738, %add3A_738 : vector<16xf32>
        %add3A_771 = arith.addf %scan3A_679, %mul3A_770 : vector<16xf32>
        %get3A_772 = arith.index_cast %scan3A_673 : i32 to index
        %get3A_773 = arith.constant 32 : index
        %get3A_774 = tpu.vector_load %arg16[%get3A_772, %get3A_773] {strides = array<i32>} : memref<80x64xf32, #tpu.memory_space<vmem>>, vector<1x16xf32>,
        %get3A_775 = vector.shape_cast %get3A_774 : vector<1x16xf32> to vector<16xf32>
        %get3A_776 = arith.index_cast %scan3A_673 : i32 to index
        %get3A_777 = arith.constant 32 : index
        %get3A_778 = tpu.vector_load %arg18[%get3A_776, %get3A_777] {strides = array<i32>} : memref<80x64xf32, #tpu.memory_space<vmem>>, vector<1x16xf32>,
        %get3A_779 = vector.shape_cast %get3A_778 : vector<1x16xf32> to vector<16xf32>
        %add3A_780 = arith.addf %get3A_775, %get3A_779 : vector<16xf32>
        %get3A_781 = arith.index_cast %scan3A_673 : i32 to index
        %get3A_782 = arith.constant 32 : index
        %get3A_783 = tpu.vector_load %arg20[%get3A_781, %get3A_782] {strides = array<i32>} : memref<80x64xf32, #tpu.memory_space<vmem>>, vector<1x16xf32>,
        %get3A_784 = vector.shape_cast %get3A_783 : vector<1x16xf32> to vector<16xf32>
        %add3A_785 = arith.addf %add3A_780, %get3A_784 : vector<16xf32>
        %swap3A_786 = arith.index_cast %scan3A_673 : i32 to index
        %swap3A_787 = arith.constant 32 : index
        %swap3A_788 = tpu.vector_load %arg20[%swap3A_786, %swap3A_787] {strides = array<i32>} : memref<80x64xf32, #tpu.memory_space<vmem>>, vector<1x16xf32>,
        %swap3A_789 = vector.shape_cast %swap3A_788 : vector<1x16xf32> to vector<16xf32>
        %swap3A_790 = vector.shape_cast %add3A_785 : vector<16xf32> to vector<1x16xf32>
        tpu.vector_store %arg20[%swap3A_786, %swap3A_787], %swap3A_790 {strides = array<i32>} : memref<80x64xf32, #tpu.memory_space<vmem>>, vector<1x16xf32>,
        %neg3A_791 = arith.constant 0.000000e+00 : f32
        %neg3A_792 = vector.broadcast %neg3A_791 : f32 to vector<16xf32>
        %neg3A_793 = arith.subf %neg3A_792, %add3A_785 : vector<16xf32>
        %exp3A_794 = math.exp %neg3A_793 : vector<16xf32>
        %add3A_795 = arith.constant 1.000000e+00 : f32
        %add3A_796 = vector.broadcast %add3A_795 : f32 to vector<16xf32>
        %add3A_797 = arith.addf %add3A_796, %exp3A_794 : vector<16xf32>
        %div3A_798 = arith.constant 1.000000e+00 : f32
        %div3A_799 = vector.broadcast %div3A_798 : f32 to vector<16xf32>
        %div3A_800 = arith.divf %div3A_799, %add3A_797 : vector<16xf32>
        %swap3A_801 = arith.index_cast %scan3A_673 : i32 to index
        %swap3A_802 = arith.constant 32 : index
        %swap3A_803 = tpu.vector_load %arg16[%swap3A_801, %swap3A_802] {strides = array<i32>} : memref<80x64xf32, #tpu.memory_space<vmem>>, vector<1x16xf32>,
        %swap3A_804 = vector.shape_cast %swap3A_803 : vector<1x16xf32> to vector<16xf32>
        %swap3A_805 = vector.shape_cast %div3A_800 : vector<16xf32> to vector<1x16xf32>
        tpu.vector_store %arg16[%swap3A_801, %swap3A_802], %swap3A_805 {strides = array<i32>} : memref<80x64xf32, #tpu.memory_space<vmem>>, vector<1x16xf32>,
        %get3A_806 = arith.index_cast %scan3A_673 : i32 to index
        %get3A_807 = arith.constant 32 : index
        %get3A_808 = tpu.vector_load %arg22[%get3A_806, %get3A_807] {strides = array<i32>} : memref<80x64xf32, #tpu.memory_space<vmem>>, vector<1x16xf32>,
        %get3A_809 = vector.shape_cast %get3A_808 : vector<1x16xf32> to vector<16xf32>
        %mul3A_810 = arith.mulf %get3A_809, %div3A_800 : vector<16xf32>
        %swap3A_811 = arith.index_cast %scan3A_673 : i32 to index
        %swap3A_812 = arith.constant 32 : index
        %swap3A_813 = tpu.vector_load %arg22[%swap3A_811, %swap3A_812] {strides = array<i32>} : memref<80x64xf32, #tpu.memory_space<vmem>>, vector<1x16xf32>,
        %swap3A_814 = vector.shape_cast %swap3A_813 : vector<1x16xf32> to vector<16xf32>
        %swap3A_815 = vector.shape_cast %mul3A_810 : vector<16xf32> to vector<1x16xf32>
        tpu.vector_store %arg22[%swap3A_811, %swap3A_812], %swap3A_815 {strides = array<i32>} : memref<80x64xf32, #tpu.memory_space<vmem>>, vector<1x16xf32>,
        %add3A_816 = arith.addf %scan3A_676, %add3A_785 : vector<16xf32>
        %mul3A_817 = arith.mulf %add3A_785, %add3A_785 : vector<16xf32>
        %add3A_818 = arith.addf %scan3A_680, %mul3A_817 : vector<16xf32>
        %get3A_819 = arith.index_cast %scan3A_673 : i32 to index
        %get3A_820 = arith.constant 48 : index
        %get3A_821 = tpu.vector_load %arg16[%get3A_819, %get3A_820] {strides = array<i32>} : memref<80x64xf32, #tpu.memory_space<vmem>>, vector<1x16xf32>,
        %get3A_822 = vector.shape_cast %get3A_821 : vector<1x16xf32> to vector<16xf32>
        %get3A_823 = arith.index_cast %scan3A_673 : i32 to index
        %get3A_824 = arith.constant 48 : index
        %get3A_825 = tpu.vector_load %arg18[%get3A_823, %get3A_824] {strides = array<i32>} : memref<80x64xf32, #tpu.memory_space<vmem>>, vector<1x16xf32>,
        %get3A_826 = vector.shape_cast %get3A_825 : vector<1x16xf32> to vector<16xf32>
        %add3A_827 = arith.addf %get3A_822, %get3A_826 : vector<16xf32>
        %get3A_828 = arith.index_cast %scan3A_673 : i32 to index
        %get3A_829 = arith.constant 48 : index
        %get3A_830 = tpu.vector_load %arg20[%get3A_828, %get3A_829] {strides = array<i32>} : memref<80x64xf32, #tpu.memory_space<vmem>>, vector<1x16xf32>,
        %get3A_831 = vector.shape_cast %get3A_830 : vector<1x16xf32> to vector<16xf32>
        %add3A_832 = arith.addf %add3A_827, %get3A_831 : vector<16xf32>
        %swap3A_833 = arith.index_cast %scan3A_673 : i32 to index
        %swap3A_834 = arith.constant 48 : index
        %swap3A_835 = tpu.vector_load %arg20[%swap3A_833, %swap3A_834] {strides = array<i32>} : memref<80x64xf32, #tpu.memory_space<vmem>>, vector<1x16xf32>,
        %swap3A_836 = vector.shape_cast %swap3A_835 : vector<1x16xf32> to vector<16xf32>
        %swap3A_837 = vector.shape_cast %add3A_832 : vector<16xf32> to vector<1x16xf32>
        tpu.vector_store %arg20[%swap3A_833, %swap3A_834], %swap3A_837 {strides = array<i32>} : memref<80x64xf32, #tpu.memory_space<vmem>>, vector<1x16xf32>,
        %neg3A_838 = arith.constant 0.000000e+00 : f32
        %neg3A_839 = vector.broadcast %neg3A_838 : f32 to vector<16xf32>
        %neg3A_840 = arith.subf %neg3A_839, %add3A_832 : vector<16xf32>
        %exp3A_841 = math.exp %neg3A_840 : vector<16xf32>
        %add3A_842 = arith.constant 1.000000e+00 : f32
        %add3A_843 = vector.broadcast %add3A_842 : f32 to vector<16xf32>
        %add3A_844 = arith.addf %add3A_843, %exp3A_841 : vector<16xf32>
        %div3A_845 = arith.constant 1.000000e+00 : f32
        %div3A_846 = vector.broadcast %div3A_845 : f32 to vector<16xf32>
        %div3A_847 = arith.divf %div3A_846, %add3A_844 : vector<16xf32>
        %swap3A_848 = arith.index_cast %scan3A_673 : i32 to index
        %swap3A_849 = arith.constant 48 : index
        %swap3A_850 = tpu.vector_load %arg16[%swap3A_848, %swap3A_849] {strides = array<i32>} : memref<80x64xf32, #tpu.memory_space<vmem>>, vector<1x16xf32>,
        %swap3A_851 = vector.shape_cast %swap3A_850 : vector<1x16xf32> to vector<16xf32>
        %swap3A_852 = vector.shape_cast %div3A_847 : vector<16xf32> to vector<1x16xf32>
        tpu.vector_store %arg16[%swap3A_848, %swap3A_849], %swap3A_852 {strides = array<i32>} : memref<80x64xf32, #tpu.memory_space<vmem>>, vector<1x16xf32>,
        %get3A_853 = arith.index_cast %scan3A_673 : i32 to index
        %get3A_854 = arith.constant 48 : index
        %get3A_855 = tpu.vector_load %arg22[%get3A_853, %get3A_854] {strides = array<i32>} : memref<80x64xf32, #tpu.memory_space<vmem>>, vector<1x16xf32>,
        %get3A_856 = vector.shape_cast %get3A_855 : vector<1x16xf32> to vector<16xf32>
        %mul3A_857 = arith.mulf %get3A_856, %div3A_847 : vector<16xf32>
        %swap3A_858 = arith.index_cast %scan3A_673 : i32 to index
        %swap3A_859 = arith.constant 48 : index
        %swap3A_860 = tpu.vector_load %arg22[%swap3A_858, %swap3A_859] {strides = array<i32>} : memref<80x64xf32, #tpu.memory_space<vmem>>, vector<1x16xf32>,
        %swap3A_861 = vector.shape_cast %swap3A_860 : vector<1x16xf32> to vector<16xf32>
        %swap3A_862 = vector.shape_cast %mul3A_857 : vector<16xf32> to vector<1x16xf32>
        tpu.vector_store %arg22[%swap3A_858, %swap3A_859], %swap3A_862 {strides = array<i32>} : memref<80x64xf32, #tpu.memory_space<vmem>>, vector<1x16xf32>,
        %add3A_863 = arith.addf %scan3A_677, %add3A_832 : vector<16xf32>
        %mul3A_864 = arith.mulf %add3A_832, %add3A_832 : vector<16xf32>
        %add3A_865 = arith.addf %scan3A_681, %mul3A_864 : vector<16xf32>
        scf.yield %add3A_722, %add3A_769, %add3A_816, %add3A_863, %add3A_724, %add3A_771, %add3A_818, %add3A_865 : vector<16xf32>, vector<16xf32>, vector<16xf32>, vector<16xf32>, vector<16xf32>, vector<16xf32>, vector<16xf32>, vector<16xf32>
      }
      %scan3A_563 = arith.constant 80 : i32
      %mul3A_564 = arith.constant 16 : i32
      %mul3A_565 = arith.muli %add3A_495, %mul3A_564 : i32
      %add3A_566 = arith.addi %mul3A_565, %arg1 : i32
      %lt3A_567 = arith.constant 4000 : i32
      %lt3A_568 = arith.cmpi slt, %add3A_566, %lt3A_567 : i32
      %jit3A_569 = arith.constant 1.000000e+00 : f32
      %jit3A_570 = arith.constant 0.000000e+00 : f32
      %select_n3A_571 = arith.select %lt3A_568, %jit3A_569, %jit3A_570 : f32
      %mul3A_572 = vector.broadcast %select_n3A_571 : f32 to vector<16xf32>
      %mul3A_573 = arith.mulf %scan3A_562#0, %mul3A_572 : vector<16xf32>
      %add3A_574 = arith.addf %add3A_395, %mul3A_573 : vector<16xf32>
      %mul3A_575 = vector.broadcast %select_n3A_571 : f32 to vector<16xf32>
      %mul3A_576 = arith.mulf %scan3A_562#1, %mul3A_575 : vector<16xf32>
      %add3A_577 = arith.addf %add3A_398, %mul3A_576 : vector<16xf32>
      %mul3A_578 = vector.broadcast %select_n3A_571 : f32 to vector<16xf32>
      %mul3A_579 = arith.mulf %scan3A_562#2, %mul3A_578 : vector<16xf32>
      %add3A_580 = arith.addf %add3A_401, %mul3A_579 : vector<16xf32>
      %mul3A_581 = vector.broadcast %select_n3A_571 : f32 to vector<16xf32>
      %mul3A_582 = arith.mulf %scan3A_562#3, %mul3A_581 : vector<16xf32>
      %add3A_583 = arith.addf %add3A_404, %mul3A_582 : vector<16xf32>
      %mul3A_584 = vector.broadcast %select_n3A_571 : f32 to vector<16xf32>
      %mul3A_585 = arith.mulf %scan3A_562#4, %mul3A_584 : vector<16xf32>
      %add3A_586 = arith.addf %add3A_407, %mul3A_585 : vector<16xf32>
      %mul3A_587 = vector.broadcast %select_n3A_571 : f32 to vector<16xf32>
      %mul3A_588 = arith.mulf %scan3A_562#5, %mul3A_587 : vector<16xf32>
      %add3A_589 = arith.addf %add3A_410, %mul3A_588 : vector<16xf32>
      %mul3A_590 = vector.broadcast %select_n3A_571 : f32 to vector<16xf32>
      %mul3A_591 = arith.mulf %scan3A_562#6, %mul3A_590 : vector<16xf32>
      %add3A_592 = arith.addf %add3A_413, %mul3A_591 : vector<16xf32>
      %mul3A_593 = vector.broadcast %select_n3A_571 : f32 to vector<16xf32>
      %mul3A_594 = arith.mulf %scan3A_562#7, %mul3A_593 : vector<16xf32>
      %add3A_595 = arith.addf %add3A_416, %mul3A_594 : vector<16xf32>
      %mul3A_596 = arith.constant 16 : i32
      %mul3A_597 = arith.muli %add3A_495, %mul3A_596 : i32
      %add3A_598 = arith.addi %mul3A_597, %arg1 : i32
      %min3A_599 = arith.constant 3999 : i32
      %min3A_600 = arith.minsi %add3A_598, %min3A_599 : i32
      %mul3A_601 = arith.constant 80 : i32
      %mul3A_602 = arith.muli %min3A_600, %mul3A_601 : i32
      %mul3A_603 = arith.constant 64 : i32
      %mul3A_604 = arith.muli %arg0, %mul3A_603 : i32
      %dma_start3A_605 = tpu.memref_slice %arg7[%mul3A_602, %mul3A_604] : memref<320000x128xf32, #tpu.memory_space<hbm>> -> memref<80x64xf32, #tpu.memory_space<hbm>>
      %dma_start3A_606 = tpu.memref_slice %arg7[%mul3A_602, %mul3A_604] : memref<320000x128xf32, #tpu.memory_space<hbm>> -> memref<80x64xf32, #tpu.memory_space<hbm>>
      tpu.enqueue_dma source(%arg20 : memref<80x64xf32, #tpu.memory_space<vmem>>) target(%dma_start3A_606 : memref<80x64xf32, #tpu.memory_space<hbm>>) target_semaphore(%arg32 : memref<!tpu.dma_semaphore, #tpu.memory_space<semaphore_mem>>)
      %dma_start3A_607 = arith.constant 2 : i32
      %dma_start3A_608 = arith.constant 0 : i32
      %dma_start3A_609 = tpu.memref_slice %arg14[%dma_start3A_607, %dma_start3A_608] : memref<3x80xi32, #tpu.memory_space<vmem>> -> memref<1x80xi32, #tpu.memory_space<vmem>>
      %dma_start3A_610 = tpu.memref_squeeze %dma_start3A_609 : memref<1x80xi32, #tpu.memory_space<vmem>> -> memref<80xi32, #tpu.memory_space<vmem>>
      %dma_start3A_611 = arith.constant 0 : i32
      %dma_start3A_612 = arith.constant 0 : i32
      %dma_start3A_613 = tpu.memref_slice %arg25[%dma_start3A_611, %dma_start3A_612] : memref<10008x64xf32, #tpu.memory_space<vmem_shared>> -> memref<10008x64xf32, #tpu.memory_space<vmem_shared>>
      tpu.enqueue_indirect_dma source(%arg22 : memref<80x64xf32, #tpu.memory_space<vmem>>) target(%dma_start3A_613 : memref<10008x64xf32, #tpu.memory_space<vmem_shared>>) offsets(%dma_start3A_610 : memref<80xi32, #tpu.memory_space<vmem>>) semaphore(%arg34 : memref<!tpu.dma_semaphore, #tpu.memory_space<semaphore_mem>>) {add = true}
      %dma_start3A_614 = arith.constant 2 : i32
      %dma_start3A_615 = arith.constant 0 : i32
      %dma_start3A_616 = tpu.memref_slice %arg14[%dma_start3A_614, %dma_start3A_615] : memref<3x80xi32, #tpu.memory_space<vmem>> -> memref<1x80xi32, #tpu.memory_space<vmem>>
      %dma_start3A_617 = tpu.memref_squeeze %dma_start3A_616 : memref<1x80xi32, #tpu.memory_space<vmem>> -> memref<80xi32, #tpu.memory_space<vmem>>
      %dma_start3A_618 = arith.constant 0 : i32
      %dma_start3A_619 = arith.constant 0 : i32
      %dma_start3A_620 = tpu.memref_slice %arg26[%dma_start3A_618, %dma_start3A_619] : memref<10008x64xf32, #tpu.memory_space<vmem_shared>> -> memref<10008x64xf32, #tpu.memory_space<vmem_shared>>
      tpu.enqueue_indirect_dma source(%arg16 : memref<80x64xf32, #tpu.memory_space<vmem>>) target(%dma_start3A_620 : memref<10008x64xf32, #tpu.memory_space<vmem_shared>>) offsets(%dma_start3A_617 : memref<80xi32, #tpu.memory_space<vmem>>) semaphore(%arg34 : memref<!tpu.dma_semaphore, #tpu.memory_space<semaphore_mem>>) {add = true}
      %add3A_621 = arith.constant 1 : i32
      %add3A_622 = arith.addi %add3A_495, %add3A_621 : i32
      %dma_wait3A_623 = arith.constant 0 : i32
      %dma_wait3A_624 = arith.constant 0 : i32
      %dma_wait3A_625 = tpu.memref_slice %arg2[%dma_wait3A_623, %dma_wait3A_624] : memref<8000x80xi32, #tpu.memory_space<hbm>> -> memref<2x80xi32, #tpu.memory_space<hbm>>
      %dma_wait3A_626 = arith.constant 0 : i32
      %dma_wait3A_627 = arith.constant 0 : i32
      %dma_wait3A_628 = tpu.memref_slice %arg2[%dma_wait3A_626, %dma_wait3A_627] : memref<8000x80xi32, #tpu.memory_space<hbm>> -> memref<2x80xi32, #tpu.memory_space<hbm>>
      tpu.wait_dma2 semaphore(%arg27 : memref<!tpu.dma_semaphore, #tpu.memory_space<semaphore_mem>>) src(%dma_wait3A_628 : memref<2x80xi32, #tpu.memory_space<hbm>>) dst(%arg11 : memref<2x80xi32, #tpu.memory_space<vmem>>)
      %mul3A_629 = arith.constant 16 : i32
      %mul3A_630 = arith.muli %add3A_622, %mul3A_629 : i32
      %add3A_631 = arith.addi %mul3A_630, %arg1 : i32
      %lt3A_632 = arith.constant 4000 : i32
      %lt3A_633 = arith.cmpi slt, %add3A_631, %lt3A_632 : i32
      %scan3A_634 = arith.constant 0 : i32
      %scan3A_635 = arith.constant 0 : i32
      %scan3A_636 = arith.constant 5 : i32
      %scan3A_637 = arith.addi %scan3A_635, %scan3A_636 : i32
      %scan3A_638 = arith.constant 1 : i32
      %scan3A_639 = scf.for %scan3A_673 = %scan3A_635 to %scan3A_637 step %scan3A_638 iter_args(%scan3A_674 = %scan3A_634) -> (i32)  : i32 {
        %mul3A_675 = arith.constant 16 : i32
        %mul3A_676 = arith.muli %scan3A_673, %mul3A_675 : i32
        %get3A = arith.constant 0 : i32
        %get3A_677 = arith.index_cast %get3A : i32 to index
        %get3A_678 = arith.index_cast %mul3A_676 : i32 to index
        %get3A_679 = tpu.vector_load %arg11[%get3A_677, %get3A_678] {strides = array<i32>} : memref<2x80xi32, #tpu.memory_space<vmem>>, vector<1x16xi32>,
        %get3A_680 = vector.shape_cast %get3A_679 : vector<1x16xi32> to vector<16xi32>
        %get3A_681 = arith.constant 1 : i32
        %get3A_682 = arith.index_cast %get3A_681 : i32 to index
        %get3A_683 = arith.index_cast %mul3A_676 : i32 to index
        %get3A_684 = tpu.vector_load %arg11[%get3A_682, %get3A_683] {strides = array<i32>} : memref<2x80xi32, #tpu.memory_space<vmem>>, vector<1x16xi32>,
        %get3A_685 = vector.shape_cast %get3A_684 : vector<1x16xi32> to vector<16xi32>
        %add3A_686 = vector.broadcast %mul3A_0 : i32 to vector<16xi32>
        %add3A_687 = arith.addi %get3A_680, %add3A_686 : vector<16xi32>
        %swap3A_688 = arith.constant 0 : i32
        %swap3A_689 = arith.index_cast %swap3A_688 : i32 to index
        %swap3A_690 = arith.index_cast %mul3A_676 : i32 to index
        %swap3A_691 = tpu.vector_load %arg13[%swap3A_689, %swap3A_690] {strides = array<i32>} : memref<3x80xi32, #tpu.memory_space<vmem>>, vector<1x16xi32>,
        %swap3A_692 = vector.shape_cast %swap3A_691 : vector<1x16xi32> to vector<16xi32>
        %swap3A_693 = vector.shape_cast %add3A_687 : vector<16xi32> to vector<1x16xi32>
        tpu.vector_store %arg13[%swap3A_689, %swap3A_690], %swap3A_693 {strides = array<i32>} : memref<3x80xi32, #tpu.memory_space<vmem>>, vector<1x16xi32>,
        %add3A_694 = vector.broadcast %mul3A_0 : i32 to vector<16xi32>
        %add3A_695 = arith.addi %get3A_685, %add3A_694 : vector<16xi32>
        %swap3A_696 = arith.constant 1 : i32
        %swap3A_697 = arith.index_cast %swap3A_696 : i32 to index
        %swap3A_698 = arith.index_cast %mul3A_676 : i32 to index
        %swap3A_699 = tpu.vector_load %arg13[%swap3A_697, %swap3A_698] {strides = array<i32>} : memref<3x80xi32, #tpu.memory_space<vmem>>, vector<1x16xi32>,
        %swap3A_700 = vector.shape_cast %swap3A_699 : vector<1x16xi32> to vector<16xi32>
        %swap3A_701 = vector.shape_cast %add3A_695 : vector<16xi32> to vector<1x16xi32>
        tpu.vector_store %arg13[%swap3A_697, %swap3A_698], %swap3A_701 {strides = array<i32>} : memref<3x80xi32, #tpu.memory_space<vmem>>, vector<1x16xi32>,
        %broadcast_in_dim3A_702 = arith.constant 10000 : i32
        %broadcast_in_dim3A_703 = vector.broadcast %broadcast_in_dim3A_702 : i32 to vector<16xi32>
        %select_n3A_704 = arith.select %lt3A_633, %get3A_685, %broadcast_in_dim3A_703 : vector<16xi32>
        %swap3A_705 = arith.constant 2 : i32
        %swap3A_706 = arith.index_cast %swap3A_705 : i32 to index
        %swap3A_707 = arith.index_cast %mul3A_676 : i32 to index
        %swap3A_708 = tpu.vector_load %arg13[%swap3A_706, %swap3A_707] {strides = array<i32>} : memref<3x80xi32, #tpu.memory_space<vmem>>, vector<1x16xi32>,
        %swap3A_709 = vector.shape_cast %swap3A_708 : vector<1x16xi32> to vector<16xi32>
        %swap3A_710 = vector.shape_cast %select_n3A_704 : vector<16xi32> to vector<1x16xi32>
        tpu.vector_store %arg13[%swap3A_706, %swap3A_707], %swap3A_710 {strides = array<i32>} : memref<3x80xi32, #tpu.memory_space<vmem>>, vector<1x16xi32>,
        %scan3A_711 = arith.constant 0 : i32
        scf.yield %scan3A_711 : i32
      }
      %scan3A_640 = arith.constant 5 : i32
      %mul3A_641 = arith.constant 16 : i32
      %mul3A_642 = arith.muli %add3A_622, %mul3A_641 : i32
      %add3A_643 = arith.addi %mul3A_642, %arg1 : i32
      %min3A_644 = arith.constant 3999 : i32
      %min3A_645 = arith.minsi %add3A_643, %min3A_644 : i32
      %dma_start3A_646 = arith.constant 0 : i32
      %dma_start3A_647 = arith.constant 0 : i32
      %dma_start3A_648 = tpu.memref_slice %arg13[%dma_start3A_646, %dma_start3A_647] : memref<3x80xi32, #tpu.memory_space<vmem>> -> memref<1x80xi32, #tpu.memory_space<vmem>>
      %dma_start3A_649 = tpu.memref_squeeze %dma_start3A_648 : memref<1x80xi32, #tpu.memory_space<vmem>> -> memref<80xi32, #tpu.memory_space<vmem>>
      %dma_start3A_650 = arith.constant 0 : i32
      %dma_start3A_651 = arith.constant 0 : i32
      %dma_start3A_652 = tpu.memref_slice %arg3[%dma_start3A_650, %dma_start3A_651] : memref<20000x64xf32, #tpu.memory_space<hbm>> -> memref<20000x64xf32, #tpu.memory_space<hbm>>
      tpu.enqueue_indirect_dma source(%dma_start3A_652 : memref<20000x64xf32, #tpu.memory_space<hbm>>) target(%arg15 : memref<80x64xf32, #tpu.memory_space<vmem>>) offsets(%dma_start3A_649 : memref<80xi32, #tpu.memory_space<vmem>>) semaphore(%arg29 : memref<!tpu.dma_semaphore, #tpu.memory_space<semaphore_mem>>)
      %dma_start3A_653 = arith.constant 1 : i32
      %dma_start3A_654 = arith.constant 0 : i32
      %dma_start3A_655 = tpu.memref_slice %arg13[%dma_start3A_653, %dma_start3A_654] : memref<3x80xi32, #tpu.memory_space<vmem>> -> memref<1x80xi32, #tpu.memory_space<vmem>>
      %dma_start3A_656 = tpu.memref_squeeze %dma_start3A_655 : memref<1x80xi32, #tpu.memory_space<vmem>> -> memref<80xi32, #tpu.memory_space<vmem>>
      %dma_start3A_657 = arith.constant 0 : i32
      %dma_start3A_658 = arith.constant 0 : i32
      %dma_start3A_659 = tpu.memref_slice %arg4[%dma_start3A_657, %dma_start3A_658] : memref<20000x64xf32, #tpu.memory_space<hbm>> -> memref<20000x64xf32, #tpu.memory_space<hbm>>
      tpu.enqueue_indirect_dma source(%dma_start3A_659 : memref<20000x64xf32, #tpu.memory_space<hbm>>) target(%arg17 : memref<80x64xf32, #tpu.memory_space<vmem>>) offsets(%dma_start3A_656 : memref<80xi32, #tpu.memory_space<vmem>>) semaphore(%arg29 : memref<!tpu.dma_semaphore, #tpu.memory_space<semaphore_mem>>)
      %dma_start3A_660 = arith.constant 0 : i32
      %dma_start3A_661 = arith.constant 0 : i32
      %dma_start3A_662 = tpu.memref_slice %arg13[%dma_start3A_660, %dma_start3A_661] : memref<3x80xi32, #tpu.memory_space<vmem>> -> memref<1x80xi32, #tpu.memory_space<vmem>>
      %dma_start3A_663 = tpu.memref_squeeze %dma_start3A_662 : memref<1x80xi32, #tpu.memory_space<vmem>> -> memref<80xi32, #tpu.memory_space<vmem>>
      %dma_start3A_664 = arith.constant 0 : i32
      %dma_start3A_665 = arith.constant 0 : i32
      %dma_start3A_666 = tpu.memref_slice %arg5[%dma_start3A_664, %dma_start3A_665] : memref<20000x64xf32, #tpu.memory_space<hbm>> -> memref<20000x64xf32, #tpu.memory_space<hbm>>
      tpu.enqueue_indirect_dma source(%dma_start3A_666 : memref<20000x64xf32, #tpu.memory_space<hbm>>) target(%arg21 : memref<80x64xf32, #tpu.memory_space<vmem>>) offsets(%dma_start3A_663 : memref<80xi32, #tpu.memory_space<vmem>>) semaphore(%arg29 : memref<!tpu.dma_semaphore, #tpu.memory_space<semaphore_mem>>)
      %mul3A_667 = arith.constant 80 : i32
      %mul3A_668 = arith.muli %min3A_645, %mul3A_667 : i32
      %mul3A_669 = arith.constant 64 : i32
      %mul3A_670 = arith.muli %arg0, %mul3A_669 : i32
      %dma_start3A_671 = tpu.memref_slice %arg6[%mul3A_668, %mul3A_670] : memref<320000x128xf32, #tpu.memory_space<hbm>> -> memref<80x64xf32, #tpu.memory_space<hbm>>
      %dma_start3A_672 = tpu.memref_slice %arg6[%mul3A_668, %mul3A_670] : memref<320000x128xf32, #tpu.memory_space<hbm>> -> memref<80x64xf32, #tpu.memory_space<hbm>>
      tpu.enqueue_dma source(%dma_start3A_672 : memref<80x64xf32, #tpu.memory_space<hbm>>) target(%arg19 : memref<80x64xf32, #tpu.memory_space<vmem>>) target_semaphore(%arg29 : memref<!tpu.dma_semaphore, #tpu.memory_space<semaphore_mem>>)
      scf.yield %add3A_574, %add3A_577, %add3A_580, %add3A_583, %add3A_586, %add3A_589, %add3A_592, %add3A_595 : vector<16xf32>, vector<16xf32>, vector<16xf32>, vector<16xf32>, vector<16xf32>, vector<16xf32>, vector<16xf32>, vector<16xf32>
    }
    %scan3A_116 = arith.constant 125 : i32
    %dma_wait3A_117 = arith.constant 0 : i32
    %dma_wait3A_118 = arith.constant 0 : i32
    %dma_wait3A_119 = tpu.memref_slice %arg13[%dma_wait3A_117, %dma_wait3A_118] : memref<3x80xi32, #tpu.memory_space<vmem>> -> memref<1x80xi32, #tpu.memory_space<vmem>>
    %dma_wait3A_120 = tpu.memref_squeeze %dma_wait3A_119 : memref<1x80xi32, #tpu.memory_space<vmem>> -> memref<80xi32, #tpu.memory_space<vmem>>
    %dma_wait3A_121 = arith.constant 0 : i32
    %dma_wait3A_122 = arith.constant 0 : i32
    %dma_wait3A_123 = tpu.memref_slice %arg3[%dma_wait3A_121, %dma_wait3A_122] : memref<20000x64xf32, #tpu.memory_space<hbm>> -> memref<20000x64xf32, #tpu.memory_space<hbm>>
    tpu.wait_indirect_dma semaphore(%arg29 : memref<!tpu.dma_semaphore, #tpu.memory_space<semaphore_mem>>) src(%dma_wait3A_123 : memref<20000x64xf32, #tpu.memory_space<hbm>>) dst(%arg15 : memref<80x64xf32, #tpu.memory_space<vmem>>)
    %dma_wait3A_124 = arith.constant 1 : i32
    %dma_wait3A_125 = arith.constant 0 : i32
    %dma_wait3A_126 = tpu.memref_slice %arg13[%dma_wait3A_124, %dma_wait3A_125] : memref<3x80xi32, #tpu.memory_space<vmem>> -> memref<1x80xi32, #tpu.memory_space<vmem>>
    %dma_wait3A_127 = tpu.memref_squeeze %dma_wait3A_126 : memref<1x80xi32, #tpu.memory_space<vmem>> -> memref<80xi32, #tpu.memory_space<vmem>>
    %dma_wait3A_128 = arith.constant 0 : i32
    %dma_wait3A_129 = arith.constant 0 : i32
    %dma_wait3A_130 = tpu.memref_slice %arg4[%dma_wait3A_128, %dma_wait3A_129] : memref<20000x64xf32, #tpu.memory_space<hbm>> -> memref<20000x64xf32, #tpu.memory_space<hbm>>
    tpu.wait_indirect_dma semaphore(%arg29 : memref<!tpu.dma_semaphore, #tpu.memory_space<semaphore_mem>>) src(%dma_wait3A_130 : memref<20000x64xf32, #tpu.memory_space<hbm>>) dst(%arg17 : memref<80x64xf32, #tpu.memory_space<vmem>>)
    %dma_wait3A_131 = arith.constant 0 : i32
    %dma_wait3A_132 = arith.constant 0 : i32
    %dma_wait3A_133 = tpu.memref_slice %arg13[%dma_wait3A_131, %dma_wait3A_132] : memref<3x80xi32, #tpu.memory_space<vmem>> -> memref<1x80xi32, #tpu.memory_space<vmem>>
    %dma_wait3A_134 = tpu.memref_squeeze %dma_wait3A_133 : memref<1x80xi32, #tpu.memory_space<vmem>> -> memref<80xi32, #tpu.memory_space<vmem>>
    %dma_wait3A_135 = arith.constant 0 : i32
    %dma_wait3A_136 = arith.constant 0 : i32
    %dma_wait3A_137 = tpu.memref_slice %arg5[%dma_wait3A_135, %dma_wait3A_136] : memref<20000x64xf32, #tpu.memory_space<hbm>> -> memref<20000x64xf32, #tpu.memory_space<hbm>>
    tpu.wait_indirect_dma semaphore(%arg29 : memref<!tpu.dma_semaphore, #tpu.memory_space<semaphore_mem>>) src(%dma_wait3A_137 : memref<20000x64xf32, #tpu.memory_space<hbm>>) dst(%arg21 : memref<80x64xf32, #tpu.memory_space<vmem>>)
    %mul3A_138 = arith.constant 64 : i32
    %mul3A_139 = arith.muli %arg0, %mul3A_138 : i32
    %dma_wait3A_140 = arith.constant 0 : i32
    %dma_wait3A_141 = tpu.memref_slice %arg6[%dma_wait3A_140, %mul3A_139] : memref<320000x128xf32, #tpu.memory_space<hbm>> -> memref<80x64xf32, #tpu.memory_space<hbm>>
    %dma_wait3A_142 = arith.constant 0 : i32
    %dma_wait3A_143 = tpu.memref_slice %arg6[%dma_wait3A_142, %mul3A_139] : memref<320000x128xf32, #tpu.memory_space<hbm>> -> memref<80x64xf32, #tpu.memory_space<hbm>>
    tpu.wait_dma2 semaphore(%arg29 : memref<!tpu.dma_semaphore, #tpu.memory_space<semaphore_mem>>) src(%dma_wait3A_143 : memref<80x64xf32, #tpu.memory_space<hbm>>) dst(%arg19 : memref<80x64xf32, #tpu.memory_space<vmem>>)
    %broadcast_in_dim3A_144 = arith.constant 0.000000e+00 : f32
    %broadcast_in_dim3A_145 = vector.broadcast %broadcast_in_dim3A_144 : f32 to vector<16xf32>
    %scan3A_146 = arith.constant 0 : i32
    %scan3A_147 = arith.constant 80 : i32
    %scan3A_148 = arith.addi %scan3A_146, %scan3A_147 : i32
    %scan3A_149 = arith.constant 1 : i32
    %scan3A_150:8 = scf.for %scan3A_322 = %scan3A_146 to %scan3A_148 step %scan3A_149 iter_args(%scan3A_323 = %broadcast_in_dim3A_145, %scan3A_324 = %broadcast_in_dim3A_145, %scan3A_325 = %broadcast_in_dim3A_145, %scan3A_326 = %broadcast_in_dim3A_145, %scan3A_327 = %broadcast_in_dim3A_145, %scan3A_328 = %broadcast_in_dim3A_145, %scan3A_329 = %broadcast_in_dim3A_145, %scan3A_330 = %broadcast_in_dim3A_145) -> (vector<16xf32>, vector<16xf32>, vector<16xf32>, vector<16xf32>, vector<16xf32>, vector<16xf32>, vector<16xf32>, vector<16xf32>)  : i32 {
      %get3A = arith.index_cast %scan3A_322 : i32 to index
      %get3A_331 = arith.constant 0 : index
      %get3A_332 = tpu.vector_load %arg15[%get3A, %get3A_331] {strides = array<i32>} : memref<80x64xf32, #tpu.memory_space<vmem>>, vector<1x16xf32>,
      %get3A_333 = vector.shape_cast %get3A_332 : vector<1x16xf32> to vector<16xf32>
      %get3A_334 = arith.index_cast %scan3A_322 : i32 to index
      %get3A_335 = arith.constant 0 : index
      %get3A_336 = tpu.vector_load %arg17[%get3A_334, %get3A_335] {strides = array<i32>} : memref<80x64xf32, #tpu.memory_space<vmem>>, vector<1x16xf32>,
      %get3A_337 = vector.shape_cast %get3A_336 : vector<1x16xf32> to vector<16xf32>
      %add3A_338 = arith.addf %get3A_333, %get3A_337 : vector<16xf32>
      %get3A_339 = arith.index_cast %scan3A_322 : i32 to index
      %get3A_340 = arith.constant 0 : index
      %get3A_341 = tpu.vector_load %arg19[%get3A_339, %get3A_340] {strides = array<i32>} : memref<80x64xf32, #tpu.memory_space<vmem>>, vector<1x16xf32>,
      %get3A_342 = vector.shape_cast %get3A_341 : vector<1x16xf32> to vector<16xf32>
      %add3A_343 = arith.addf %add3A_338, %get3A_342 : vector<16xf32>
      %swap3A_344 = arith.index_cast %scan3A_322 : i32 to index
      %swap3A_345 = arith.constant 0 : index
      %swap3A_346 = tpu.vector_load %arg19[%swap3A_344, %swap3A_345] {strides = array<i32>} : memref<80x64xf32, #tpu.memory_space<vmem>>, vector<1x16xf32>,
      %swap3A_347 = vector.shape_cast %swap3A_346 : vector<1x16xf32> to vector<16xf32>
      %swap3A_348 = vector.shape_cast %add3A_343 : vector<16xf32> to vector<1x16xf32>
      tpu.vector_store %arg19[%swap3A_344, %swap3A_345], %swap3A_348 {strides = array<i32>} : memref<80x64xf32, #tpu.memory_space<vmem>>, vector<1x16xf32>,
      %neg3A = arith.constant 0.000000e+00 : f32
      %neg3A_349 = vector.broadcast %neg3A : f32 to vector<16xf32>
      %neg3A_350 = arith.subf %neg3A_349, %add3A_343 : vector<16xf32>
      %exp3A = math.exp %neg3A_350 : vector<16xf32>
      %add3A_351 = arith.constant 1.000000e+00 : f32
      %add3A_352 = vector.broadcast %add3A_351 : f32 to vector<16xf32>
      %add3A_353 = arith.addf %add3A_352, %exp3A : vector<16xf32>
      %div3A = arith.constant 1.000000e+00 : f32
      %div3A_354 = vector.broadcast %div3A : f32 to vector<16xf32>
      %div3A_355 = arith.divf %div3A_354, %add3A_353 : vector<16xf32>
      %swap3A_356 = arith.index_cast %scan3A_322 : i32 to index
      %swap3A_357 = arith.constant 0 : index
      %swap3A_358 = tpu.vector_load %arg15[%swap3A_356, %swap3A_357] {strides = array<i32>} : memref<80x64xf32, #tpu.memory_space<vmem>>, vector<1x16xf32>,
      %swap3A_359 = vector.shape_cast %swap3A_358 : vector<1x16xf32> to vector<16xf32>
      %swap3A_360 = vector.shape_cast %div3A_355 : vector<16xf32> to vector<1x16xf32>
      tpu.vector_store %arg15[%swap3A_356, %swap3A_357], %swap3A_360 {strides = array<i32>} : memref<80x64xf32, #tpu.memory_space<vmem>>, vector<1x16xf32>,
      %get3A_361 = arith.index_cast %scan3A_322 : i32 to index
      %get3A_362 = arith.constant 0 : index
      %get3A_363 = tpu.vector_load %arg21[%get3A_361, %get3A_362] {strides = array<i32>} : memref<80x64xf32, #tpu.memory_space<vmem>>, vector<1x16xf32>,
      %get3A_364 = vector.shape_cast %get3A_363 : vector<1x16xf32> to vector<16xf32>
      %mul3A_365 = arith.mulf %get3A_364, %div3A_355 : vector<16xf32>
      %swap3A_366 = arith.index_cast %scan3A_322 : i32 to index
      %swap3A_367 = arith.constant 0 : index
      %swap3A_368 = tpu.vector_load %arg21[%swap3A_366, %swap3A_367] {strides = array<i32>} : memref<80x64xf32, #tpu.memory_space<vmem>>, vector<1x16xf32>,
      %swap3A_369 = vector.shape_cast %swap3A_368 : vector<1x16xf32> to vector<16xf32>
      %swap3A_370 = vector.shape_cast %mul3A_365 : vector<16xf32> to vector<1x16xf32>
      tpu.vector_store %arg21[%swap3A_366, %swap3A_367], %swap3A_370 {strides = array<i32>} : memref<80x64xf32, #tpu.memory_space<vmem>>, vector<1x16xf32>,
      %add3A_371 = arith.addf %scan3A_323, %add3A_343 : vector<16xf32>
      %mul3A_372 = arith.mulf %add3A_343, %add3A_343 : vector<16xf32>
      %add3A_373 = arith.addf %scan3A_327, %mul3A_372 : vector<16xf32>
      %get3A_374 = arith.index_cast %scan3A_322 : i32 to index
      %get3A_375 = arith.constant 16 : index
      %get3A_376 = tpu.vector_load %arg15[%get3A_374, %get3A_375] {strides = array<i32>} : memref<80x64xf32, #tpu.memory_space<vmem>>, vector<1x16xf32>,
      %get3A_377 = vector.shape_cast %get3A_376 : vector<1x16xf32> to vector<16xf32>
      %get3A_378 = arith.index_cast %scan3A_322 : i32 to index
      %get3A_379 = arith.constant 16 : index
      %get3A_380 = tpu.vector_load %arg17[%get3A_378, %get3A_379] {strides = array<i32>} : memref<80x64xf32, #tpu.memory_space<vmem>>, vector<1x16xf32>,
      %get3A_381 = vector.shape_cast %get3A_380 : vector<1x16xf32> to vector<16xf32>
      %add3A_382 = arith.addf %get3A_377, %get3A_381 : vector<16xf32>
      %get3A_383 = arith.index_cast %scan3A_322 : i32 to index
      %get3A_384 = arith.constant 16 : index
      %get3A_385 = tpu.vector_load %arg19[%get3A_383, %get3A_384] {strides = array<i32>} : memref<80x64xf32, #tpu.memory_space<vmem>>, vector<1x16xf32>,
      %get3A_386 = vector.shape_cast %get3A_385 : vector<1x16xf32> to vector<16xf32>
      %add3A_387 = arith.addf %add3A_382, %get3A_386 : vector<16xf32>
      %swap3A_388 = arith.index_cast %scan3A_322 : i32 to index
      %swap3A_389 = arith.constant 16 : index
      %swap3A_390 = tpu.vector_load %arg19[%swap3A_388, %swap3A_389] {strides = array<i32>} : memref<80x64xf32, #tpu.memory_space<vmem>>, vector<1x16xf32>,
      %swap3A_391 = vector.shape_cast %swap3A_390 : vector<1x16xf32> to vector<16xf32>
      %swap3A_392 = vector.shape_cast %add3A_387 : vector<16xf32> to vector<1x16xf32>
      tpu.vector_store %arg19[%swap3A_388, %swap3A_389], %swap3A_392 {strides = array<i32>} : memref<80x64xf32, #tpu.memory_space<vmem>>, vector<1x16xf32>,
      %neg3A_393 = arith.constant 0.000000e+00 : f32
      %neg3A_394 = vector.broadcast %neg3A_393 : f32 to vector<16xf32>
      %neg3A_395 = arith.subf %neg3A_394, %add3A_387 : vector<16xf32>
      %exp3A_396 = math.exp %neg3A_395 : vector<16xf32>
      %add3A_397 = arith.constant 1.000000e+00 : f32
      %add3A_398 = vector.broadcast %add3A_397 : f32 to vector<16xf32>
      %add3A_399 = arith.addf %add3A_398, %exp3A_396 : vector<16xf32>
      %div3A_400 = arith.constant 1.000000e+00 : f32
      %div3A_401 = vector.broadcast %div3A_400 : f32 to vector<16xf32>
      %div3A_402 = arith.divf %div3A_401, %add3A_399 : vector<16xf32>
      %swap3A_403 = arith.index_cast %scan3A_322 : i32 to index
      %swap3A_404 = arith.constant 16 : index
      %swap3A_405 = tpu.vector_load %arg15[%swap3A_403, %swap3A_404] {strides = array<i32>} : memref<80x64xf32, #tpu.memory_space<vmem>>, vector<1x16xf32>,
      %swap3A_406 = vector.shape_cast %swap3A_405 : vector<1x16xf32> to vector<16xf32>
      %swap3A_407 = vector.shape_cast %div3A_402 : vector<16xf32> to vector<1x16xf32>
      tpu.vector_store %arg15[%swap3A_403, %swap3A_404], %swap3A_407 {strides = array<i32>} : memref<80x64xf32, #tpu.memory_space<vmem>>, vector<1x16xf32>,
      %get3A_408 = arith.index_cast %scan3A_322 : i32 to index
      %get3A_409 = arith.constant 16 : index
      %get3A_410 = tpu.vector_load %arg21[%get3A_408, %get3A_409] {strides = array<i32>} : memref<80x64xf32, #tpu.memory_space<vmem>>, vector<1x16xf32>,
      %get3A_411 = vector.shape_cast %get3A_410 : vector<1x16xf32> to vector<16xf32>
      %mul3A_412 = arith.mulf %get3A_411, %div3A_402 : vector<16xf32>
      %swap3A_413 = arith.index_cast %scan3A_322 : i32 to index
      %swap3A_414 = arith.constant 16 : index
      %swap3A_415 = tpu.vector_load %arg21[%swap3A_413, %swap3A_414] {strides = array<i32>} : memref<80x64xf32, #tpu.memory_space<vmem>>, vector<1x16xf32>,
      %swap3A_416 = vector.shape_cast %swap3A_415 : vector<1x16xf32> to vector<16xf32>
      %swap3A_417 = vector.shape_cast %mul3A_412 : vector<16xf32> to vector<1x16xf32>
      tpu.vector_store %arg21[%swap3A_413, %swap3A_414], %swap3A_417 {strides = array<i32>} : memref<80x64xf32, #tpu.memory_space<vmem>>, vector<1x16xf32>,
      %add3A_418 = arith.addf %scan3A_324, %add3A_387 : vector<16xf32>
      %mul3A_419 = arith.mulf %add3A_387, %add3A_387 : vector<16xf32>
      %add3A_420 = arith.addf %scan3A_328, %mul3A_419 : vector<16xf32>
      %get3A_421 = arith.index_cast %scan3A_322 : i32 to index
      %get3A_422 = arith.constant 32 : index
      %get3A_423 = tpu.vector_load %arg15[%get3A_421, %get3A_422] {strides = array<i32>} : memref<80x64xf32, #tpu.memory_space<vmem>>, vector<1x16xf32>,
      %get3A_424 = vector.shape_cast %get3A_423 : vector<1x16xf32> to vector<16xf32>
      %get3A_425 = arith.index_cast %scan3A_322 : i32 to index
      %get3A_426 = arith.constant 32 : index
      %get3A_427 = tpu.vector_load %arg17[%get3A_425, %get3A_426] {strides = array<i32>} : memref<80x64xf32, #tpu.memory_space<vmem>>, vector<1x16xf32>,
      %get3A_428 = vector.shape_cast %get3A_427 : vector<1x16xf32> to vector<16xf32>
      %add3A_429 = arith.addf %get3A_424, %get3A_428 : vector<16xf32>
      %get3A_430 = arith.index_cast %scan3A_322 : i32 to index
      %get3A_431 = arith.constant 32 : index
      %get3A_432 = tpu.vector_load %arg19[%get3A_430, %get3A_431] {strides = array<i32>} : memref<80x64xf32, #tpu.memory_space<vmem>>, vector<1x16xf32>,
      %get3A_433 = vector.shape_cast %get3A_432 : vector<1x16xf32> to vector<16xf32>
      %add3A_434 = arith.addf %add3A_429, %get3A_433 : vector<16xf32>
      %swap3A_435 = arith.index_cast %scan3A_322 : i32 to index
      %swap3A_436 = arith.constant 32 : index
      %swap3A_437 = tpu.vector_load %arg19[%swap3A_435, %swap3A_436] {strides = array<i32>} : memref<80x64xf32, #tpu.memory_space<vmem>>, vector<1x16xf32>,
      %swap3A_438 = vector.shape_cast %swap3A_437 : vector<1x16xf32> to vector<16xf32>
      %swap3A_439 = vector.shape_cast %add3A_434 : vector<16xf32> to vector<1x16xf32>
      tpu.vector_store %arg19[%swap3A_435, %swap3A_436], %swap3A_439 {strides = array<i32>} : memref<80x64xf32, #tpu.memory_space<vmem>>, vector<1x16xf32>,
      %neg3A_440 = arith.constant 0.000000e+00 : f32
      %neg3A_441 = vector.broadcast %neg3A_440 : f32 to vector<16xf32>
      %neg3A_442 = arith.subf %neg3A_441, %add3A_434 : vector<16xf32>
      %exp3A_443 = math.exp %neg3A_442 : vector<16xf32>
      %add3A_444 = arith.constant 1.000000e+00 : f32
      %add3A_445 = vector.broadcast %add3A_444 : f32 to vector<16xf32>
      %add3A_446 = arith.addf %add3A_445, %exp3A_443 : vector<16xf32>
      %div3A_447 = arith.constant 1.000000e+00 : f32
      %div3A_448 = vector.broadcast %div3A_447 : f32 to vector<16xf32>
      %div3A_449 = arith.divf %div3A_448, %add3A_446 : vector<16xf32>
      %swap3A_450 = arith.index_cast %scan3A_322 : i32 to index
      %swap3A_451 = arith.constant 32 : index
      %swap3A_452 = tpu.vector_load %arg15[%swap3A_450, %swap3A_451] {strides = array<i32>} : memref<80x64xf32, #tpu.memory_space<vmem>>, vector<1x16xf32>,
      %swap3A_453 = vector.shape_cast %swap3A_452 : vector<1x16xf32> to vector<16xf32>
      %swap3A_454 = vector.shape_cast %div3A_449 : vector<16xf32> to vector<1x16xf32>
      tpu.vector_store %arg15[%swap3A_450, %swap3A_451], %swap3A_454 {strides = array<i32>} : memref<80x64xf32, #tpu.memory_space<vmem>>, vector<1x16xf32>,
      %get3A_455 = arith.index_cast %scan3A_322 : i32 to index
      %get3A_456 = arith.constant 32 : index
      %get3A_457 = tpu.vector_load %arg21[%get3A_455, %get3A_456] {strides = array<i32>} : memref<80x64xf32, #tpu.memory_space<vmem>>, vector<1x16xf32>,
      %get3A_458 = vector.shape_cast %get3A_457 : vector<1x16xf32> to vector<16xf32>
      %mul3A_459 = arith.mulf %get3A_458, %div3A_449 : vector<16xf32>
      %swap3A_460 = arith.index_cast %scan3A_322 : i32 to index
      %swap3A_461 = arith.constant 32 : index
      %swap3A_462 = tpu.vector_load %arg21[%swap3A_460, %swap3A_461] {strides = array<i32>} : memref<80x64xf32, #tpu.memory_space<vmem>>, vector<1x16xf32>,
      %swap3A_463 = vector.shape_cast %swap3A_462 : vector<1x16xf32> to vector<16xf32>
      %swap3A_464 = vector.shape_cast %mul3A_459 : vector<16xf32> to vector<1x16xf32>
      tpu.vector_store %arg21[%swap3A_460, %swap3A_461], %swap3A_464 {strides = array<i32>} : memref<80x64xf32, #tpu.memory_space<vmem>>, vector<1x16xf32>,
      %add3A_465 = arith.addf %scan3A_325, %add3A_434 : vector<16xf32>
      %mul3A_466 = arith.mulf %add3A_434, %add3A_434 : vector<16xf32>
      %add3A_467 = arith.addf %scan3A_329, %mul3A_466 : vector<16xf32>
      %get3A_468 = arith.index_cast %scan3A_322 : i32 to index
      %get3A_469 = arith.constant 48 : index
      %get3A_470 = tpu.vector_load %arg15[%get3A_468, %get3A_469] {strides = array<i32>} : memref<80x64xf32, #tpu.memory_space<vmem>>, vector<1x16xf32>,
      %get3A_471 = vector.shape_cast %get3A_470 : vector<1x16xf32> to vector<16xf32>
      %get3A_472 = arith.index_cast %scan3A_322 : i32 to index
      %get3A_473 = arith.constant 48 : index
      %get3A_474 = tpu.vector_load %arg17[%get3A_472, %get3A_473] {strides = array<i32>} : memref<80x64xf32, #tpu.memory_space<vmem>>, vector<1x16xf32>,
      %get3A_475 = vector.shape_cast %get3A_474 : vector<1x16xf32> to vector<16xf32>
      %add3A_476 = arith.addf %get3A_471, %get3A_475 : vector<16xf32>
      %get3A_477 = arith.index_cast %scan3A_322 : i32 to index
      %get3A_478 = arith.constant 48 : index
      %get3A_479 = tpu.vector_load %arg19[%get3A_477, %get3A_478] {strides = array<i32>} : memref<80x64xf32, #tpu.memory_space<vmem>>, vector<1x16xf32>,
      %get3A_480 = vector.shape_cast %get3A_479 : vector<1x16xf32> to vector<16xf32>
      %add3A_481 = arith.addf %add3A_476, %get3A_480 : vector<16xf32>
      %swap3A_482 = arith.index_cast %scan3A_322 : i32 to index
      %swap3A_483 = arith.constant 48 : index
      %swap3A_484 = tpu.vector_load %arg19[%swap3A_482, %swap3A_483] {strides = array<i32>} : memref<80x64xf32, #tpu.memory_space<vmem>>, vector<1x16xf32>,
      %swap3A_485 = vector.shape_cast %swap3A_484 : vector<1x16xf32> to vector<16xf32>
      %swap3A_486 = vector.shape_cast %add3A_481 : vector<16xf32> to vector<1x16xf32>
      tpu.vector_store %arg19[%swap3A_482, %swap3A_483], %swap3A_486 {strides = array<i32>} : memref<80x64xf32, #tpu.memory_space<vmem>>, vector<1x16xf32>,
      %neg3A_487 = arith.constant 0.000000e+00 : f32
      %neg3A_488 = vector.broadcast %neg3A_487 : f32 to vector<16xf32>
      %neg3A_489 = arith.subf %neg3A_488, %add3A_481 : vector<16xf32>
      %exp3A_490 = math.exp %neg3A_489 : vector<16xf32>
      %add3A_491 = arith.constant 1.000000e+00 : f32
      %add3A_492 = vector.broadcast %add3A_491 : f32 to vector<16xf32>
      %add3A_493 = arith.addf %add3A_492, %exp3A_490 : vector<16xf32>
      %div3A_494 = arith.constant 1.000000e+00 : f32
      %div3A_495 = vector.broadcast %div3A_494 : f32 to vector<16xf32>
      %div3A_496 = arith.divf %div3A_495, %add3A_493 : vector<16xf32>
      %swap3A_497 = arith.index_cast %scan3A_322 : i32 to index
      %swap3A_498 = arith.constant 48 : index
      %swap3A_499 = tpu.vector_load %arg15[%swap3A_497, %swap3A_498] {strides = array<i32>} : memref<80x64xf32, #tpu.memory_space<vmem>>, vector<1x16xf32>,
      %swap3A_500 = vector.shape_cast %swap3A_499 : vector<1x16xf32> to vector<16xf32>
      %swap3A_501 = vector.shape_cast %div3A_496 : vector<16xf32> to vector<1x16xf32>
      tpu.vector_store %arg15[%swap3A_497, %swap3A_498], %swap3A_501 {strides = array<i32>} : memref<80x64xf32, #tpu.memory_space<vmem>>, vector<1x16xf32>,
      %get3A_502 = arith.index_cast %scan3A_322 : i32 to index
      %get3A_503 = arith.constant 48 : index
      %get3A_504 = tpu.vector_load %arg21[%get3A_502, %get3A_503] {strides = array<i32>} : memref<80x64xf32, #tpu.memory_space<vmem>>, vector<1x16xf32>,
      %get3A_505 = vector.shape_cast %get3A_504 : vector<1x16xf32> to vector<16xf32>
      %mul3A_506 = arith.mulf %get3A_505, %div3A_496 : vector<16xf32>
      %swap3A_507 = arith.index_cast %scan3A_322 : i32 to index
      %swap3A_508 = arith.constant 48 : index
      %swap3A_509 = tpu.vector_load %arg21[%swap3A_507, %swap3A_508] {strides = array<i32>} : memref<80x64xf32, #tpu.memory_space<vmem>>, vector<1x16xf32>,
      %swap3A_510 = vector.shape_cast %swap3A_509 : vector<1x16xf32> to vector<16xf32>
      %swap3A_511 = vector.shape_cast %mul3A_506 : vector<16xf32> to vector<1x16xf32>
      tpu.vector_store %arg21[%swap3A_507, %swap3A_508], %swap3A_511 {strides = array<i32>} : memref<80x64xf32, #tpu.memory_space<vmem>>, vector<1x16xf32>,
      %add3A_512 = arith.addf %scan3A_326, %add3A_481 : vector<16xf32>
      %mul3A_513 = arith.mulf %add3A_481, %add3A_481 : vector<16xf32>
      %add3A_514 = arith.addf %scan3A_330, %mul3A_513 : vector<16xf32>
      scf.yield %add3A_371, %add3A_418, %add3A_465, %add3A_512, %add3A_373, %add3A_420, %add3A_467, %add3A_514 : vector<16xf32>, vector<16xf32>, vector<16xf32>, vector<16xf32>, vector<16xf32>, vector<16xf32>, vector<16xf32>, vector<16xf32>
    }
    %scan3A_151 = arith.constant 80 : i32
    %add3A_152 = arith.constant 4000 : i32
    %add3A_153 = arith.addi %add3A_152, %arg1 : i32
    %lt3A_154 = arith.constant 4000 : i32
    %lt3A_155 = arith.cmpi slt, %add3A_153, %lt3A_154 : i32
    %jit3A = arith.constant 1.000000e+00 : f32
    %jit3A_156 = arith.constant 0.000000e+00 : f32
    %select_n3A = arith.select %lt3A_155, %jit3A, %jit3A_156 : f32
    %mul3A_157 = vector.broadcast %select_n3A : f32 to vector<16xf32>
    %mul3A_158 = arith.mulf %scan3A_150#0, %mul3A_157 : vector<16xf32>
    %add3A_159 = arith.addf %scan3A_115#0, %mul3A_158 : vector<16xf32>
    %mul3A_160 = vector.broadcast %select_n3A : f32 to vector<16xf32>
    %mul3A_161 = arith.mulf %scan3A_150#1, %mul3A_160 : vector<16xf32>
    %add3A_162 = arith.addf %scan3A_115#1, %mul3A_161 : vector<16xf32>
    %mul3A_163 = vector.broadcast %select_n3A : f32 to vector<16xf32>
    %mul3A_164 = arith.mulf %scan3A_150#2, %mul3A_163 : vector<16xf32>
    %add3A_165 = arith.addf %scan3A_115#2, %mul3A_164 : vector<16xf32>
    %mul3A_166 = vector.broadcast %select_n3A : f32 to vector<16xf32>
    %mul3A_167 = arith.mulf %scan3A_150#3, %mul3A_166 : vector<16xf32>
    %add3A_168 = arith.addf %scan3A_115#3, %mul3A_167 : vector<16xf32>
    %mul3A_169 = vector.broadcast %select_n3A : f32 to vector<16xf32>
    %mul3A_170 = arith.mulf %scan3A_150#4, %mul3A_169 : vector<16xf32>
    %add3A_171 = arith.addf %scan3A_115#4, %mul3A_170 : vector<16xf32>
    %mul3A_172 = vector.broadcast %select_n3A : f32 to vector<16xf32>
    %mul3A_173 = arith.mulf %scan3A_150#5, %mul3A_172 : vector<16xf32>
    %add3A_174 = arith.addf %scan3A_115#5, %mul3A_173 : vector<16xf32>
    %mul3A_175 = vector.broadcast %select_n3A : f32 to vector<16xf32>
    %mul3A_176 = arith.mulf %scan3A_150#6, %mul3A_175 : vector<16xf32>
    %add3A_177 = arith.addf %scan3A_115#6, %mul3A_176 : vector<16xf32>
    %mul3A_178 = vector.broadcast %select_n3A : f32 to vector<16xf32>
    %mul3A_179 = arith.mulf %scan3A_150#7, %mul3A_178 : vector<16xf32>
    %add3A_180 = arith.addf %scan3A_115#7, %mul3A_179 : vector<16xf32>
    %add3A_181 = arith.constant 4000 : i32
    %add3A_182 = arith.addi %add3A_181, %arg1 : i32
    %min3A_183 = arith.constant 3999 : i32
    %min3A_184 = arith.minsi %add3A_182, %min3A_183 : i32
    %mul3A_185 = arith.constant 80 : i32
    %mul3A_186 = arith.muli %min3A_184, %mul3A_185 : i32
    %mul3A_187 = arith.constant 64 : i32
    %mul3A_188 = arith.muli %arg0, %mul3A_187 : i32
    %dma_start3A_189 = tpu.memref_slice %arg7[%mul3A_186, %mul3A_188] : memref<320000x128xf32, #tpu.memory_space<hbm>> -> memref<80x64xf32, #tpu.memory_space<hbm>>
    %dma_start3A_190 = tpu.memref_slice %arg7[%mul3A_186, %mul3A_188] : memref<320000x128xf32, #tpu.memory_space<hbm>> -> memref<80x64xf32, #tpu.memory_space<hbm>>
    tpu.enqueue_dma source(%arg19 : memref<80x64xf32, #tpu.memory_space<vmem>>) target(%dma_start3A_190 : memref<80x64xf32, #tpu.memory_space<hbm>>) target_semaphore(%arg31 : memref<!tpu.dma_semaphore, #tpu.memory_space<semaphore_mem>>)
    %dma_start3A_191 = arith.constant 2 : i32
    %dma_start3A_192 = arith.constant 0 : i32
    %dma_start3A_193 = tpu.memref_slice %arg13[%dma_start3A_191, %dma_start3A_192] : memref<3x80xi32, #tpu.memory_space<vmem>> -> memref<1x80xi32, #tpu.memory_space<vmem>>
    %dma_start3A_194 = tpu.memref_squeeze %dma_start3A_193 : memref<1x80xi32, #tpu.memory_space<vmem>> -> memref<80xi32, #tpu.memory_space<vmem>>
    %dma_start3A_195 = arith.constant 0 : i32
    %dma_start3A_196 = arith.constant 0 : i32
    %dma_start3A_197 = tpu.memref_slice %arg25[%dma_start3A_195, %dma_start3A_196] : memref<10008x64xf32, #tpu.memory_space<vmem_shared>> -> memref<10008x64xf32, #tpu.memory_space<vmem_shared>>
    tpu.enqueue_indirect_dma source(%arg21 : memref<80x64xf32, #tpu.memory_space<vmem>>) target(%dma_start3A_197 : memref<10008x64xf32, #tpu.memory_space<vmem_shared>>) offsets(%dma_start3A_194 : memref<80xi32, #tpu.memory_space<vmem>>) semaphore(%arg33 : memref<!tpu.dma_semaphore, #tpu.memory_space<semaphore_mem>>) {add = true}
    %dma_start3A_198 = arith.constant 2 : i32
    %dma_start3A_199 = arith.constant 0 : i32
    %dma_start3A_200 = tpu.memref_slice %arg13[%dma_start3A_198, %dma_start3A_199] : memref<3x80xi32, #tpu.memory_space<vmem>> -> memref<1x80xi32, #tpu.memory_space<vmem>>
    %dma_start3A_201 = tpu.memref_squeeze %dma_start3A_200 : memref<1x80xi32, #tpu.memory_space<vmem>> -> memref<80xi32, #tpu.memory_space<vmem>>
    %dma_start3A_202 = arith.constant 0 : i32
    %dma_start3A_203 = arith.constant 0 : i32
    %dma_start3A_204 = tpu.memref_slice %arg26[%dma_start3A_202, %dma_start3A_203] : memref<10008x64xf32, #tpu.memory_space<vmem_shared>> -> memref<10008x64xf32, #tpu.memory_space<vmem_shared>>
    tpu.enqueue_indirect_dma source(%arg15 : memref<80x64xf32, #tpu.memory_space<vmem>>) target(%dma_start3A_204 : memref<10008x64xf32, #tpu.memory_space<vmem_shared>>) offsets(%dma_start3A_201 : memref<80xi32, #tpu.memory_space<vmem>>) semaphore(%arg33 : memref<!tpu.dma_semaphore, #tpu.memory_space<semaphore_mem>>) {add = true}
    %mul3A_205 = arith.constant 64 : i32
    %mul3A_206 = arith.muli %arg0, %mul3A_205 : i32
    %dma_wait3A_207 = arith.constant 0 : i32
    %dma_wait3A_208 = tpu.memref_slice %arg7[%dma_wait3A_207, %mul3A_206] : memref<320000x128xf32, #tpu.memory_space<hbm>> -> memref<80x64xf32, #tpu.memory_space<hbm>>
    %dma_wait3A_209 = arith.constant 0 : i32
    %dma_wait3A_210 = tpu.memref_slice %arg7[%dma_wait3A_209, %mul3A_206] : memref<320000x128xf32, #tpu.memory_space<hbm>> -> memref<80x64xf32, #tpu.memory_space<hbm>>
    tpu.wait_dma2 semaphore(%arg32 : memref<!tpu.dma_semaphore, #tpu.memory_space<semaphore_mem>>) src(%arg20 : memref<80x64xf32, #tpu.memory_space<vmem>>) dst(%dma_wait3A_210 : memref<80x64xf32, #tpu.memory_space<hbm>>)
    %dma_wait3A_211 = arith.constant 2 : i32
    %dma_wait3A_212 = arith.constant 0 : i32
    %dma_wait3A_213 = tpu.memref_slice %arg14[%dma_wait3A_211, %dma_wait3A_212] : memref<3x80xi32, #tpu.memory_space<vmem>> -> memref<1x80xi32, #tpu.memory_space<vmem>>
    %dma_wait3A_214 = tpu.memref_squeeze %dma_wait3A_213 : memref<1x80xi32, #tpu.memory_space<vmem>> -> memref<80xi32, #tpu.memory_space<vmem>>
    %dma_wait3A_215 = arith.constant 0 : i32
    %dma_wait3A_216 = arith.constant 0 : i32
    %dma_wait3A_217 = tpu.memref_slice %arg25[%dma_wait3A_215, %dma_wait3A_216] : memref<10008x64xf32, #tpu.memory_space<vmem_shared>> -> memref<10008x64xf32, #tpu.memory_space<vmem_shared>>
    tpu.wait_indirect_dma semaphore(%arg34 : memref<!tpu.dma_semaphore, #tpu.memory_space<semaphore_mem>>) src(%arg22 : memref<80x64xf32, #tpu.memory_space<vmem>>) dst(%dma_wait3A_217 : memref<10008x64xf32, #tpu.memory_space<vmem_shared>>)
    %dma_wait3A_218 = arith.constant 2 : i32
    %dma_wait3A_219 = arith.constant 0 : i32
    %dma_wait3A_220 = tpu.memref_slice %arg14[%dma_wait3A_218, %dma_wait3A_219] : memref<3x80xi32, #tpu.memory_space<vmem>> -> memref<1x80xi32, #tpu.memory_space<vmem>>
    %dma_wait3A_221 = tpu.memref_squeeze %dma_wait3A_220 : memref<1x80xi32, #tpu.memory_space<vmem>> -> memref<80xi32, #tpu.memory_space<vmem>>
    %dma_wait3A_222 = arith.constant 0 : i32
    %dma_wait3A_223 = arith.constant 0 : i32
    %dma_wait3A_224 = tpu.memref_slice %arg26[%dma_wait3A_222, %dma_wait3A_223] : memref<10008x64xf32, #tpu.memory_space<vmem_shared>> -> memref<10008x64xf32, #tpu.memory_space<vmem_shared>>
    tpu.wait_indirect_dma semaphore(%arg34 : memref<!tpu.dma_semaphore, #tpu.memory_space<semaphore_mem>>) src(%arg16 : memref<80x64xf32, #tpu.memory_space<vmem>>) dst(%dma_wait3A_224 : memref<10008x64xf32, #tpu.memory_space<vmem_shared>>)
    %mul3A_225 = arith.constant 64 : i32
    %mul3A_226 = arith.muli %arg0, %mul3A_225 : i32
    %dma_wait3A_227 = arith.constant 0 : i32
    %dma_wait3A_228 = tpu.memref_slice %arg7[%dma_wait3A_227, %mul3A_226] : memref<320000x128xf32, #tpu.memory_space<hbm>> -> memref<80x64xf32, #tpu.memory_space<hbm>>
    %dma_wait3A_229 = arith.constant 0 : i32
    %dma_wait3A_230 = tpu.memref_slice %arg7[%dma_wait3A_229, %mul3A_226] : memref<320000x128xf32, #tpu.memory_space<hbm>> -> memref<80x64xf32, #tpu.memory_space<hbm>>
    tpu.wait_dma2 semaphore(%arg31 : memref<!tpu.dma_semaphore, #tpu.memory_space<semaphore_mem>>) src(%arg19 : memref<80x64xf32, #tpu.memory_space<vmem>>) dst(%dma_wait3A_230 : memref<80x64xf32, #tpu.memory_space<hbm>>)
    %dma_wait3A_231 = arith.constant 2 : i32
    %dma_wait3A_232 = arith.constant 0 : i32
    %dma_wait3A_233 = tpu.memref_slice %arg13[%dma_wait3A_231, %dma_wait3A_232] : memref<3x80xi32, #tpu.memory_space<vmem>> -> memref<1x80xi32, #tpu.memory_space<vmem>>
    %dma_wait3A_234 = tpu.memref_squeeze %dma_wait3A_233 : memref<1x80xi32, #tpu.memory_space<vmem>> -> memref<80xi32, #tpu.memory_space<vmem>>
    %dma_wait3A_235 = arith.constant 0 : i32
    %dma_wait3A_236 = arith.constant 0 : i32
    %dma_wait3A_237 = tpu.memref_slice %arg25[%dma_wait3A_235, %dma_wait3A_236] : memref<10008x64xf32, #tpu.memory_space<vmem_shared>> -> memref<10008x64xf32, #tpu.memory_space<vmem_shared>>
    tpu.wait_indirect_dma semaphore(%arg33 : memref<!tpu.dma_semaphore, #tpu.memory_space<semaphore_mem>>) src(%arg21 : memref<80x64xf32, #tpu.memory_space<vmem>>) dst(%dma_wait3A_237 : memref<10008x64xf32, #tpu.memory_space<vmem_shared>>)
    %dma_wait3A_238 = arith.constant 2 : i32
    %dma_wait3A_239 = arith.constant 0 : i32
    %dma_wait3A_240 = tpu.memref_slice %arg13[%dma_wait3A_238, %dma_wait3A_239] : memref<3x80xi32, #tpu.memory_space<vmem>> -> memref<1x80xi32, #tpu.memory_space<vmem>>
    %dma_wait3A_241 = tpu.memref_squeeze %dma_wait3A_240 : memref<1x80xi32, #tpu.memory_space<vmem>> -> memref<80xi32, #tpu.memory_space<vmem>>
    %dma_wait3A_242 = arith.constant 0 : i32
    %dma_wait3A_243 = arith.constant 0 : i32
    %dma_wait3A_244 = tpu.memref_slice %arg26[%dma_wait3A_242, %dma_wait3A_243] : memref<10008x64xf32, #tpu.memory_space<vmem_shared>> -> memref<10008x64xf32, #tpu.memory_space<vmem_shared>>
    tpu.wait_indirect_dma semaphore(%arg33 : memref<!tpu.dma_semaphore, #tpu.memory_space<semaphore_mem>>) src(%arg15 : memref<80x64xf32, #tpu.memory_space<vmem>>) dst(%dma_wait3A_244 : memref<10008x64xf32, #tpu.memory_space<vmem_shared>>)
    %scan3A_245 = arith.constant 0 : i32
    %scan3A_246 = arith.constant 0 : i32
    %scan3A_247 = arith.constant 8 : i32
    %scan3A_248 = arith.addi %scan3A_246, %scan3A_247 : i32
    %scan3A_249 = arith.constant 1 : i32
    %scan3A_250 = scf.for %scan3A_322 = %scan3A_246 to %scan3A_248 step %scan3A_249 iter_args(%scan3A_323 = %scan3A_245) -> (i32)  : i32 {
      %broadcast_in_dim3A_324 = arith.constant 0.000000e+00 : f32
      %broadcast_in_dim3A_325 = vector.broadcast %broadcast_in_dim3A_324 : f32 to vector<16xf32>
      %swap3A_326 = arith.index_cast %scan3A_322 : i32 to index
      %swap3A_327 = arith.constant 0 : index
      %swap3A_328 = tpu.vector_load %arg23[%swap3A_326, %swap3A_327] {strides = array<i32>} : memref<8x128xf32, #tpu.memory_space<vmem>>, vector<1x16xf32>,
      %swap3A_329 = vector.shape_cast %swap3A_328 : vector<1x16xf32> to vector<16xf32>
      %swap3A_330 = vector.shape_cast %broadcast_in_dim3A_325 : vector<16xf32> to vector<1x16xf32>
      tpu.vector_store %arg23[%swap3A_326, %swap3A_327], %swap3A_330 {strides = array<i32>} : memref<8x128xf32, #tpu.memory_space<vmem>>, vector<1x16xf32>,
      %broadcast_in_dim3A_331 = arith.constant 0.000000e+00 : f32
      %broadcast_in_dim3A_332 = vector.broadcast %broadcast_in_dim3A_331 : f32 to vector<16xf32>
      %swap3A_333 = arith.index_cast %scan3A_322 : i32 to index
      %swap3A_334 = arith.constant 16 : index
      %swap3A_335 = tpu.vector_load %arg23[%swap3A_333, %swap3A_334] {strides = array<i32>} : memref<8x128xf32, #tpu.memory_space<vmem>>, vector<1x16xf32>,
      %swap3A_336 = vector.shape_cast %swap3A_335 : vector<1x16xf32> to vector<16xf32>
      %swap3A_337 = vector.shape_cast %broadcast_in_dim3A_332 : vector<16xf32> to vector<1x16xf32>
      tpu.vector_store %arg23[%swap3A_333, %swap3A_334], %swap3A_337 {strides = array<i32>} : memref<8x128xf32, #tpu.memory_space<vmem>>, vector<1x16xf32>,
      %broadcast_in_dim3A_338 = arith.constant 0.000000e+00 : f32
      %broadcast_in_dim3A_339 = vector.broadcast %broadcast_in_dim3A_338 : f32 to vector<16xf32>
      %swap3A_340 = arith.index_cast %scan3A_322 : i32 to index
      %swap3A_341 = arith.constant 32 : index
      %swap3A_342 = tpu.vector_load %arg23[%swap3A_340, %swap3A_341] {strides = array<i32>} : memref<8x128xf32, #tpu.memory_space<vmem>>, vector<1x16xf32>,
      %swap3A_343 = vector.shape_cast %swap3A_342 : vector<1x16xf32> to vector<16xf32>
      %swap3A_344 = vector.shape_cast %broadcast_in_dim3A_339 : vector<16xf32> to vector<1x16xf32>
      tpu.vector_store %arg23[%swap3A_340, %swap3A_341], %swap3A_344 {strides = array<i32>} : memref<8x128xf32, #tpu.memory_space<vmem>>, vector<1x16xf32>,
      %broadcast_in_dim3A_345 = arith.constant 0.000000e+00 : f32
      %broadcast_in_dim3A_346 = vector.broadcast %broadcast_in_dim3A_345 : f32 to vector<16xf32>
      %swap3A_347 = arith.index_cast %scan3A_322 : i32 to index
      %swap3A_348 = arith.constant 48 : index
      %swap3A_349 = tpu.vector_load %arg23[%swap3A_347, %swap3A_348] {strides = array<i32>} : memref<8x128xf32, #tpu.memory_space<vmem>>, vector<1x16xf32>,
      %swap3A_350 = vector.shape_cast %swap3A_349 : vector<1x16xf32> to vector<16xf32>
      %swap3A_351 = vector.shape_cast %broadcast_in_dim3A_346 : vector<16xf32> to vector<1x16xf32>
      tpu.vector_store %arg23[%swap3A_347, %swap3A_348], %swap3A_351 {strides = array<i32>} : memref<8x128xf32, #tpu.memory_space<vmem>>, vector<1x16xf32>,
      %broadcast_in_dim3A_352 = arith.constant 0.000000e+00 : f32
      %broadcast_in_dim3A_353 = vector.broadcast %broadcast_in_dim3A_352 : f32 to vector<16xf32>
      %swap3A_354 = arith.index_cast %scan3A_322 : i32 to index
      %swap3A_355 = arith.constant 64 : index
      %swap3A_356 = tpu.vector_load %arg23[%swap3A_354, %swap3A_355] {strides = array<i32>} : memref<8x128xf32, #tpu.memory_space<vmem>>, vector<1x16xf32>,
      %swap3A_357 = vector.shape_cast %swap3A_356 : vector<1x16xf32> to vector<16xf32>
      %swap3A_358 = vector.shape_cast %broadcast_in_dim3A_353 : vector<16xf32> to vector<1x16xf32>
      tpu.vector_store %arg23[%swap3A_354, %swap3A_355], %swap3A_358 {strides = array<i32>} : memref<8x128xf32, #tpu.memory_space<vmem>>, vector<1x16xf32>,
      %broadcast_in_dim3A_359 = arith.constant 0.000000e+00 : f32
      %broadcast_in_dim3A_360 = vector.broadcast %broadcast_in_dim3A_359 : f32 to vector<16xf32>
      %swap3A_361 = arith.index_cast %scan3A_322 : i32 to index
      %swap3A_362 = arith.constant 80 : index
      %swap3A_363 = tpu.vector_load %arg23[%swap3A_361, %swap3A_362] {strides = array<i32>} : memref<8x128xf32, #tpu.memory_space<vmem>>, vector<1x16xf32>,
      %swap3A_364 = vector.shape_cast %swap3A_363 : vector<1x16xf32> to vector<16xf32>
      %swap3A_365 = vector.shape_cast %broadcast_in_dim3A_360 : vector<16xf32> to vector<1x16xf32>
      tpu.vector_store %arg23[%swap3A_361, %swap3A_362], %swap3A_365 {strides = array<i32>} : memref<8x128xf32, #tpu.memory_space<vmem>>, vector<1x16xf32>,
      %broadcast_in_dim3A_366 = arith.constant 0.000000e+00 : f32
      %broadcast_in_dim3A_367 = vector.broadcast %broadcast_in_dim3A_366 : f32 to vector<16xf32>
      %swap3A_368 = arith.index_cast %scan3A_322 : i32 to index
      %swap3A_369 = arith.constant 96 : index
      %swap3A_370 = tpu.vector_load %arg23[%swap3A_368, %swap3A_369] {strides = array<i32>} : memref<8x128xf32, #tpu.memory_space<vmem>>, vector<1x16xf32>,
      %swap3A_371 = vector.shape_cast %swap3A_370 : vector<1x16xf32> to vector<16xf32>
      %swap3A_372 = vector.shape_cast %broadcast_in_dim3A_367 : vector<16xf32> to vector<1x16xf32>
      tpu.vector_store %arg23[%swap3A_368, %swap3A_369], %swap3A_372 {strides = array<i32>} : memref<8x128xf32, #tpu.memory_space<vmem>>, vector<1x16xf32>,
      %broadcast_in_dim3A_373 = arith.constant 0.000000e+00 : f32
      %broadcast_in_dim3A_374 = vector.broadcast %broadcast_in_dim3A_373 : f32 to vector<16xf32>
      %swap3A_375 = arith.index_cast %scan3A_322 : i32 to index
      %swap3A_376 = arith.constant 112 : index
      %swap3A_377 = tpu.vector_load %arg23[%swap3A_375, %swap3A_376] {strides = array<i32>} : memref<8x128xf32, #tpu.memory_space<vmem>>, vector<1x16xf32>,
      %swap3A_378 = vector.shape_cast %swap3A_377 : vector<1x16xf32> to vector<16xf32>
      %swap3A_379 = vector.shape_cast %broadcast_in_dim3A_374 : vector<16xf32> to vector<1x16xf32>
      tpu.vector_store %arg23[%swap3A_375, %swap3A_376], %swap3A_379 {strides = array<i32>} : memref<8x128xf32, #tpu.memory_space<vmem>>, vector<1x16xf32>,
      %scan3A_380 = arith.constant 0 : i32
      scf.yield %scan3A_380 : i32
    }
    %scan3A_251 = arith.constant 8 : i32
    %swap3A = arith.constant 0 : i32
    %swap3A_252 = arith.index_cast %swap3A : i32 to index
    %swap3A_253 = arith.constant 0 : index
    %swap3A_254 = tpu.vector_load %arg23[%swap3A_252, %swap3A_253] {strides = array<i32>} : memref<8x128xf32, #tpu.memory_space<vmem>>, vector<1x16xf32>,
    %swap3A_255 = vector.shape_cast %swap3A_254 : vector<1x16xf32> to vector<16xf32>
    %swap3A_256 = vector.shape_cast %add3A_159 : vector<16xf32> to vector<1x16xf32>
    tpu.vector_store %arg23[%swap3A_252, %swap3A_253], %swap3A_256 {strides = array<i32>} : memref<8x128xf32, #tpu.memory_space<vmem>>, vector<1x16xf32>,
    %swap3A_257 = arith.constant 0 : i32
    %swap3A_258 = arith.index_cast %swap3A_257 : i32 to index
    %swap3A_259 = arith.constant 64 : index
    %swap3A_260 = tpu.vector_load %arg23[%swap3A_258, %swap3A_259] {strides = array<i32>} : memref<8x128xf32, #tpu.memory_space<vmem>>, vector<1x16xf32>,
    %swap3A_261 = vector.shape_cast %swap3A_260 : vector<1x16xf32> to vector<16xf32>
    %swap3A_262 = vector.shape_cast %add3A_171 : vector<16xf32> to vector<1x16xf32>
    tpu.vector_store %arg23[%swap3A_258, %swap3A_259], %swap3A_262 {strides = array<i32>} : memref<8x128xf32, #tpu.memory_space<vmem>>, vector<1x16xf32>,
    %swap3A_263 = arith.constant 0 : i32
    %swap3A_264 = arith.index_cast %swap3A_263 : i32 to index
    %swap3A_265 = arith.constant 16 : index
    %swap3A_266 = tpu.vector_load %arg23[%swap3A_264, %swap3A_265] {strides = array<i32>} : memref<8x128xf32, #tpu.memory_space<vmem>>, vector<1x16xf32>,
    %swap3A_267 = vector.shape_cast %swap3A_266 : vector<1x16xf32> to vector<16xf32>
    %swap3A_268 = vector.shape_cast %add3A_162 : vector<16xf32> to vector<1x16xf32>
    tpu.vector_store %arg23[%swap3A_264, %swap3A_265], %swap3A_268 {strides = array<i32>} : memref<8x128xf32, #tpu.memory_space<vmem>>, vector<1x16xf32>,
    %swap3A_269 = arith.constant 0 : i32
    %swap3A_270 = arith.index_cast %swap3A_269 : i32 to index
    %swap3A_271 = arith.constant 80 : index
    %swap3A_272 = tpu.vector_load %arg23[%swap3A_270, %swap3A_271] {strides = array<i32>} : memref<8x128xf32, #tpu.memory_space<vmem>>, vector<1x16xf32>,
    %swap3A_273 = vector.shape_cast %swap3A_272 : vector<1x16xf32> to vector<16xf32>
    %swap3A_274 = vector.shape_cast %add3A_174 : vector<16xf32> to vector<1x16xf32>
    tpu.vector_store %arg23[%swap3A_270, %swap3A_271], %swap3A_274 {strides = array<i32>} : memref<8x128xf32, #tpu.memory_space<vmem>>, vector<1x16xf32>,
    %swap3A_275 = arith.constant 0 : i32
    %swap3A_276 = arith.index_cast %swap3A_275 : i32 to index
    %swap3A_277 = arith.constant 32 : index
    %swap3A_278 = tpu.vector_load %arg23[%swap3A_276, %swap3A_277] {strides = array<i32>} : memref<8x128xf32, #tpu.memory_space<vmem>>, vector<1x16xf32>,
    %swap3A_279 = vector.shape_cast %swap3A_278 : vector<1x16xf32> to vector<16xf32>
    %swap3A_280 = vector.shape_cast %add3A_165 : vector<16xf32> to vector<1x16xf32>
    tpu.vector_store %arg23[%swap3A_276, %swap3A_277], %swap3A_280 {strides = array<i32>} : memref<8x128xf32, #tpu.memory_space<vmem>>, vector<1x16xf32>,
    %swap3A_281 = arith.constant 0 : i32
    %swap3A_282 = arith.index_cast %swap3A_281 : i32 to index
    %swap3A_283 = arith.constant 96 : index
    %swap3A_284 = tpu.vector_load %arg23[%swap3A_282, %swap3A_283] {strides = array<i32>} : memref<8x128xf32, #tpu.memory_space<vmem>>, vector<1x16xf32>,
    %swap3A_285 = vector.shape_cast %swap3A_284 : vector<1x16xf32> to vector<16xf32>
    %swap3A_286 = vector.shape_cast %add3A_177 : vector<16xf32> to vector<1x16xf32>
    tpu.vector_store %arg23[%swap3A_282, %swap3A_283], %swap3A_286 {strides = array<i32>} : memref<8x128xf32, #tpu.memory_space<vmem>>, vector<1x16xf32>,
    %swap3A_287 = arith.constant 0 : i32
    %swap3A_288 = arith.index_cast %swap3A_287 : i32 to index
    %swap3A_289 = arith.constant 48 : index
    %swap3A_290 = tpu.vector_load %arg23[%swap3A_288, %swap3A_289] {strides = array<i32>} : memref<8x128xf32, #tpu.memory_space<vmem>>, vector<1x16xf32>,
    %swap3A_291 = vector.shape_cast %swap3A_290 : vector<1x16xf32> to vector<16xf32>
    %swap3A_292 = vector.shape_cast %add3A_168 : vector<16xf32> to vector<1x16xf32>
    tpu.vector_store %arg23[%swap3A_288, %swap3A_289], %swap3A_292 {strides = array<i32>} : memref<8x128xf32, #tpu.memory_space<vmem>>, vector<1x16xf32>,
    %swap3A_293 = arith.constant 0 : i32
    %swap3A_294 = arith.index_cast %swap3A_293 : i32 to index
    %swap3A_295 = arith.constant 112 : index
    %swap3A_296 = tpu.vector_load %arg23[%swap3A_294, %swap3A_295] {strides = array<i32>} : memref<8x128xf32, #tpu.memory_space<vmem>>, vector<1x16xf32>,
    %swap3A_297 = vector.shape_cast %swap3A_296 : vector<1x16xf32> to vector<16xf32>
    %swap3A_298 = vector.shape_cast %add3A_180 : vector<16xf32> to vector<1x16xf32>
    tpu.vector_store %arg23[%swap3A_294, %swap3A_295], %swap3A_298 {strides = array<i32>} : memref<8x128xf32, #tpu.memory_space<vmem>>, vector<1x16xf32>,
    %mul3A_299 = arith.constant 16 : i32
    %mul3A_300 = arith.muli %arg0, %mul3A_299 : i32
    %add3A_301 = arith.addi %mul3A_300, %arg1 : i32
    "tpu.region"() ({
      %run_scoped3A = tpu.sem_alloc : memref<!tpu.dma_semaphore, #tpu.memory_space<semaphore_mem>>
      %dma_start3A_322 = arith.constant 0 : i32
      %dma_start3A_323 = arith.constant 0 : i32
      %dma_start3A_324 = tpu.memref_slice %arg10[%add3A_301, %dma_start3A_322, %dma_start3A_323] : memref<32x8x128xf32, #tpu.memory_space<hbm>> -> memref<1x8x128xf32, #tpu.memory_space<hbm>>
      %dma_start3A_325 = tpu.memref_squeeze %dma_start3A_324 : memref<1x8x128xf32, #tpu.memory_space<hbm>> -> memref<8x128xf32, #tpu.memory_space<hbm>>
      %dma_start3A_326 = arith.constant 0 : i32
      %dma_start3A_327 = arith.constant 0 : i32
      %dma_start3A_328 = tpu.memref_slice %arg10[%add3A_301, %dma_start3A_326, %dma_start3A_327] : memref<32x8x128xf32, #tpu.memory_space<hbm>> -> memref<1x8x128xf32, #tpu.memory_space<hbm>>
      %dma_start3A_329 = tpu.memref_squeeze %dma_start3A_328 : memref<1x8x128xf32, #tpu.memory_space<hbm>> -> memref<8x128xf32, #tpu.memory_space<hbm>>
      tpu.enqueue_dma source(%arg23 : memref<8x128xf32, #tpu.memory_space<vmem>>) target(%dma_start3A_329 : memref<8x128xf32, #tpu.memory_space<hbm>>) target_semaphore(%run_scoped3A : memref<!tpu.dma_semaphore, #tpu.memory_space<semaphore_mem>>)
      %dma_wait3A_330 = arith.constant 0 : i32
      %dma_wait3A_331 = arith.constant 0 : i32
      %dma_wait3A_332 = tpu.memref_slice %arg10[%add3A_301, %dma_wait3A_330, %dma_wait3A_331] : memref<32x8x128xf32, #tpu.memory_space<hbm>> -> memref<1x8x128xf32, #tpu.memory_space<hbm>>
      %dma_wait3A_333 = tpu.memref_squeeze %dma_wait3A_332 : memref<1x8x128xf32, #tpu.memory_space<hbm>> -> memref<8x128xf32, #tpu.memory_space<hbm>>
      %dma_wait3A_334 = arith.constant 0 : i32
      %dma_wait3A_335 = arith.constant 0 : i32
      %dma_wait3A_336 = tpu.memref_slice %arg10[%add3A_301, %dma_wait3A_334, %dma_wait3A_335] : memref<32x8x128xf32, #tpu.memory_space<hbm>> -> memref<1x8x128xf32, #tpu.memory_space<hbm>>
      %dma_wait3A_337 = tpu.memref_squeeze %dma_wait3A_336 : memref<1x8x128xf32, #tpu.memory_space<hbm>> -> memref<8x128xf32, #tpu.memory_space<hbm>>
      tpu.wait_dma2 semaphore(%run_scoped3A : memref<!tpu.dma_semaphore, #tpu.memory_space<semaphore_mem>>) src(%arg23 : memref<8x128xf32, #tpu.memory_space<vmem>>) dst(%dma_wait3A_337 : memref<8x128xf32, #tpu.memory_space<hbm>>)
      tpu.yield
    }) : () -> ()
    %barrier3A_302 = arith.constant 0 : index
    tpu.barrier barrier_id(%barrier3A_302)
    %mul3A_303 = arith.constant 624 : i32
    %mul3A_304 = arith.muli %arg1, %mul3A_303 : i32
    %mul3A_305 = arith.constant 10000 : i32
    %mul3A_306 = arith.muli %arg0, %mul3A_305 : i32
    %mul3A_307 = arith.constant 624 : i32
    %mul3A_308 = arith.muli %arg1, %mul3A_307 : i32
    %add3A_309 = arith.addi %mul3A_306, %mul3A_308 : i32
    "tpu.region"() ({
      %run_scoped3A = tpu.sem_alloc : memref<!tpu.dma_semaphore, #tpu.memory_space<semaphore_mem>>
      %dma_start3A_322 = arith.constant 0 : i32
      %dma_start3A_323 = tpu.memref_slice %arg8[%add3A_309, %dma_start3A_322] : memref<20000x64xf32, #tpu.memory_space<hbm>> -> memref<624x64xf32, #tpu.memory_space<hbm>>
      %dma_start3A_324 = arith.constant 0 : i32
      %dma_start3A_325 = tpu.memref_slice %arg25[%mul3A_304, %dma_start3A_324] : memref<10008x64xf32, #tpu.memory_space<vmem_shared>> -> memref<624x64xf32, #tpu.memory_space<vmem_shared>>
      tpu.enqueue_dma source(%dma_start3A_325 : memref<624x64xf32, #tpu.memory_space<vmem_shared>>) target(%dma_start3A_323 : memref<624x64xf32, #tpu.memory_space<hbm>>) target_semaphore(%run_scoped3A : memref<!tpu.dma_semaphore, #tpu.memory_space<semaphore_mem>>)
      %dma_wait3A_326 = arith.constant 0 : i32
      %dma_wait3A_327 = tpu.memref_slice %arg8[%add3A_309, %dma_wait3A_326] : memref<20000x64xf32, #tpu.memory_space<hbm>> -> memref<624x64xf32, #tpu.memory_space<hbm>>
      %dma_wait3A_328 = arith.constant 0 : i32
      %dma_wait3A_329 = tpu.memref_slice %arg25[%mul3A_304, %dma_wait3A_328] : memref<10008x64xf32, #tpu.memory_space<vmem_shared>> -> memref<624x64xf32, #tpu.memory_space<vmem_shared>>
      tpu.wait_dma2 semaphore(%run_scoped3A : memref<!tpu.dma_semaphore, #tpu.memory_space<semaphore_mem>>) src(%dma_wait3A_329 : memref<624x64xf32, #tpu.memory_space<vmem_shared>>) dst(%dma_wait3A_327 : memref<624x64xf32, #tpu.memory_space<hbm>>)
      tpu.yield
    }) : () -> ()
    %mul3A_310 = arith.constant 624 : i32
    %mul3A_311 = arith.muli %arg1, %mul3A_310 : i32
    %mul3A_312 = arith.constant 10000 : i32
    %mul3A_313 = arith.muli %arg0, %mul3A_312 : i32
    %mul3A_314 = arith.constant 624 : i32
    %mul3A_315 = arith.muli %arg1, %mul3A_314 : i32
    %add3A_316 = arith.addi %mul3A_313, %mul3A_315 : i32
    "tpu.region"() ({
      %run_scoped3A = tpu.sem_alloc : memref<!tpu.dma_semaphore, #tpu.memory_space<semaphore_mem>>
      %dma_start3A_322 = arith.constant 0 : i32
      %dma_start3A_323 = tpu.memref_slice %arg9[%add3A_316, %dma_start3A_322] : memref<20000x64xf32, #tpu.memory_space<hbm>> -> memref<624x64xf32, #tpu.memory_space<hbm>>
      %dma_start3A_324 = arith.constant 0 : i32
      %dma_start3A_325 = tpu.memref_slice %arg26[%mul3A_311, %dma_start3A_324] : memref<10008x64xf32, #tpu.memory_space<vmem_shared>> -> memref<624x64xf32, #tpu.memory_space<vmem_shared>>
      tpu.enqueue_dma source(%dma_start3A_325 : memref<624x64xf32, #tpu.memory_space<vmem_shared>>) target(%dma_start3A_323 : memref<624x64xf32, #tpu.memory_space<hbm>>) target_semaphore(%run_scoped3A : memref<!tpu.dma_semaphore, #tpu.memory_space<semaphore_mem>>)
      %dma_wait3A_326 = arith.constant 0 : i32
      %dma_wait3A_327 = tpu.memref_slice %arg9[%add3A_316, %dma_wait3A_326] : memref<20000x64xf32, #tpu.memory_space<hbm>> -> memref<624x64xf32, #tpu.memory_space<hbm>>
      %dma_wait3A_328 = arith.constant 0 : i32
      %dma_wait3A_329 = tpu.memref_slice %arg26[%mul3A_311, %dma_wait3A_328] : memref<10008x64xf32, #tpu.memory_space<vmem_shared>> -> memref<624x64xf32, #tpu.memory_space<vmem_shared>>
      tpu.wait_dma2 semaphore(%run_scoped3A : memref<!tpu.dma_semaphore, #tpu.memory_space<semaphore_mem>>) src(%dma_wait3A_329 : memref<624x64xf32, #tpu.memory_space<vmem_shared>>) dst(%dma_wait3A_327 : memref<624x64xf32, #tpu.memory_space<hbm>>)
      tpu.yield
    }) : () -> ()
    %eq3A_317 = arith.constant 15 : i32
    %eq3A_318 = arith.cmpi eq, %arg1, %eq3A_317 : i32
    %convert_element_type3A_319 = arith.extui %eq3A_318 : i1 to i32
    %cond3A_320 = arith.constant 0 : i32
    %cond3A_321 = arith.cmpi ne, %convert_element_type3A_319, %cond3A_320 : i32
    scf.if %cond3A_321 {
      %mul3A_322 = arith.constant 10000 : i32
      %mul3A_323 = arith.muli %arg0, %mul3A_322 : i32
      %add3A_324 = arith.constant 9984 : i32
      %add3A_325 = arith.addi %mul3A_323, %add3A_324 : i32
      "tpu.region"() ({
        %run_scoped3A = tpu.sem_alloc : memref<!tpu.dma_semaphore, #tpu.memory_space<semaphore_mem>>
        %dma_start3A_330 = arith.constant 0 : i32
        %dma_start3A_331 = tpu.memref_slice %arg8[%add3A_325, %dma_start3A_330] : memref<20000x64xf32, #tpu.memory_space<hbm>> -> memref<16x64xf32, #tpu.memory_space<hbm>>
        %dma_start3A_332 = arith.constant 9984 : i32
        %dma_start3A_333 = arith.constant 0 : i32
        %dma_start3A_334 = tpu.memref_slice %arg25[%dma_start3A_332, %dma_start3A_333] : memref<10008x64xf32, #tpu.memory_space<vmem_shared>> -> memref<16x64xf32, #tpu.memory_space<vmem_shared>>
        tpu.enqueue_dma source(%dma_start3A_334 : memref<16x64xf32, #tpu.memory_space<vmem_shared>>) target(%dma_start3A_331 : memref<16x64xf32, #tpu.memory_space<hbm>>) target_semaphore(%run_scoped3A : memref<!tpu.dma_semaphore, #tpu.memory_space<semaphore_mem>>)
        %dma_wait3A_335 = arith.constant 0 : i32
        %dma_wait3A_336 = tpu.memref_slice %arg8[%add3A_325, %dma_wait3A_335] : memref<20000x64xf32, #tpu.memory_space<hbm>> -> memref<16x64xf32, #tpu.memory_space<hbm>>
        %dma_wait3A_337 = arith.constant 9984 : i32
        %dma_wait3A_338 = arith.constant 0 : i32
        %dma_wait3A_339 = tpu.memref_slice %arg25[%dma_wait3A_337, %dma_wait3A_338] : memref<10008x64xf32, #tpu.memory_space<vmem_shared>> -> memref<16x64xf32, #tpu.memory_space<vmem_shared>>
        tpu.wait_dma2 semaphore(%run_scoped3A : memref<!tpu.dma_semaphore, #tpu.memory_space<semaphore_mem>>) src(%dma_wait3A_339 : memref<16x64xf32, #tpu.memory_space<vmem_shared>>) dst(%dma_wait3A_336 : memref<16x64xf32, #tpu.memory_space<hbm>>)
        tpu.yield
      }) : () -> ()
      %mul3A_326 = arith.constant 10000 : i32
      %mul3A_327 = arith.muli %arg0, %mul3A_326 : i32
      %add3A_328 = arith.constant 9984 : i32
      %add3A_329 = arith.addi %mul3A_327, %add3A_328 : i32
      "tpu.region"() ({
        %run_scoped3A = tpu.sem_alloc : memref<!tpu.dma_semaphore, #tpu.memory_space<semaphore_mem>>
        %dma_start3A_330 = arith.constant 0 : i32
        %dma_start3A_331 = tpu.memref_slice %arg9[%add3A_329, %dma_start3A_330] : memref<20000x64xf32, #tpu.memory_space<hbm>> -> memref<16x64xf32, #tpu.memory_space<hbm>>
        %dma_start3A_332 = arith.constant 9984 : i32
        %dma_start3A_333 = arith.constant 0 : i32
        %dma_start3A_334 = tpu.memref_slice %arg26[%dma_start3A_332, %dma_start3A_333] : memref<10008x64xf32, #tpu.memory_space<vmem_shared>> -> memref<16x64xf32, #tpu.memory_space<vmem_shared>>
        tpu.enqueue_dma source(%dma_start3A_334 : memref<16x64xf32, #tpu.memory_space<vmem_shared>>) target(%dma_start3A_331 : memref<16x64xf32, #tpu.memory_space<hbm>>) target_semaphore(%run_scoped3A : memref<!tpu.dma_semaphore, #tpu.memory_space<semaphore_mem>>)
        %dma_wait3A_335 = arith.constant 0 : i32
        %dma_wait3A_336 = tpu.memref_slice %arg9[%add3A_329, %dma_wait3A_335] : memref<20000x64xf32, #tpu.memory_space<hbm>> -> memref<16x64xf32, #tpu.memory_space<hbm>>
        %dma_wait3A_337 = arith.constant 9984 : i32
        %dma_wait3A_338 = arith.constant 0 : i32
        %dma_wait3A_339 = tpu.memref_slice %arg26[%dma_wait3A_337, %dma_wait3A_338] : memref<10008x64xf32, #tpu.memory_space<vmem_shared>> -> memref<16x64xf32, #tpu.memory_space<vmem_shared>>
        tpu.wait_dma2 semaphore(%run_scoped3A : memref<!tpu.dma_semaphore, #tpu.memory_space<semaphore_mem>>) src(%dma_wait3A_339 : memref<16x64xf32, #tpu.memory_space<vmem_shared>>) dst(%dma_wait3A_336 : memref<16x64xf32, #tpu.memory_space<hbm>>)
        tpu.yield
      }) : () -> ()
    } else {
    }
    return
  }
}

module attributes {stable_mosaic.version = 14 : i64} {
  func.func @_node_lin_body(%arg0: i32, %arg1: memref<2000x128xf32, #tpu.memory_space<vmem>>, %arg2: memref<128x128xf32, #tpu.memory_space<vmem>>, %arg3: memref<1x128xf32, #tpu.memory_space<vmem>>, %arg4: memref<128x128xf32, #tpu.memory_space<vmem>>, %arg5: memref<1x128xf32, #tpu.memory_space<vmem>>, %arg6: memref<128x128xf32, #tpu.memory_space<vmem>>, %arg7: memref<1x128xf32, #tpu.memory_space<vmem>>, %arg8: memref<128x128xf32, #tpu.memory_space<vmem>>, %arg9: memref<1x128xf32, #tpu.memory_space<vmem>>, %arg10: memref<2000x128xf32, #tpu.memory_space<vmem>>, %arg11: memref<2x2000x64xf32, #tpu.memory_space<vmem>>, %arg12: memref<2x2000x64xf32, #tpu.memory_space<vmem>>, %arg13: memref<2x2000x64xf32, #tpu.memory_space<vmem>>) attributes {dimension_semantics = [#tpu.dimension_semantics<arbitrary>], iteration_bounds = array<i64: 5>, scalar_prefetch = 0 : i64, scratch_operands = 0 : i64, tpu.core_type = #tpu.core_type<tc>, window_params = [{transform_indices = @transform_0, window_bounds = array<i64: 2000, 128>}, {pipeline_mode = #tpu.pipeline_mode<synchronous>, transform_indices = @transform_1, window_bounds = array<i64: 128, 128>}, {pipeline_mode = #tpu.pipeline_mode<synchronous>, transform_indices = @transform_2, window_bounds = array<i64: 1, 128>}, {pipeline_mode = #tpu.pipeline_mode<synchronous>, transform_indices = @transform_3, window_bounds = array<i64: 128, 128>}, {pipeline_mode = #tpu.pipeline_mode<synchronous>, transform_indices = @transform_4, window_bounds = array<i64: 1, 128>}, {pipeline_mode = #tpu.pipeline_mode<synchronous>, transform_indices = @transform_5, window_bounds = array<i64: 128, 128>}, {pipeline_mode = #tpu.pipeline_mode<synchronous>, transform_indices = @transform_6, window_bounds = array<i64: 1, 128>}, {pipeline_mode = #tpu.pipeline_mode<synchronous>, transform_indices = @transform_7, window_bounds = array<i64: 128, 128>}, {pipeline_mode = #tpu.pipeline_mode<synchronous>, transform_indices = @transform_8, window_bounds = array<i64: 1, 128>}, {transform_indices = @transform_9, window_bounds = array<i64: 2000, 128>}, {transform_indices = @transform_10, window_bounds = array<i64: 2, 2000, 64>}, {transform_indices = @transform_11, window_bounds = array<i64: 2, 2000, 64>}, {transform_indices = @transform_12, window_bounds = array<i64: 2, 2000, 64>}]} {
    %get3A = arith.constant 0 : index
    %get3A_0 = arith.constant 0 : index
    %get3A_1 = vector.load %arg1[%get3A, %get3A_0] : memref<2000x128xf32, #tpu.memory_space<vmem>>, vector<2000x128xf32>
    %get3A_2 = arith.constant 0 : index
    %get3A_3 = arith.constant 0 : index
    %get3A_4 = vector.load %arg2[%get3A_2, %get3A_3] : memref<128x128xf32, #tpu.memory_space<vmem>>, vector<128x128xf32>
    %dot_general3A = arith.constant dense<0.000000e+00> : vector<2000x128xf32>
    %dot_general3A_5 = tpu.matmul %get3A_1, %get3A_4, %dot_general3A {dimension_numbers = #tpu.dot_dimension_numbers<[1], [0], [0], [1], [0, 0, 1, 1], [], []>, transpose_lhs_hint = false} : vector<2000x128xf32>, vector<128x128xf32>, vector<2000x128xf32> -> vector<2000x128xf32>
    %get3A_6 = arith.constant 0 : index
    %get3A_7 = arith.constant 0 : index
    %get3A_8 = vector.load %arg3[%get3A_6, %get3A_7] : memref<1x128xf32, #tpu.memory_space<vmem>>, vector<1x128xf32>
    %add3A = vector.broadcast %get3A_8 : vector<1x128xf32> to vector<2000x128xf32>
    %add3A_9 = arith.addf %dot_general3A_5, %add3A : vector<2000x128xf32>
    %swap3A = arith.constant 0 : index
    %swap3A_10 = arith.constant 0 : index
    %swap3A_11 = vector.load %arg10[%swap3A, %swap3A_10] : memref<2000x128xf32, #tpu.memory_space<vmem>>, vector<2000x128xf32>
    tpu.vector_store %arg10[%swap3A, %swap3A_10], %add3A_9 {strides = array<i32>} : memref<2000x128xf32, #tpu.memory_space<vmem>>, vector<2000x128xf32>,
    %get3A_12 = arith.constant 0 : index
    %get3A_13 = arith.constant 0 : index
    %get3A_14 = vector.load %arg4[%get3A_12, %get3A_13] : memref<128x128xf32, #tpu.memory_space<vmem>>, vector<128x128xf32>
    %dot_general3A_15 = arith.constant dense<0.000000e+00> : vector<2000x128xf32>
    %dot_general3A_16 = tpu.matmul %get3A_1, %get3A_14, %dot_general3A_15 {dimension_numbers = #tpu.dot_dimension_numbers<[1], [0], [0], [1], [0, 0, 1, 1], [], []>, transpose_lhs_hint = false} : vector<2000x128xf32>, vector<128x128xf32>, vector<2000x128xf32> -> vector<2000x128xf32>
    %get3A_17 = arith.constant 0 : index
    %get3A_18 = arith.constant 0 : index
    %get3A_19 = vector.load %arg5[%get3A_17, %get3A_18] : memref<1x128xf32, #tpu.memory_space<vmem>>, vector<1x128xf32>
    %add3A_20 = vector.broadcast %get3A_19 : vector<1x128xf32> to vector<2000x128xf32>
    %add3A_21 = arith.addf %dot_general3A_16, %add3A_20 : vector<2000x128xf32>
    %slice3A = vector.extract_strided_slice %add3A_21 {offsets = [0, 0], sizes = [2000, 64], strides = [1, 1]} : vector<2000x128xf32> to vector<2000x64xf32>
    %swap3A_22 = arith.constant 0 : index
    %swap3A_23 = arith.constant 0 : index
    %swap3A_24 = arith.constant 0 : index
    %swap3A_25 = vector.load %arg11[%swap3A_22, %swap3A_23, %swap3A_24] : memref<2x2000x64xf32, #tpu.memory_space<vmem>>, vector<1x2000x64xf32>
    %swap3A_26 = vector.shape_cast %swap3A_25 : vector<1x2000x64xf32> to vector<2000x64xf32>
    %swap3A_27 = vector.shape_cast %slice3A : vector<2000x64xf32> to vector<1x2000x64xf32>
    tpu.vector_store %arg11[%swap3A_22, %swap3A_23, %swap3A_24], %swap3A_27 {strides = array<i32>} : memref<2x2000x64xf32, #tpu.memory_space<vmem>>, vector<1x2000x64xf32>,
    %slice3A_28 = vector.extract_strided_slice %add3A_21 {offsets = [0, 64], sizes = [2000, 64], strides = [1, 1]} : vector<2000x128xf32> to vector<2000x64xf32>
    %swap3A_29 = arith.constant 1 : index
    %swap3A_30 = arith.constant 0 : index
    %swap3A_31 = arith.constant 0 : index
    %swap3A_32 = vector.load %arg11[%swap3A_29, %swap3A_30, %swap3A_31] : memref<2x2000x64xf32, #tpu.memory_space<vmem>>, vector<1x2000x64xf32>
    %swap3A_33 = vector.shape_cast %swap3A_32 : vector<1x2000x64xf32> to vector<2000x64xf32>
    %swap3A_34 = vector.shape_cast %slice3A_28 : vector<2000x64xf32> to vector<1x2000x64xf32>
    tpu.vector_store %arg11[%swap3A_29, %swap3A_30, %swap3A_31], %swap3A_34 {strides = array<i32>} : memref<2x2000x64xf32, #tpu.memory_space<vmem>>, vector<1x2000x64xf32>,
    %get3A_35 = arith.constant 0 : index
    %get3A_36 = arith.constant 0 : index
    %get3A_37 = vector.load %arg6[%get3A_35, %get3A_36] : memref<128x128xf32, #tpu.memory_space<vmem>>, vector<128x128xf32>
    %dot_general3A_38 = arith.constant dense<0.000000e+00> : vector<2000x128xf32>
    %dot_general3A_39 = tpu.matmul %get3A_1, %get3A_37, %dot_general3A_38 {dimension_numbers = #tpu.dot_dimension_numbers<[1], [0], [0], [1], [0, 0, 1, 1], [], []>, transpose_lhs_hint = false} : vector<2000x128xf32>, vector<128x128xf32>, vector<2000x128xf32> -> vector<2000x128xf32>
    %get3A_40 = arith.constant 0 : index
    %get3A_41 = arith.constant 0 : index
    %get3A_42 = vector.load %arg7[%get3A_40, %get3A_41] : memref<1x128xf32, #tpu.memory_space<vmem>>, vector<1x128xf32>
    %add3A_43 = vector.broadcast %get3A_42 : vector<1x128xf32> to vector<2000x128xf32>
    %add3A_44 = arith.addf %dot_general3A_39, %add3A_43 : vector<2000x128xf32>
    %slice3A_45 = vector.extract_strided_slice %add3A_44 {offsets = [0, 0], sizes = [2000, 64], strides = [1, 1]} : vector<2000x128xf32> to vector<2000x64xf32>
    %swap3A_46 = arith.constant 0 : index
    %swap3A_47 = arith.constant 0 : index
    %swap3A_48 = arith.constant 0 : index
    %swap3A_49 = vector.load %arg12[%swap3A_46, %swap3A_47, %swap3A_48] : memref<2x2000x64xf32, #tpu.memory_space<vmem>>, vector<1x2000x64xf32>
    %swap3A_50 = vector.shape_cast %swap3A_49 : vector<1x2000x64xf32> to vector<2000x64xf32>
    %swap3A_51 = vector.shape_cast %slice3A_45 : vector<2000x64xf32> to vector<1x2000x64xf32>
    tpu.vector_store %arg12[%swap3A_46, %swap3A_47, %swap3A_48], %swap3A_51 {strides = array<i32>} : memref<2x2000x64xf32, #tpu.memory_space<vmem>>, vector<1x2000x64xf32>,
    %slice3A_52 = vector.extract_strided_slice %add3A_44 {offsets = [0, 64], sizes = [2000, 64], strides = [1, 1]} : vector<2000x128xf32> to vector<2000x64xf32>
    %swap3A_53 = arith.constant 1 : index
    %swap3A_54 = arith.constant 0 : index
    %swap3A_55 = arith.constant 0 : index
    %swap3A_56 = vector.load %arg12[%swap3A_53, %swap3A_54, %swap3A_55] : memref<2x2000x64xf32, #tpu.memory_space<vmem>>, vector<1x2000x64xf32>
    %swap3A_57 = vector.shape_cast %swap3A_56 : vector<1x2000x64xf32> to vector<2000x64xf32>
    %swap3A_58 = vector.shape_cast %slice3A_52 : vector<2000x64xf32> to vector<1x2000x64xf32>
    tpu.vector_store %arg12[%swap3A_53, %swap3A_54, %swap3A_55], %swap3A_58 {strides = array<i32>} : memref<2x2000x64xf32, #tpu.memory_space<vmem>>, vector<1x2000x64xf32>,
    %get3A_59 = arith.constant 0 : index
    %get3A_60 = arith.constant 0 : index
    %get3A_61 = vector.load %arg8[%get3A_59, %get3A_60] : memref<128x128xf32, #tpu.memory_space<vmem>>, vector<128x128xf32>
    %dot_general3A_62 = arith.constant dense<0.000000e+00> : vector<2000x128xf32>
    %dot_general3A_63 = tpu.matmul %get3A_1, %get3A_61, %dot_general3A_62 {dimension_numbers = #tpu.dot_dimension_numbers<[1], [0], [0], [1], [0, 0, 1, 1], [], []>, transpose_lhs_hint = false} : vector<2000x128xf32>, vector<128x128xf32>, vector<2000x128xf32> -> vector<2000x128xf32>
    %get3A_64 = arith.constant 0 : index
    %get3A_65 = arith.constant 0 : index
    %get3A_66 = vector.load %arg9[%get3A_64, %get3A_65] : memref<1x128xf32, #tpu.memory_space<vmem>>, vector<1x128xf32>
    %add3A_67 = vector.broadcast %get3A_66 : vector<1x128xf32> to vector<2000x128xf32>
    %add3A_68 = arith.addf %dot_general3A_63, %add3A_67 : vector<2000x128xf32>
    %slice3A_69 = vector.extract_strided_slice %add3A_68 {offsets = [0, 0], sizes = [2000, 64], strides = [1, 1]} : vector<2000x128xf32> to vector<2000x64xf32>
    %swap3A_70 = arith.constant 0 : index
    %swap3A_71 = arith.constant 0 : index
    %swap3A_72 = arith.constant 0 : index
    %swap3A_73 = vector.load %arg13[%swap3A_70, %swap3A_71, %swap3A_72] : memref<2x2000x64xf32, #tpu.memory_space<vmem>>, vector<1x2000x64xf32>
    %swap3A_74 = vector.shape_cast %swap3A_73 : vector<1x2000x64xf32> to vector<2000x64xf32>
    %swap3A_75 = vector.shape_cast %slice3A_69 : vector<2000x64xf32> to vector<1x2000x64xf32>
    tpu.vector_store %arg13[%swap3A_70, %swap3A_71, %swap3A_72], %swap3A_75 {strides = array<i32>} : memref<2x2000x64xf32, #tpu.memory_space<vmem>>, vector<1x2000x64xf32>,
    %slice3A_76 = vector.extract_strided_slice %add3A_68 {offsets = [0, 64], sizes = [2000, 64], strides = [1, 1]} : vector<2000x128xf32> to vector<2000x64xf32>
    %swap3A_77 = arith.constant 1 : index
    %swap3A_78 = arith.constant 0 : index
    %swap3A_79 = arith.constant 0 : index
    %swap3A_80 = vector.load %arg13[%swap3A_77, %swap3A_78, %swap3A_79] : memref<2x2000x64xf32, #tpu.memory_space<vmem>>, vector<1x2000x64xf32>
    %swap3A_81 = vector.shape_cast %swap3A_80 : vector<1x2000x64xf32> to vector<2000x64xf32>
    %swap3A_82 = vector.shape_cast %slice3A_76 : vector<2000x64xf32> to vector<1x2000x64xf32>
    tpu.vector_store %arg13[%swap3A_77, %swap3A_78, %swap3A_79], %swap3A_82 {strides = array<i32>} : memref<2x2000x64xf32, #tpu.memory_space<vmem>>, vector<1x2000x64xf32>,
    return
  }
  func.func @transform_0(%arg0: i32) -> (i32, i32) {
    %c0_i32 = arith.constant 0 : i32
    %c0_i32_0 = arith.constant 0 : i32
    return %arg0, %c0_i32 : i32, i32
  }
  func.func @transform_1(%arg0: i32) -> (i32, i32) {
    %c0_i32 = arith.constant 0 : i32
    %c0_i32_0 = arith.constant 0 : i32
    %c0_i32_1 = arith.constant 0 : i32
    return %c0_i32, %c0_i32_0 : i32, i32
  }
  func.func @transform_2(%arg0: i32) -> (i32, i32) {
    %c0_i32 = arith.constant 0 : i32
    %c0_i32_0 = arith.constant 0 : i32
    %c0_i32_1 = arith.constant 0 : i32
    return %c0_i32, %c0_i32_0 : i32, i32
  }
  func.func @transform_3(%arg0: i32) -> (i32, i32) {
    %c0_i32 = arith.constant 0 : i32
    %c0_i32_0 = arith.constant 0 : i32
    %c0_i32_1 = arith.constant 0 : i32
    return %c0_i32, %c0_i32_0 : i32, i32
  }
  func.func @transform_4(%arg0: i32) -> (i32, i32) {
    %c0_i32 = arith.constant 0 : i32
    %c0_i32_0 = arith.constant 0 : i32
    %c0_i32_1 = arith.constant 0 : i32
    return %c0_i32, %c0_i32_0 : i32, i32
  }
  func.func @transform_5(%arg0: i32) -> (i32, i32) {
    %c0_i32 = arith.constant 0 : i32
    %c0_i32_0 = arith.constant 0 : i32
    %c0_i32_1 = arith.constant 0 : i32
    return %c0_i32, %c0_i32_0 : i32, i32
  }
  func.func @transform_6(%arg0: i32) -> (i32, i32) {
    %c0_i32 = arith.constant 0 : i32
    %c0_i32_0 = arith.constant 0 : i32
    %c0_i32_1 = arith.constant 0 : i32
    return %c0_i32, %c0_i32_0 : i32, i32
  }
  func.func @transform_7(%arg0: i32) -> (i32, i32) {
    %c0_i32 = arith.constant 0 : i32
    %c0_i32_0 = arith.constant 0 : i32
    %c0_i32_1 = arith.constant 0 : i32
    return %c0_i32, %c0_i32_0 : i32, i32
  }
  func.func @transform_8(%arg0: i32) -> (i32, i32) {
    %c0_i32 = arith.constant 0 : i32
    %c0_i32_0 = arith.constant 0 : i32
    %c0_i32_1 = arith.constant 0 : i32
    return %c0_i32, %c0_i32_0 : i32, i32
  }
  func.func @transform_9(%arg0: i32) -> (i32, i32) {
    %c0_i32 = arith.constant 0 : i32
    %c0_i32_0 = arith.constant 0 : i32
    return %arg0, %c0_i32 : i32, i32
  }
  func.func @transform_10(%arg0: i32) -> (i32, i32, i32) {
    %c0_i32 = arith.constant 0 : i32
    %c0_i32_0 = arith.constant 0 : i32
    %c0_i32_1 = arith.constant 0 : i32
    return %c0_i32, %arg0, %c0_i32_0 : i32, i32, i32
  }
  func.func @transform_11(%arg0: i32) -> (i32, i32, i32) {
    %c0_i32 = arith.constant 0 : i32
    %c0_i32_0 = arith.constant 0 : i32
    %c0_i32_1 = arith.constant 0 : i32
    return %c0_i32, %arg0, %c0_i32_0 : i32, i32, i32
  }
  func.func @transform_12(%arg0: i32) -> (i32, i32, i32) {
    %c0_i32 = arith.constant 0 : i32
    %c0_i32_0 = arith.constant 0 : i32
    %c0_i32_1 = arith.constant 0 : i32
    return %c0_i32, %arg0, %c0_i32_0 : i32, i32, i32
  }
}

module attributes {stable_mosaic.version = 14 : i64} {
  func.func @_ce_body(%arg0: i32, %arg1: memref<4000x128xf32, #tpu.memory_space<vmem>>, %arg2: memref<128x128xf32, #tpu.memory_space<vmem>>, %arg3: memref<1x128xf32, #tpu.memory_space<vmem>>, %arg4: memref<4000x128xf32, #tpu.memory_space<vmem>>) attributes {dimension_semantics = [#tpu.dimension_semantics<arbitrary>], iteration_bounds = array<i64: 80>, scalar_prefetch = 0 : i64, scratch_operands = 0 : i64, tpu.core_type = #tpu.core_type<tc>, window_params = [{transform_indices = @transform_0, window_bounds = array<i64: 4000, 128>}, {pipeline_mode = #tpu.pipeline_mode<synchronous>, transform_indices = @transform_1, window_bounds = array<i64: 128, 128>}, {pipeline_mode = #tpu.pipeline_mode<synchronous>, transform_indices = @transform_2, window_bounds = array<i64: 1, 128>}, {transform_indices = @transform_3, window_bounds = array<i64: 4000, 128>}]} {
    %get3A = arith.constant 0 : index
    %get3A_0 = arith.constant 0 : index
    %get3A_1 = vector.load %arg1[%get3A, %get3A_0] : memref<4000x128xf32, #tpu.memory_space<vmem>>, vector<4000x128xf32>
    %get3A_2 = arith.constant 0 : index
    %get3A_3 = arith.constant 0 : index
    %get3A_4 = vector.load %arg2[%get3A_2, %get3A_3] : memref<128x128xf32, #tpu.memory_space<vmem>>, vector<128x128xf32>
    %dot_general3A = arith.constant dense<0.000000e+00> : vector<4000x128xf32>
    %dot_general3A_5 = tpu.matmul %get3A_1, %get3A_4, %dot_general3A {dimension_numbers = #tpu.dot_dimension_numbers<[1], [0], [0], [1], [0, 0, 1, 1], [], []>, transpose_lhs_hint = false} : vector<4000x128xf32>, vector<128x128xf32>, vector<4000x128xf32> -> vector<4000x128xf32>
    %get3A_6 = arith.constant 0 : index
    %get3A_7 = arith.constant 0 : index
    %get3A_8 = vector.load %arg3[%get3A_6, %get3A_7] : memref<1x128xf32, #tpu.memory_space<vmem>>, vector<1x128xf32>
    %add3A = vector.broadcast %get3A_8 : vector<1x128xf32> to vector<4000x128xf32>
    %add3A_9 = arith.addf %dot_general3A_5, %add3A : vector<4000x128xf32>
    %swap3A = arith.constant 0 : index
    %swap3A_10 = arith.constant 0 : index
    %swap3A_11 = vector.load %arg4[%swap3A, %swap3A_10] : memref<4000x128xf32, #tpu.memory_space<vmem>>, vector<4000x128xf32>
    tpu.vector_store %arg4[%swap3A, %swap3A_10], %add3A_9 {strides = array<i32>} : memref<4000x128xf32, #tpu.memory_space<vmem>>, vector<4000x128xf32>,
    return
  }
  func.func @transform_0(%arg0: i32) -> (i32, i32) {
    %c0_i32 = arith.constant 0 : i32
    %c0_i32_0 = arith.constant 0 : i32
    return %arg0, %c0_i32 : i32, i32
  }
  func.func @transform_1(%arg0: i32) -> (i32, i32) {
    %c0_i32 = arith.constant 0 : i32
    %c0_i32_0 = arith.constant 0 : i32
    %c0_i32_1 = arith.constant 0 : i32
    return %c0_i32, %c0_i32_0 : i32, i32
  }
  func.func @transform_2(%arg0: i32) -> (i32, i32) {
    %c0_i32 = arith.constant 0 : i32
    %c0_i32_0 = arith.constant 0 : i32
    %c0_i32_1 = arith.constant 0 : i32
    return %c0_i32, %c0_i32_0 : i32, i32
  }
  func.func @transform_3(%arg0: i32) -> (i32, i32) {
    %c0_i32 = arith.constant 0 : i32
    %c0_i32_0 = arith.constant 0 : i32
    return %arg0, %c0_i32 : i32, i32
  }
}

module attributes {stable_mosaic.version = 14 : i64} {
  func.func @_eout_body(%arg0: i32, %arg1: memref<4000x128xf32, #tpu.memory_space<vmem>>, %arg2: memref<4000x128xf32, #tpu.memory_space<vmem>>, %arg3: memref<256x128xf32, #tpu.memory_space<vmem>>, %arg4: memref<1x128xf32, #tpu.memory_space<vmem>>, %arg5: memref<1x128xf32, #tpu.memory_space<vmem>>, %arg6: memref<4000x128xf32, #tpu.memory_space<vmem>>) attributes {dimension_semantics = [#tpu.dimension_semantics<arbitrary>], iteration_bounds = array<i64: 80>, scalar_prefetch = 0 : i64, scratch_operands = 0 : i64, tpu.core_type = #tpu.core_type<tc>, window_params = [{transform_indices = @transform_0, window_bounds = array<i64: 4000, 128>}, {transform_indices = @transform_1, window_bounds = array<i64: 4000, 128>}, {pipeline_mode = #tpu.pipeline_mode<synchronous>, transform_indices = @transform_2, window_bounds = array<i64: 256, 128>}, {pipeline_mode = #tpu.pipeline_mode<synchronous>, transform_indices = @transform_3, window_bounds = array<i64: 1, 128>}, {pipeline_mode = #tpu.pipeline_mode<synchronous>, transform_indices = @transform_4, window_bounds = array<i64: 1, 128>}, {transform_indices = @transform_5, window_bounds = array<i64: 4000, 128>}]} {
    %get3A = arith.constant 0 : index
    %get3A_0 = arith.constant 0 : index
    %get3A_1 = vector.load %arg3[%get3A, %get3A_0] : memref<256x128xf32, #tpu.memory_space<vmem>>, vector<256x128xf32>
    %slice3A = vector.extract_strided_slice %get3A_1 {offsets = [0, 0], sizes = [128, 64], strides = [1, 1]} : vector<256x128xf32> to vector<128x64xf32>
    %reduce_sum3A = arith.constant dense<0.000000e+00> : vector<64xf32>
    %reduce_sum3A_2 = vector.multi_reduction <add>, %slice3A, %reduce_sum3A [0] : vector<128x64xf32> to vector<64xf32>
    %slice3A_3 = vector.extract_strided_slice %get3A_1 {offsets = [128, 0], sizes = [128, 64], strides = [1, 1]} : vector<256x128xf32> to vector<128x64xf32>
    %reduce_sum3A_4 = arith.constant dense<0.000000e+00> : vector<64xf32>
    %reduce_sum3A_5 = vector.multi_reduction <add>, %slice3A_3, %reduce_sum3A_4 [0] : vector<128x64xf32> to vector<64xf32>
    %slice3A_6 = vector.extract_strided_slice %get3A_1 {offsets = [0, 64], sizes = [128, 64], strides = [1, 1]} : vector<256x128xf32> to vector<128x64xf32>
    %reduce_sum3A_7 = arith.constant dense<0.000000e+00> : vector<64xf32>
    %reduce_sum3A_8 = vector.multi_reduction <add>, %slice3A_6, %reduce_sum3A_7 [0] : vector<128x64xf32> to vector<64xf32>
    %slice3A_9 = vector.extract_strided_slice %get3A_1 {offsets = [128, 64], sizes = [128, 64], strides = [1, 1]} : vector<256x128xf32> to vector<128x64xf32>
    %reduce_sum3A_10 = arith.constant dense<0.000000e+00> : vector<64xf32>
    %reduce_sum3A_11 = vector.multi_reduction <add>, %slice3A_9, %reduce_sum3A_10 [0] : vector<128x64xf32> to vector<64xf32>
    %concatenate3A = tpu.concatenate %reduce_sum3A_2, %reduce_sum3A_5 in 0 : vector<64xf32>, vector<64xf32> -> vector<128xf32>
    %mul3A = arith.constant 3.125000e-06 : f32
    %mul3A_12 = vector.broadcast %mul3A : f32 to vector<128xf32>
    %mul3A_13 = arith.mulf %concatenate3A, %mul3A_12 : vector<128xf32>
    %concatenate3A_14 = tpu.concatenate %reduce_sum3A_8, %reduce_sum3A_11 in 0 : vector<64xf32>, vector<64xf32> -> vector<128xf32>
    %mul3A_15 = arith.constant 3.125000e-06 : f32
    %mul3A_16 = vector.broadcast %mul3A_15 : f32 to vector<128xf32>
    %mul3A_17 = arith.mulf %concatenate3A_14, %mul3A_16 : vector<128xf32>
    %mul3A_18 = arith.mulf %mul3A_13, %mul3A_13 : vector<128xf32>
    %sub3A = arith.subf %mul3A_17, %mul3A_18 : vector<128xf32>
    %add3A = arith.constant 9.99999974E-6 : f32
    %add3A_19 = vector.broadcast %add3A : f32 to vector<128xf32>
    %add3A_20 = arith.addf %sub3A, %add3A_19 : vector<128xf32>
    %rsqrt3A = math.rsqrt %add3A_20 : vector<128xf32>
    %get3A_21 = arith.constant 0 : index
    %get3A_22 = arith.constant 0 : index
    %get3A_23 = vector.load %arg2[%get3A_21, %get3A_22] : memref<4000x128xf32, #tpu.memory_space<vmem>>, vector<4000x128xf32>
    %broadcast_in_dim3A = vector.shape_cast %mul3A_13 : vector<128xf32> to vector<1x128xf32>
    %sub3A_24 = vector.broadcast %broadcast_in_dim3A : vector<1x128xf32> to vector<4000x128xf32>
    %sub3A_25 = arith.subf %get3A_23, %sub3A_24 : vector<4000x128xf32>
    %broadcast_in_dim3A_26 = vector.shape_cast %rsqrt3A : vector<128xf32> to vector<1x128xf32>
    %mul3A_27 = vector.broadcast %broadcast_in_dim3A_26 : vector<1x128xf32> to vector<4000x128xf32>
    %mul3A_28 = arith.mulf %sub3A_25, %mul3A_27 : vector<4000x128xf32>
    %get3A_29 = arith.constant 0 : index
    %get3A_30 = arith.constant 0 : index
    %get3A_31 = vector.load %arg4[%get3A_29, %get3A_30] : memref<1x128xf32, #tpu.memory_space<vmem>>, vector<1x128xf32>
    %mul3A_32 = vector.broadcast %get3A_31 : vector<1x128xf32> to vector<4000x128xf32>
    %mul3A_33 = arith.mulf %mul3A_28, %mul3A_32 : vector<4000x128xf32>
    %get3A_34 = arith.constant 0 : index
    %get3A_35 = arith.constant 0 : index
    %get3A_36 = vector.load %arg5[%get3A_34, %get3A_35] : memref<1x128xf32, #tpu.memory_space<vmem>>, vector<1x128xf32>
    %add3A_37 = vector.broadcast %get3A_36 : vector<1x128xf32> to vector<4000x128xf32>
    %add3A_38 = arith.addf %mul3A_33, %add3A_37 : vector<4000x128xf32>
    %get3A_39 = arith.constant 0 : index
    %get3A_40 = arith.constant 0 : index
    %get3A_41 = vector.load %arg1[%get3A_39, %get3A_40] : memref<4000x128xf32, #tpu.memory_space<vmem>>, vector<4000x128xf32>
    %max3A = arith.constant 0.000000e+00 : f32
    %max3A_42 = vector.broadcast %max3A : f32 to vector<4000x128xf32>
    %max3A_43 = arith.maximumf %add3A_38, %max3A_42 : vector<4000x128xf32>
    %add3A_44 = arith.addf %get3A_41, %max3A_43 : vector<4000x128xf32>
    %swap3A = arith.constant 0 : index
    %swap3A_45 = arith.constant 0 : index
    %swap3A_46 = vector.load %arg6[%swap3A, %swap3A_45] : memref<4000x128xf32, #tpu.memory_space<vmem>>, vector<4000x128xf32>
    tpu.vector_store %arg6[%swap3A, %swap3A_45], %add3A_44 {strides = array<i32>} : memref<4000x128xf32, #tpu.memory_space<vmem>>, vector<4000x128xf32>,
    return
  }
  func.func @transform_0(%arg0: i32) -> (i32, i32) {
    %c0_i32 = arith.constant 0 : i32
    %c0_i32_0 = arith.constant 0 : i32
    return %arg0, %c0_i32 : i32, i32
  }
  func.func @transform_1(%arg0: i32) -> (i32, i32) {
    %c0_i32 = arith.constant 0 : i32
    %c0_i32_0 = arith.constant 0 : i32
    return %arg0, %c0_i32 : i32, i32
  }
  func.func @transform_2(%arg0: i32) -> (i32, i32) {
    %c0_i32 = arith.constant 0 : i32
    %c0_i32_0 = arith.constant 0 : i32
    %c0_i32_1 = arith.constant 0 : i32
    return %c0_i32, %c0_i32_0 : i32, i32
  }
  func.func @transform_3(%arg0: i32) -> (i32, i32) {
    %c0_i32 = arith.constant 0 : i32
    %c0_i32_0 = arith.constant 0 : i32
    %c0_i32_1 = arith.constant 0 : i32
    return %c0_i32, %c0_i32_0 : i32, i32
  }
  func.func @transform_4(%arg0: i32) -> (i32, i32) {
    %c0_i32 = arith.constant 0 : i32
    %c0_i32_0 = arith.constant 0 : i32
    %c0_i32_1 = arith.constant 0 : i32
    return %c0_i32, %c0_i32_0 : i32, i32
  }
  func.func @transform_5(%arg0: i32) -> (i32, i32) {
    %c0_i32 = arith.constant 0 : i32
    %c0_i32_0 = arith.constant 0 : i32
    return %arg0, %c0_i32 : i32, i32
  }
}

module attributes {stable_mosaic.version = 14 : i64} {
  func.func @_hout_body(%arg0: memref<10000x128xf32, #tpu.memory_space<vmem>>, %arg1: memref<10000x128xf32, #tpu.memory_space<vmem>>, %arg2: memref<2x10000x64xf32, #tpu.memory_space<vmem>>, %arg3: memref<2x10000x64xf32, #tpu.memory_space<vmem>>, %arg4: memref<1x128xf32, #tpu.memory_space<vmem>>, %arg5: memref<1x128xf32, #tpu.memory_space<vmem>>, %arg6: memref<10000x128xf32, #tpu.memory_space<vmem>>) attributes {dimension_semantics = [], scalar_prefetch = 0 : i64, scratch_operands = 0 : i64, tpu.core_type = #tpu.core_type<tc>} {
    %get3A = arith.constant 0 : index
    %get3A_0 = arith.constant 0 : index
    %get3A_1 = arith.constant 0 : index
    %get3A_2 = vector.load %arg2[%get3A, %get3A_0, %get3A_1] : memref<2x10000x64xf32, #tpu.memory_space<vmem>>, vector<1x10000x64xf32>
    %get3A_3 = vector.shape_cast %get3A_2 : vector<1x10000x64xf32> to vector<10000x64xf32>
    %get3A_4 = arith.constant 1 : index
    %get3A_5 = arith.constant 0 : index
    %get3A_6 = arith.constant 0 : index
    %get3A_7 = vector.load %arg2[%get3A_4, %get3A_5, %get3A_6] : memref<2x10000x64xf32, #tpu.memory_space<vmem>>, vector<1x10000x64xf32>
    %get3A_8 = vector.shape_cast %get3A_7 : vector<1x10000x64xf32> to vector<10000x64xf32>
    %concatenate3A = tpu.concatenate %get3A_3, %get3A_8 in 1 : vector<10000x64xf32>, vector<10000x64xf32> -> vector<10000x128xf32>
    %get3A_9 = arith.constant 0 : index
    %get3A_10 = arith.constant 0 : index
    %get3A_11 = arith.constant 0 : index
    %get3A_12 = vector.load %arg3[%get3A_9, %get3A_10, %get3A_11] : memref<2x10000x64xf32, #tpu.memory_space<vmem>>, vector<1x10000x64xf32>
    %get3A_13 = vector.shape_cast %get3A_12 : vector<1x10000x64xf32> to vector<10000x64xf32>
    %get3A_14 = arith.constant 1 : index
    %get3A_15 = arith.constant 0 : index
    %get3A_16 = arith.constant 0 : index
    %get3A_17 = vector.load %arg3[%get3A_14, %get3A_15, %get3A_16] : memref<2x10000x64xf32, #tpu.memory_space<vmem>>, vector<1x10000x64xf32>
    %get3A_18 = vector.shape_cast %get3A_17 : vector<1x10000x64xf32> to vector<10000x64xf32>
    %concatenate3A_19 = tpu.concatenate %get3A_13, %get3A_18 in 1 : vector<10000x64xf32>, vector<10000x64xf32> -> vector<10000x128xf32>
    %get3A_20 = arith.constant 0 : index
    %get3A_21 = arith.constant 0 : index
    %get3A_22 = vector.load %arg1[%get3A_20, %get3A_21] : memref<10000x128xf32, #tpu.memory_space<vmem>>, vector<10000x128xf32>
    %add3A = arith.constant 9.99999997E-7 : f32
    %add3A_23 = vector.broadcast %add3A : f32 to vector<10000x128xf32>
    %add3A_24 = arith.addf %concatenate3A_19, %add3A_23 : vector<10000x128xf32>
    %div3A = arith.divf %concatenate3A, %add3A_24 : vector<10000x128xf32>
    %add3A_25 = arith.addf %get3A_22, %div3A : vector<10000x128xf32>
    %reduce_sum3A = arith.constant dense<0.000000e+00> : vector<128xf32>
    %reduce_sum3A_26 = vector.multi_reduction <add>, %add3A_25, %reduce_sum3A [0] : vector<10000x128xf32> to vector<128xf32>
    %div3A_27 = arith.constant 1.000000e+04 : f32
    %div3A_28 = vector.broadcast %div3A_27 : f32 to vector<128xf32>
    %div3A_29 = arith.divf %reduce_sum3A_26, %div3A_28 : vector<128xf32>
    %mul3A = arith.mulf %add3A_25, %add3A_25 : vector<10000x128xf32>
    %reduce_sum3A_30 = arith.constant dense<0.000000e+00> : vector<128xf32>
    %reduce_sum3A_31 = vector.multi_reduction <add>, %mul3A, %reduce_sum3A_30 [0] : vector<10000x128xf32> to vector<128xf32>
    %div3A_32 = arith.constant 1.000000e+04 : f32
    %div3A_33 = vector.broadcast %div3A_32 : f32 to vector<128xf32>
    %div3A_34 = arith.divf %reduce_sum3A_31, %div3A_33 : vector<128xf32>
    %mul3A_35 = arith.mulf %div3A_29, %div3A_29 : vector<128xf32>
    %sub3A = arith.subf %div3A_34, %mul3A_35 : vector<128xf32>
    %broadcast_in_dim3A = vector.shape_cast %div3A_29 : vector<128xf32> to vector<1x128xf32>
    %sub3A_36 = vector.broadcast %broadcast_in_dim3A : vector<1x128xf32> to vector<10000x128xf32>
    %sub3A_37 = arith.subf %add3A_25, %sub3A_36 : vector<10000x128xf32>
    %add3A_38 = arith.constant 9.99999974E-6 : f32
    %add3A_39 = vector.broadcast %add3A_38 : f32 to vector<128xf32>
    %add3A_40 = arith.addf %sub3A, %add3A_39 : vector<128xf32>
    %rsqrt3A = math.rsqrt %add3A_40 : vector<128xf32>
    %broadcast_in_dim3A_41 = vector.shape_cast %rsqrt3A : vector<128xf32> to vector<1x128xf32>
    %mul3A_42 = vector.broadcast %broadcast_in_dim3A_41 : vector<1x128xf32> to vector<10000x128xf32>
    %mul3A_43 = arith.mulf %sub3A_37, %mul3A_42 : vector<10000x128xf32>
    %get3A_44 = arith.constant 0 : index
    %get3A_45 = arith.constant 0 : index
    %get3A_46 = vector.load %arg4[%get3A_44, %get3A_45] : memref<1x128xf32, #tpu.memory_space<vmem>>, vector<1x128xf32>
    %mul3A_47 = vector.broadcast %get3A_46 : vector<1x128xf32> to vector<10000x128xf32>
    %mul3A_48 = arith.mulf %mul3A_43, %mul3A_47 : vector<10000x128xf32>
    %get3A_49 = arith.constant 0 : index
    %get3A_50 = arith.constant 0 : index
    %get3A_51 = vector.load %arg5[%get3A_49, %get3A_50] : memref<1x128xf32, #tpu.memory_space<vmem>>, vector<1x128xf32>
    %add3A_52 = vector.broadcast %get3A_51 : vector<1x128xf32> to vector<10000x128xf32>
    %add3A_53 = arith.addf %mul3A_48, %add3A_52 : vector<10000x128xf32>
    %get3A_54 = arith.constant 0 : index
    %get3A_55 = arith.constant 0 : index
    %get3A_56 = vector.load %arg0[%get3A_54, %get3A_55] : memref<10000x128xf32, #tpu.memory_space<vmem>>, vector<10000x128xf32>
    %max3A = arith.constant 0.000000e+00 : f32
    %max3A_57 = vector.broadcast %max3A : f32 to vector<10000x128xf32>
    %max3A_58 = arith.maximumf %add3A_53, %max3A_57 : vector<10000x128xf32>
    %add3A_59 = arith.addf %get3A_56, %max3A_58 : vector<10000x128xf32>
    %swap3A = arith.constant 0 : index
    %swap3A_60 = arith.constant 0 : index
    %swap3A_61 = vector.load %arg6[%swap3A, %swap3A_60] : memref<10000x128xf32, #tpu.memory_space<vmem>>, vector<10000x128xf32>
    tpu.vector_store %arg6[%swap3A, %swap3A_60], %add3A_59 {strides = array<i32>} : memref<10000x128xf32, #tpu.memory_space<vmem>>, vector<10000x128xf32>,
    return
  }
}

</mosaic_0001>

<sc_bundles>
// kernel: kernel.7.cloned.1.call-start
scs
__scs_entry_jumppad:
0x0: {  	(pc) =	sbr.rel $0x88, $3  }
0x1: {  	(tag) =	ssettag $0x0;
	lr =	simm.s32 $0x1  }
0x2: {  	[smem:$0x3F90] =	sst lr;
	_ =	strace $0xD0000000  }
0x3: {  	_ = 	snop  }
0x4: {  	_ = 	snop  }
0x5: {  	_ = 	snop  }
0x6: {  	_ = 	snop  }
0x7: {  	_ = 	snop  }
__scs_overlays_trampoline_lowered:
0x8: {  	[smem:$0x3F9F] =	sst s0  }
0x9: {  	[smem:$0x3FA0] =	sst s1  }
0xa: {  	[smem:$0x3FA1] =	sst s2  }
0xb: {  	[smem:$0x3FA2] =	sst s3  }
0xc: {  	[smem:$0x3FA3] =	sst s4  }
0xd: {  	[smem:$0x3FA4] =	sst s5  }
0xe: {  	[smem:$0x3FA5] =	sst s6  }
0xf: {  	[smem:$0x3FA6] =	sst s7  }
0x10: {  	[smem:$0x3FA7] =	sst s8  }
0x11: {  	[smem:$0x3FA8] =	sst s9;
	s0 =	simm.s32 @!p0 $0x0  }
0x12: {  	s1 =	sld [smem:$0x3F8E];
	s0 =	simm.s32 @p0 $0x1  }
0x13: {  	[smem:$0x3FA9] =	sst s0;
	s0 =	simm.s32 @!p1 $0x0  }
0x14: {  	s2 =	sld [smem:$0x3F8D];
	s0 =	simm.s32 @p1 $0x1  }
0x15: {  	[smem:$0x3FAA] =	sst s0;
	s0 =	simm.s32 @!p2 $0x0  }
0x16: {  	s3 =	sld [smem:$0x3FDB];
	s0 =	simm.s32 @p2 $0x1  }
0x17: {  	s4 =	simm.s32 $0x1BF5;
	[smem:$0x3FAC] =	sst s0  }
0x18: {  	s0 =	sld [smem:$0x3F8F];
	_ =	swait.ge [sflag:s4], $0x0  }
0x19: {  	s7 =	sld [smem:$0x3F90]  }
0x1a: {  	s8 =	sadd.s32 $0xFFFFE003, lr  }
0x1b: {  	s9 =	sadd.s32 $0xFFFFFEF7, lr;
	s5 =	simm.s32 $0xFFFFFFFF;
	p2 =	slt.u32 s8, $0xFFFFF086  }
0x1c: {  	p1 =	slt.u32 s9, $0xF7A;
	s5 =	simm.s32 @!p2 $0x0  }
0x1d: {  	s5 =	simm.s32 @p1 $0x1;
	p0 =	seq.s32 s7, s2  }
0x1e: {  	s7 =	smul.u32 @!p0 $0xF7A, s2;
	p2 =	seq.s32 @!p0 s5, $0x0  }
0x1f: {  	s9 =	smul.u32 $0xF7A, s1;
	s8 =	simm.s32 @!p0 $0x1BF5;
	p2 =	por !p2, p0  }
0x20: {  	[sflag:s8] =	ssyncset.s32 @!p0 $0xFFFFF086;
	s6 =	sadd.s32 @!p0 s3, s7;
	s7 =	simm.s32 @!p0 $0x108  }
0x21: {  	s3 =	sadd.s32 s3, s9;
	s6 =	sadd.s32 @!p0 $0x88, s6;
	s7 =	simm.s32 @p2 $0x1082  }
0x22: {  	[simem:s7], [sflag:s8] =	dma.local @!p0 [hbm:s6], $0xF7A  }
0x23: {  	s9 =	sor.u32 $0xD0000000, s2;
	s6 =	simm.s32 $0x108;
	_ =	swait.ge @!p0 [sflag:s8], $0x0  }
0x24: {  	s3 =	sadd.s32 $0x88, s3;
	s6 =	simm.s32 @!p1 $0x1082;
	[sflag:s4] =	ssyncset.s32 $0xFFFFF086  }
0x25: {  	[simem:s6], [sflag:s4] =	dma.local [hbm:s3], $0xF7A  }
0x26: {  	[smem:$0x3F90] =	sst s1;
	(tag) =	ssettag s2;
	_ =	strace s9  }
0x27: {  	s1 =	sld [smem:$0x3FA0]  }
0x28: {  	s2 =	sld [smem:$0x3FA1]  }
0x29: {  	s4 =	sld [smem:$0x3FA3]  }
0x2a: {  	p0 =	seq.s32 s5, $0x0;
	s5 =	sld [smem:$0x3FA4]  }
0x2b: {  	s6 =	sld [smem:$0x3FA5]  }
0x2c: {  	s7 =	sld [smem:$0x3FA6]  }
0x2d: {  	s3 =	simm.s32 $0x108;
	s8 =	sld [smem:$0x3FA7]  }
0x2e: {  	s3 =	simm.s32 @!p0 $0x1082;
	s9 =	sld [smem:$0x3FA8]  }
0x2f: {  	lr =	sadd.s32 s0, s3;
	s0 =	sld [smem:$0x3F9F]  }
0x30: {  	s3 =	sld [smem:$0x3FA2]  }
0x31: {  	[smem:$0x3FAB] =	sst s10  }
0x32: {  	s10 =	sld [smem:$0x3FA9];
	_ =	sdelay $0x3  }
0x33: {  	p0 =	seq.s32 s10, $0x1;
	s10 =	sld [smem:$0x3FAB];
	_ =	sdelay $0x3  }
0x34: {  	[smem:$0x3FAB] =	sst s10  }
0x35: {  	s10 =	sld [smem:$0x3FAA];
	_ =	sdelay $0x3  }
0x36: {  	p1 =	seq.s32 s10, $0x1;
	s10 =	sld [smem:$0x3FAB];
	_ =	sdelay $0x3  }
0x37: {  	[smem:$0x3FAB] =	sst s10  }
0x38: {  	s10 =	sld [smem:$0x3FAC]  }
0x39: {  	_ = 	snop;
	(pc) =	sbr.ind lr, $3  }
0x3a: {  	_ = 	snop  }
0x3b: {  	_ = 	snop  }
0x3c: {  	p2 =	seq.s32 s10, $0x1;
	s10 =	sld [smem:$0x3FAB]  }
0x3d: {  	_ =	shalt  }
0x3e: {  	_ =	shalt  }
0x3f: {  	_ =	shalt  }
0x40: {  	_ =	shalt  }
0x41: {  	_ =	shalt  }
0x42: {  	_ =	shalt  }
0x43: {  	_ =	shalt  }
0x44: {  	_ =	shalt  }
0x45: {  	_ =	shalt  }
0x46: {  	_ =	shalt  }
0x47: {  	_ =	shalt  }
0x48: {  	_ =	shalt  }
0x49: {  	_ =	shalt  }
0x4a: {  	_ =	shalt  }
0x4b: {  	_ =	shalt  }
0x4c: {  	_ =	shalt  }
0x4d: {  	_ =	shalt  }
0x4e: {  	_ =	shalt  }
0x4f: {  	_ =	shalt  }
0x50: {  	_ =	shalt  }
0x51: {  	_ =	shalt  }
0x52: {  	_ =	shalt  }
0x53: {  	_ =	shalt  }
0x54: {  	_ =	shalt  }
0x55: {  	_ =	shalt  }
0x56: {  	_ =	shalt  }
0x57: {  	_ =	shalt  }
0x58: {  	_ =	shalt  }
0x59: {  	_ =	shalt  }
0x5a: {  	_ =	shalt  }
0x5b: {  	_ =	shalt  }
0x5c: {  	_ =	shalt  }
0x5d: {  	_ =	shalt  }
0x5e: {  	_ =	shalt  }
0x5f: {  	_ =	shalt  }
0x60: {  	_ =	shalt  }
0x61: {  	_ =	shalt  }
0x62: {  	_ =	shalt  }
0x63: {  	_ =	shalt  }
0x64: {  	_ =	shalt  }
0x65: {  	_ =	shalt  }
0x66: {  	_ =	shalt  }
0x67: {  	_ =	shalt  }
0x68: {  	_ =	shalt  }
0x69: {  	_ =	shalt  }
0x6a: {  	_ =	shalt  }
0x6b: {  	_ =	shalt  }
0x6c: {  	_ =	shalt  }
0x6d: {  	_ =	shalt  }
0x6e: {  	_ =	shalt  }
0x6f: {  	_ =	shalt  }
0x70: {  	_ =	shalt  }
0x71: {  	_ =	shalt  }
0x72: {  	_ =	shalt  }
0x73: {  	_ =	shalt  }
0x74: {  	_ =	shalt  }
0x75: {  	_ =	shalt  }
0x76: {  	_ =	shalt  }
0x77: {  	_ =	shalt  }
0x78: {  	_ =	shalt  }
0x79: {  	_ =	shalt  }
0x7a: {  	_ =	shalt  }
0x7b: {  	_ =	shalt  }
0x7c: {  	_ =	shalt  }
0x7d: {  	_ =	shalt  }
0x7e: {  	_ =	shalt  }
0x7f: {  	_ =	shalt  }
0x80: {  	_ =	shalt  }
0x81: {  	_ =	shalt  }
0x82: {  	_ =	shalt  }
0x83: {  	_ =	shalt  }
0x84: {  	_ =	shalt  }
0x85: {  	_ =	shalt  }
0x86: {  	_ =	shalt  }
0x87: {  	_ =	shalt  }
.Lfunc_end0:
.L_simem_size_0:
called_computation_lowered:
.L_overlay_start_0:
0x88: {  	s2 =	sld [smem:$0x3FD9]  }
0x89: {  	s3 =	sld [smem:$0x3FFE];
	_ =	sdelay $0x1  }
0x8a: {  	s1 =	srdreg.scid  }
0x8b: {  	s0 =	sand.u32 $0x1, s1  }
0x8c: {  	s14 =	sshll.u32 s0, $0xA;
	s2 =	sadd.s32 s3, s2  }
0x8d: {  	s2 =	sadd.s32 s2, s14  }
0x8e: {  	[smem:$0x3FB7] =	sst s2  }
0x8f: {  	_ = 	snop  }
0x90: {  	s2 =	sld [smem:$0x3FD0];
	_ =	sdelay $0x2  }
0x91: {  	s15 =	simm.s32 $0xA;
	s4 =	simm.s32 $0x10  }
0x92: {  	[smem:s4], [sflag:s15] =	dma.local [hbm:s2], $0x1  }
0x93: {  	_ =	swait.eq [sflag:s15], $0x1  }
0x94: {  	[sflag:s15] =	ssyncset.done $0x0  }
0x95: {  	[sflag:s15] =	ssyncadd.s32 $0xFFFFFFFF  }
0x96: {  	s16 =	sld [smem:$0x11];
	(tm) =	ssettm $0x1  }
0x97: {  	s17 =	sld [smem:$0x3FFB];
	_ =	sdelay $0x3  }
0x98: {  	_ =	strace s17  }
0x99: {  	s3 =	sld [smem:$0x3FFC];
	_ =	sdelay $0x3  }
0x9a: {  	_ =	strace s3  }
0x9b: {  	s3 =	sld [smem:$0x3FFD];
	_ =	sdelay $0x3  }
0x9c: {  	_ =	strace s3  }
0x9d: {  	_ =	strace $0x8FFFFFFF  }
0x9e: {  	s18 =	sld [smem:$0x3FDB];
	_ =	sdelay $0x1  }
0x9f: {  	s19 =	simm.s32 $_scs_section_size  }
0xa0: {  	s5 =	simm.s32 $_size__tile_overlayer_lowered;
	s6 =	simm.s32 $_tile_overlayer_lowered  }
0xa1: {  	s22 =	simm.s32 $0x1BFF;
	s21 =	sshll.u32 s6, $0x1;
	s3 =	sadd.s32 s19, s18  }
0xa2: {  	s7 =	simm.s32 $0x0;
	s20 =	sshll.u32 s5, $0x1;
	s5 =	sadd.s32 s21, s3  }
0xa3: {  	[timem:s7], [sflag:s22] =	dma.local [hbm:s5], s20  }
0xa4: {  	_ =	swait.ge [sflag:s22], s20  }
0xa5: {  	s4 =	ssub.s32 $0x0, s20;
	[sflag:s22] =	ssyncset.done $0x0  }
0xa6: {  	[sflag:s22] =	ssyncadd.s32 s4;
	_ =	sdelay $0x1  }
0xa7: {  	s23 =	simm.s32 $0x1B8B  }
0xa8: {  	_ =	swait.ge [sflag:s23], $0x1  }
0xa9: {  	[sflag:s23] =	ssyncset.done $0x0  }
0xaa: {  	s25 =	simm.s32 $0x1B8E;
	s24 =	sld [smem:$0x3FFE];
	[sflag:s23] =	ssyncadd.s32 $0xFFFFFFFF  }
0xab: {  	s26 =	simm.s32 $execute0_lowered;
	[smem:$0x3FD2] =	sst s25  }
0xac: {  	s5 =	sshll.u32 s26, $0x1;
	_ =	strace $0x80000046;
	[dreg:$0x1] =	wrdreg $0xFFFFFFFF  }
0xad: {  	s28 =	simm.s32 $_size_execute0_lowered;
	s3 =	sadd.s32 s3, s5;
	[dreg:$0x0] =	wrdreg $0x0  }
0xae: {  	s5 =	sshll.u32 s28, $0x1;
	[dreg:$0x2] =	wrdreg s3  }
0xaf: {  	[dreg:$0x3] =	wrdreg s5  }
0xb0: {  	[dreg:$0x4] =	wrdreg $0xC0  }
0xb1: {  	_ =	task [dreg:s7], $0x5FFFF  }
0xb2: {  	[dreg:$0x1] =	wrdreg $0xFFFFFFFF  }
0xb3: {  	[dreg:$0x0] =	wrdreg $0x60  }
0xb4: {  	[dreg:$0x2] =	wrdreg s24  }
0xb5: {  	[dreg:$0x3] =	wrdreg s16  }
0xb6: {  	[dreg:$0x4] =	wrdreg $0xC1200  }
0xb7: {  	[dreg:$0x5] =	wrdreg $0x15D800  }
0xb8: {  	[dreg:$0x6] =	wrdreg $0x9  }
0xb9: {  	_ =	task.clear_ibuf [dreg:s7], $0x7FFFF;
	_ =	strace $0x90000046  }
0xba: {  	s29 =	simm.s32 $0x9;
	_ =	strace $0x80000048  }
0xbb: {  	_ =	swait.ge [sflag:s29], $0x1  }
0xbc: {  	[sflag:s29] =	ssyncadd.s32 $0xFFFFFFFF  }
0xbd: {  	_ =	strace $0x90000048  }
0xbe: {  	_ =	sfence  }
0xbf: {  	s30 =	sld [smem:$0x0];
	_ =	sdelay $0x2  }
0xc0: {  	s31 =	sshll.u32 s1, $0xD;
	s1 =	sshrl.u32 s1, $0x2  }
0xc1: {  	s3 =	sand.u32 $0x4000, s31;
	s1 =	sadd.s32 s1, s30  }
0xc2: {  	s0 =	sor.u32 s3, s0;
	s1 =	sshll.u32 s1, $0x11  }
0xc3: {  	s0 =	sor.u32 s1, s0  }
0xc4: {  	s0 =	sadd.s32 $0x8F2B, s0  }
0xc5: {  	[sflag:s0] =	ssyncadd.remote.s32 $0x1  }
0xc6: {  	_ =	sfence.sel $0xFFFF  }
0xc7: {  	[dreg:$0x0] =	wrdreg $0xFFFFFFFF;
	(pc) =	sbr.abs _section_cstart, $3  }
0xc8: {  	[dreg:$0x1] =	wrdreg $0xFFFFFFFF  }
0xc9: {  	_ =	task.clear_ibuf [dreg:s7], $0x2FFFF;
	_ =	strace $0x9FFFFFFF  }
0xca: {  	(tm) =	ssettm $0x7FFFFFFF  }
0xcb: {  	_ =	shalt  }
tec
execute0_lowered:
.L_overlay_start_1:
0x0: {  	(tag) =	ssettag $0x1  }
0x1: {  	s0 =	rddreg [dreg:$0x0]  }
0x2: {  	s23 =	rddreg [dreg:$0x1]  }
0x3: {  	s16 =	rddreg [dreg:$0x2]  }
0x4: {  	s17 =	rddreg [dreg:$0x3];
	s1 =	simm.s32 $0x0;
	s18 =	stileid.u32  }
0x5: {  	s15 =	srdreg.scid;
	s28 =	simm.s32 $0x80;
	s29 =	simm.s32 $0x5320  }
0x6: {  	s31 =	simm.s32 $0x3;
	s30 =	simm.s32 $0x5;
	[smem:$0x7FF] =	sst s1  }
0x7: {  	s5 =	sadd.s32 $0x3E00, s0;
	s6 =	sadd.s32 $0x65A00, s0;
	s8 =	sadd.s32 $0x17800, s0  }
0x8: {  	s9 =	sadd.s32 $0x8CC00, s0;
	s10 =	sadd.s32 $0x102200, s0;
	s2 =	sadd.s32 $0xDB000, s0  }
0x9: {  	s3 =	sshll.u32 s18, $0x7;
	s4 =	sand.u32 $0x1, s15;
	s7 =	smul.u32 $0x9C00, s18  }
0xa: {  	s11 =	sadd.s32 $0xB3E00, s0;
	s20 =	smul.u32 $0x270, s18;
	p0 =	sne.s32 s18, $0xF  }
0xb: {  	_ =	strace $0x80000047;
	s0 =	sadd.s32 s3, s0;
	s1 =	smul.u32 $0x2710, s4  }
0xc: {  	s19 =	ssub.s32 $0x2, s4;
	s22 =	smul.u32 $0x9C400, s4;
	s25 =	sshll.u32 s4, $0xB  }
0xd: {  	s12 =	sshrl.u32 s19, $0x1;
	s13 =	sadd.s32 $0x1A00, s7;
	s21 =	sadd.s32 $0x3400, s7  }
0xe: {  	s24 =	sadd.s32 $0x4E00, s7;
	s0 =	sadd.s32 s25, s0;
	s14 =	sadd.s32 s13, s16  }
0xf: {  	s3 =	ssub.s32 s19, s12;
	s13 =	sadd.s32 s13, s17;
	[dreg:$0x5] =	wrdreg s14  }
0x10: {  	s15 =	sadd.s32 s21, s16;
	s12 =	sadd.s32 s20, s1;
	[dreg:$0x6] =	wrdreg s13  }
0x11: {  	s20 =	smul.u32 $0x2800, s18;
	s0 =	sadd.s32 $0x3EA00, s0;
	[dreg:$0x7] =	wrdreg s15  }
0x12: {  	s13 =	sadd.s32 s21, s17;
	s14 =	sshrl.u32 s22, $0x3;
	[dreg:$0x18] =	wrdreg s0  }
0x13: {  	s12 =	sshll.u32 s12, $0x3;
	s15 =	sadd.s32 s24, s17;
	[dreg:$0x8] =	wrdreg s13  }
0x14: {  	s21 =	sadd.s32 s7, s17;
	s22 =	sadd.s32 $0x8200, s7;
	[dreg:$0xe] =	wrdreg s15  }
0x15: {  	s0 =	simm.s32 $0x1E0;
	s26 =	sadd.s32 s2, s12;
	[dreg:$0x12] =	wrdreg s21  }
0x16: {  	s14 =	sadd.s32 $0x13800, s14;
	s12 =	sadd.s32 s11, s12;
	[dreg:$0x9] =	wrdreg s26  }
0x17: {  	s15 =	sadd.s32 s7, s16;
	[dreg:$0xa] =	wrdreg s12;
	s2 =	sadd.s32 s2, s14  }
0x18: {  	s11 =	sadd.s32 s11, s14;
	s12 =	sadd.s32 s24, s16;
	[dreg:$0x11] =	wrdreg s15  }
0x19: {  	s14 =	sadd.s32 $0x6800, s7;
	s24 =	sshll.u32 s4, $0x6;
	[dreg:$0xb] =	wrdreg s2  }
0x1a: {  	s4 =	sshll.u32 s4, $0x3;
	s26 =	sadd.s32 s22, s16;
	[dreg:$0xc] =	wrdreg s11  }
0x1b: {  	s7 =	smov.u32 s17;
	[dreg:$0xd] =	wrdreg s12;
	s19 =	sadd.s32 s14, s16  }
0x1c: {  	s2 =	sadd.s32 s14, s17;
	s25 =	sor.u32 s24, s20;
	[dreg:$0x13] =	wrdreg s26  }
0x1d: {  	s12 =	smul.u32 $0x14, s18;
	s4 =	sadd.s32 s4, s10;
	s20 =	smax.u32 s3, $0x1  }
0x1e: {  	s26 =	sor.u32 $0x20, s18;
	s18 =	simm.s32 $0x140;
	[dreg:$0xf] =	wrdreg s19  }
0x1f: {  	s11 =	simm.s32 $0x7;
	s3 =	simm.s32 $0x0;
	[dreg:$0x10] =	wrdreg s2  }
0x20: {  	s2 =	sadd.s32 s22, s17;
	s13 =	sshrl.u32 s25, $0x3;
	[dreg:$0x19] =	wrdreg s20  }
0x21: {  	s19 =	sadd.s32 $0x4E1B00, s4;
	s25 =	sadd.s32 $0x9C000, s16;
	[dreg:$0x1c] =	wrdreg s26  }
0x22: {  	s22 =	sadd.s32 $0x9C000, s17;
	s17 =	simm.s32 $0x50;
	[dreg:$0x14] =	wrdreg s2  }
0x23: {  	s26 =	simm.s32 $0x40;
	s4 =	simm.s32 $0x2;
	[dreg:$0x17] =	wrdreg s19  }
0x24: {  	s20 =	simm.s32 $0x2D0;
	s14 =	sadd.s32 s5, s12;
	[dreg:$0x1b] =	wrdreg s22  }
0x25: {  	s2 =	sadd.s32 s23, s13;
	s19 =	simm.s32 $0x320;
	[dreg:$0x1a] =	wrdreg s25  }
0x26: {  	s22 =	simm.s32 $0x7B20;
	s12 =	simm.s32 $0x4;
	[dreg:$0x15] =	wrdreg s14  }
0x27: {  	v1 =	vimm.f32 $0.0e+00;
	v0 =	vmov s1;
	[dreg:$0x16] =	wrdreg s2;
	s14 =	smov.u32 s16;
	s16 =	simm.s32 $0x1  }
.LBB2_1:
0x28: {  	[dreg:$0x1d] =	wrdreg s3;
	s2 =	simm.s32 $0x100;
	s1 =	simm.s32 $0x0  }
.LBB2_2:
0x29: {  	p1 =	sne.s32 s2, $0x6700;
	[tilespmem:s1+$0xA750] =	vst v1;
	s3 =	smov.u32 s2;
	s2 =	sadd.s32 $0x100, s2  }
.Ltmp0:
0x2a: {  	[tilespmem:s1+$0xA740] =	vst v1;
	(pc) =	sbr.rel @p1 .LBB2_2-.Ltmp0, $3  }
0x2b: {  	[tilespmem:s1+$0xA720] =	vst v1  }
0x2c: {  	[tilespmem:s1+$0xA730] =	vst v1;
	_ =	sdelay $0x1  }
0x2d: {  	s1 =	sshra.s32 s3, $0x2  }
0x2e: {  	[tilespmem:s1+$0xA750] =	vst v1  }
0x2f: {  	[tilespmem:s1+$0xA740] =	vst v1  }
0x30: {  	[tilespmem:s1+$0xA720] =	vst v1  }
0x31: {  	[tilespmem:s1+$0xA730] =	vst v1;
	s2 =	simm.s32 $0xA720;
	s3 =	simm.s32 $0x9  }
0x32: {  	[spmem:s15] =	stream.linear.scatter [tilespmem:s2], [sflag:$0x9], $0x1A00, $0x38;
	[tilespmem:$0x1F9E0] =	vst v63  }
0x33: {  	_ =	swait.ge [sflag:s3], $0x1A00  }
0x34: {  	[sflag:s3] =	ssyncset.done $0x0  }
0x35: {  	[sflag:s3] =	ssyncadd.s32 $0xFFFFE600  }
0x36: {  	[spmem:s21] =	stream.linear.scatter [tilespmem:s2], [sflag:$0x9], $0x1A00, $0x38;
	[tilespmem:$0x1F9E0] =	vst v63  }
0x37: {  	_ =	swait.ge [sflag:s3], $0x1A00  }
0x38: {  	[sflag:s3] =	ssyncset.done $0x0  }
0x39: {  	s21 =	rddreg [dreg:$0x5];
	[sflag:s3] =	ssyncadd.s32 $0xFFFFE600  }
0x3a: {  	[spmem:s21] =	stream.linear.scatter [tilespmem:s2], [sflag:$0x9], $0x1A00, $0x38;
	[tilespmem:$0x1F9E0] =	vst v63  }
0x3b: {  	_ =	swait.ge [sflag:s3], $0x1A00  }
0x3c: {  	[sflag:s3] =	ssyncset.done $0x0  }
0x3d: {  	s13 =	rddreg [dreg:$0x6];
	[sflag:s3] =	ssyncadd.s32 $0xFFFFE600  }
0x3e: {  	[spmem:s13] =	stream.linear.scatter [tilespmem:s2], [sflag:$0x9], $0x1A00, $0x38;
	[tilespmem:$0x1F9E0] =	vst v63  }
0x3f: {  	_ =	swait.ge [sflag:s3], $0x1A00  }
0x40: {  	[sflag:s3] =	ssyncset.done $0x0  }
0x41: {  	s15 =	rddreg [dreg:$0x7];
	[sflag:s3] =	ssyncadd.s32 $0xFFFFE600  }
0x42: {  	[spmem:s15] =	stream.linear.scatter [tilespmem:s2], [sflag:$0x9], $0x1A00, $0x38;
	[tilespmem:$0x1F9E0] =	vst v63  }
0x43: {  	_ =	swait.ge [sflag:s3], $0x1A00  }
0x44: {  	[sflag:s3] =	ssyncset.done $0x0  }
0x45: {  	s21 =	rddreg [dreg:$0x8];
	[sflag:s3] =	ssyncadd.s32 $0xFFFFE600  }
0x46: {  	[spmem:s21] =	stream.linear.scatter [tilespmem:s2], [sflag:$0x9], $0x1A00, $0x38;
	[tilespmem:$0x1F9E0] =	vst v63  }
0x47: {  	_ =	swait.ge [sflag:s3], $0x1A00  }
0x48: {  	[sflag:s3] =	ssyncset.done $0x0  }
0x49: {  	s13 =	rddreg [dreg:$0xd];
	[sflag:s3] =	ssyncadd.s32 $0xFFFFE600  }
0x4a: {  	[spmem:s13] =	stream.linear.scatter [tilespmem:s2], [sflag:$0x9], $0x1A00, $0x38;
	[tilespmem:$0x1F9E0] =	vst v63  }
0x4b: {  	_ =	swait.ge [sflag:s3], $0x1A00  }
0x4c: {  	[sflag:s3] =	ssyncset.done $0x0  }
0x4d: {  	s15 =	rddreg [dreg:$0xe];
	[sflag:s3] =	ssyncadd.s32 $0xFFFFE600  }
0x4e: {  	[spmem:s15] =	stream.linear.scatter [tilespmem:s2], [sflag:$0x9], $0x1A00, $0x38;
	[tilespmem:$0x1F9E0] =	vst v63  }
0x4f: {  	_ =	swait.ge [sflag:s3], $0x1A00  }
0x50: {  	[sflag:s3] =	ssyncset.done $0x0  }
0x51: {  	s21 =	rddreg [dreg:$0xf];
	[sflag:s3] =	ssyncadd.s32 $0xFFFFE600  }
0x52: {  	[spmem:s21] =	stream.linear.scatter [tilespmem:s2], [sflag:$0x9], $0x1A00, $0x38;
	[tilespmem:$0x1F9E0] =	vst v63  }
0x53: {  	_ =	swait.ge [sflag:s3], $0x1A00  }
0x54: {  	[sflag:s3] =	ssyncset.done $0x0  }
0x55: {  	s13 =	rddreg [dreg:$0x10];
	[sflag:s3] =	ssyncadd.s32 $0xFFFFE600  }
0x56: {  	[spmem:s13] =	stream.linear.scatter [tilespmem:s2], [sflag:$0x9], $0x1A00, $0x38;
	[tilespmem:$0x1F9E0] =	vst v63  }
0x57: {  	_ =	swait.ge [sflag:s3], $0x1A00  }
0x58: {  	[sflag:s3] =	ssyncset.done $0x0  }
0x59: {  	s15 =	rddreg [dreg:$0x13];
	[sflag:s3] =	ssyncadd.s32 $0xFFFFE600  }
0x5a: {  	[spmem:s15] =	stream.linear.scatter [tilespmem:s2], [sflag:$0x9], $0x1A00, $0x38;
	[tilespmem:$0x1F9E0] =	vst v63  }
0x5b: {  	_ =	swait.ge [sflag:s3], $0x1A00  }
0x5c: {  	[sflag:s3] =	ssyncset.done $0x0  }
0x5d: {  	s21 =	rddreg [dreg:$0x14];
	[sflag:s3] =	ssyncadd.s32 $0xFFFFE600  }
0x5e: {  	[spmem:s21] =	stream.linear.scatter [tilespmem:s2], [sflag:$0x9], $0x1A00, $0x38;
	[tilespmem:$0x1F9E0] =	vst v63  }
0x5f: {  	_ =	swait.ge [sflag:s3], $0x1A00  }
0x60: {  	[sflag:s3] =	ssyncset.done $0x0  }
0x61: {  	s1 =	simm.s32 @!p0 $0xA720;
	s2 =	simm.s32 @!p0 $0x9;
	[sflag:s3] =	ssyncadd.s32 $0xFFFFE600  }
0x62: {  	[spmem:s25] =	stream.linear.scatter @!p0 [tilespmem:s1], [sflag:$0x9], $0x400, $0x38;
	[tilespmem:$0x1F9E0] =	vst v63  }
0x63: {  	_ =	swait.ge @!p0 [sflag:s2], $0x400  }
0x64: {  	[sflag:s2] =	ssyncset.done @!p0 $0x0  }
0x65: {  	s3 =	rddreg [dreg:$0x1b];
	[sflag:s2] =	ssyncadd.s32 @!p0 $0xFFFFFC00  }
0x66: {  	[spmem:s3] =	stream.linear.scatter @!p0 [tilespmem:s1], [sflag:$0x9], $0x400, $0x38;
	[tilespmem:$0x1F9E0] =	vst v63  }
0x67: {  	_ =	swait.ge @!p0 [sflag:s2], $0x400  }
0x68: {  	[sflag:s2] =	ssyncset.done @!p0 $0x0  }
0x69: {  	[sflag:s2] =	ssyncadd.s32 @!p0 $0xFFFFFC00  }
0x6a: {  	[bflag:$0x0] =	sbarrier.arrive $0xFFFF  }
0x6b: {  	s3 =	simm.s32 $0x0;
	s13 =	rddreg [dreg:$0x15]  }
0x6c: {  	[tilespmem:s3], [sflag:$0x1] =	stream.linear.gather [hbm4b:s13+s3], $0xA0, $0x38;
	[tilespmem:$0x1F9E0] =	vst v63  }
0x6d: {  	_ =	swait.ge [sflag:s16], $0xA0  }
0x6e: {  	[sflag:s16] =	ssyncset.done $0x0  }
0x6f: {  	[sflag:s16] =	ssyncadd.s32 $0xFFFFFF60  }
0x70: {  	v2 =	vld [tilespmem:$0x0]  }
0x71: {  	v3 =	vld [tilespmem:$0x50];
	_ =	sdelay $0x1  }
0x72: {  	v4 =	vld [tilespmem:$0x10]  }
0x73: {  	v5 =	vld [tilespmem:$0x60];
	_ =	sdelay $0x1  }
0x74: {  	v6 =	vld [tilespmem:$0x20];
	v2 =	vadd.s32 v0, v2;
	[tilespmem:$0x1E0] =	vst v3  }
0x75: {  	[tilespmem:$0x140] =	vst v2;
	v2 =	vadd.s32 v0, v3  }
0x76: {  	[tilespmem:$0x190] =	vst v2;
	v2 =	vld [tilespmem:$0x70]  }
0x77: {  	[tilespmem:$0x1F0] =	vst v5;
	v3 =	vadd.s32 v0, v4;
	v4 =	vld [tilespmem:$0x30]  }
0x78: {  	[tilespmem:$0x150] =	vst v3;
	v3 =	vadd.s32 v0, v5  }
0x79: {  	v5 =	vadd.s32 v0, v6;
	[tilespmem:$0x1A0] =	vst v3;
	v3 =	vld [tilespmem:$0x80]  }
0x7a: {  	v6 =	vld [tilespmem:$0x40];
	[tilespmem:$0x160] =	vst v5  }
0x7b: {  	v5 =	vadd.s32 v0, v2;
	[tilespmem:$0x200] =	vst v2  }
0x7c: {  	v2 =	vadd.s32 v0, v4;
	[tilespmem:$0x1B0] =	vst v5;
	v5 =	vld [tilespmem:$0x90]  }
0x7d: {  	[tilespmem:$0x170] =	vst v2  }
0x7e: {  	v2 =	vadd.s32 v0, v3;
	[tilespmem:$0x210] =	vst v3  }
0x7f: {  	[tilespmem:$0x1C0] =	vst v2;
	v2 =	vadd.s32 v0, v6  }
0x80: {  	[tilespmem:$0x180] =	vst v2  }
0x81: {  	v2 =	vadd.s32 v0, v5;
	[tilespmem:$0x220] =	vst v5  }
0x82: {  	[tilespmem:$0x1D0] =	vst v2  }
0x83: {  	[tilespmem:s19], [sflag:$0x3] =	stream.indirect.gather [hbm4b:s6+s17], $0x40, s18, s17, $0xb8;
	[tilespmem:$0x1F9E0] =	vst v63  }
0x84: {  	s15 =	simm.s32 $0x190;
	s21 =	simm.s32 $0x2B20  }
0x85: {  	[tilespmem:s21], [sflag:$0x3] =	stream.indirect.gather [hbm4b:s8+s17], $0x40, s15, s17, $0xb8;
	[tilespmem:$0x1F9E0] =	vst v63  }
0x86: {  	_ = 	snop  }
0x87: {  	v10 =	vimm.f32 $0.0e+00;
	v7 =	vimm.f32 $0.0e+00;
	v8 =	vimm.f32 $0.0e+00;
	[tilespmem:s22], [sflag:$0x3] =	stream.indirect.gather [hbm4b:s9+s17], $0x40, s18, s17, $0xb8;
	[tilespmem:$0x1F9E0] =	vst v63  }
0x88: {  	v9 =	vimm.f32 $0.0e+00;
	s25 =	rddreg [dreg:$0x16];
	v4 =	vimm.f32 $0.0e+00;
	v3 =	vimm.f32 $0.0e+00;
	s15 =	simm.s32 $0x0  }
0x89: {  	v6 =	vimm.f32 $0.0e+00;
	v5 =	vimm.f32 $0.0e+00;
	v2 =	vimm.f32 $0.0e+00;
	[tilespmem:s29], [sflag:$0x3] =	stream.strided.gather [hbm4b:s25+s26], $0x1400, s28, s26, $0x38;
	[tilespmem:$0x1F9E0] =	vst v63  }
.LBB2_4:
0x8a: {  	p1 =	seq.s32 s15, $0x0  }
0x8b: {  	s1 =	simm.s32 @!p1 $0x6  }
0x8c: {  	_ =	swait.ge @!p1 [sflag:s1], $0x1400  }
0x8d: {  	[sflag:s1] =	ssyncset.done @!p1 $0x0  }
0x8e: {  	s25 =	smov.u32 s23;
	s3 =	simm.s32 @!p1 $0x8;
	[sflag:s1] =	ssyncadd.s32 @!p1 $0xFFFFEC00  }
0x8f: {  	s21 =	sshll.u32 s15, $0x5;
	s23 =	stileid.u32;
	_ =	swait.ge @!p1 [sflag:s3], $0x1400  }
0x90: {  	s2 =	sor.u32 s23, s21;
	[sflag:s3] =	ssyncset.done @!p1 $0x0  }
0x91: {  	s1 =	sor.u32 $0x10, s2;
	[sflag:s3] =	ssyncadd.s32 @!p1 $0xFFFFEC00  }
0x92: {  	s13 =	smul.u32 $0x14, s1;
	_ =	swait.ge @!p1 [sflag:s3], $0x1400  }
0x93: {  	s23 =	simm.s32 $0x0;
	[sflag:s3] =	ssyncset.done @!p1 $0x0  }
0x94: {  	[sflag:s3] =	ssyncadd.s32 @!p1 $0xFFFFEC00;
	s3 =	sadd.s32 s5, s13;
	s13 =	simm.s32 $0xA0  }
0x95: {  	[tilespmem:s13], [sflag:$0x2] =	stream.linear.gather [hbm4b:s3+s23], $0xA0, $0x38;
	[tilespmem:$0x1F9E0] =	vst v63  }
0x96: {  	_ =	swait.ge [sflag:s31], $0x1400  }
0x97: {  	[sflag:s31] =	ssyncset.done $0x0  }
0x98: {  	[sflag:s31] =	ssyncadd.s32 $0xFFFFEC00  }
0x99: {  	_ =	swait.ge [sflag:s31], $0x1400  }
0x9a: {  	[sflag:s31] =	ssyncset.done $0x0  }
0x9b: {  	[sflag:s31] =	ssyncadd.s32 $0xFFFFEC00  }
0x9c: {  	_ =	swait.ge [sflag:s31], $0x1400  }
0x9d: {  	[sflag:s31] =	ssyncset.done $0x0  }
0x9e: {  	[sflag:s31] =	ssyncadd.s32 $0xFFFFEC00  }
0x9f: {  	_ =	swait.ge [sflag:s31], $0x1400  }
0xa0: {  	[sflag:s31] =	ssyncset.done $0x0  }
0xa1: {  	s3 =	simm.s32 $0x0;
	[sflag:s31] =	ssyncadd.s32 $0xFFFFEC00  }
0xa2: {  	v11 =	vld [tilespmem:s3+$0x2B20]  }
0xa3: {  	v12 =	vld [tilespmem:s3+$0x2B30]  }
0xa4: {  	v13 =	vld [tilespmem:s3+$0x2B40]  }
0xa5: {  	v14 =	vld [tilespmem:s3+$0x320]  }
0xa6: {  	v15 =	vld [tilespmem:s3+$0x5320]  }
0xa7: {  	v16 =	vld [tilespmem:s3+$0x330]  }
0xa8: {  	v17 =	vld [tilespmem:s3+$0x340]  }
0xa9: {  	v18 =	vld [tilespmem:s3+$0x5330]  }
0xaa: {  	v19 =	vld [tilespmem:s3+$0x5340]  }
0xab: {  	v11 =	vadd.f32 v11, v14  }
0xac: {  	v12 =	vadd.f32 v12, v16  }
0xad: {  	v14 =	vadd.f32 v15, v11;
	v11 =	vadd.f32 v13, v17  }
0xae: {  	v16 =	vadd.f32 v18, v12;
	v13 =	vld [tilespmem:s3+$0x2B50]  }
0xaf: {  	v12 =	vsub.f32 $0.0e+00, v14;
	v17 =	vadd.f32 v19, v11;
	v11 =	vld [tilespmem:s3+$0x350];
	_ =	sdelay $0x1  }
0xb0: {  	v19 =	vld [tilespmem:s3+$0x5350];
	v12 =	vmul.f32 $1.442695020e+00, v12;
	_ =	sdelay $0x1  }
0xb1: {  	(erf) = vpow2.f32 v12  }
0xb2: {  	v11 =	vadd.f32 v13, v11  }
0xb3: {  	v15 =	vsub.f32 $0.0e+00, v16  }
0xb4: {  	v18 =	vsub.f32 $0.0e+00, v17;
	v26 =	vadd.f32 v19, v11;
	_ =	sdelay $0x1  }
0xb5: {  	v15 =	vmul.f32 $1.442695020e+00, v15;
	v12 =	vmul.f32 $1.442695020e+00, v18;
	v11 =	vsub.f32 $0.0e+00, v26;
	_ =	sdelay $0x1  }
0xb6: {  	(erf) = vpow2.f32 v15;
	v11 =	vmul.f32 $1.442695020e+00, v11  }
0xb7: {  	(erf) = vpow2.f32 v12  }
0xb8: {  	v12 =	vpop (erf);
	(erf) = vpow2.f32 v11;
	_ =	sdelay $0x6  }
0xb9: {  	v12 =	vadd.f32 $1.000000000e+00, v12;
	v11 =	vpop (erf)  }
0xba: {  	v11 =	vadd.f32 $1.000000000e+00, v11;
	v13 =	vpop (erf)  }
0xbb: {  	(erf) = vrcp.f32 v12;
	v12 =	vadd.f32 $1.000000000e+00, v13;
	v23 =	vpop (erf)  }
0xbc: {  	v30 =	vld [tilespmem:s3+$0x7B30];
	[tilespmem:s3+$0x5320] =	vst v14;
	(erf) = vrcp.f32 v11;
	v23 =	vadd.f32 $1.000000000e+00, v23  }
0xbd: {  	v28 =	vld [tilespmem:s3+$0x7B40];
	[tilespmem:s3+$0x5330] =	vst v16;
	(erf) = vrcp.f32 v12  }
0xbe: {  	v27 =	vld [tilespmem:s3+$0x7B50];
	[tilespmem:s3+$0x5340] =	vst v17;
	(erf) = vrcp.f32 v23  }
0xbf: {  	s13 =	simm.s32 $0x40;
	v18 =	vld [tilespmem:s3+$0x7B20];
	[tilespmem:s3+$0x5350] =	vst v26  }
0xc0: {  	v15 =	vmul.f32 v26, v26;
	v19 =	vld [tilespmem:s13+$0x2B20]  }
0xc1: {  	v21 =	vld [tilespmem:s13+$0x2B30]  }
0xc2: {  	v20 =	vld [tilespmem:s13+$0x2B40];
	v15 =	vadd.f32 v15, v10;
	v13 =	vmul.f32 v17, v17  }
0xc3: {  	v22 =	vld [tilespmem:s13+$0x2B50];
	v11 =	vmul.f32 v14, v14;
	v14 =	vadd.f32 v14, v10;
	v12 =	vmul.f32 v16, v16  }
0xc4: {  	v24 =	vld [tilespmem:s13+$0x5320];
	v13 =	vadd.f32 v13, v10;
	v16 =	vadd.f32 v16, v10;
	v29 =	vpop (erf)  }
0xc5: {  	v25 =	vld [tilespmem:s13+$0x5330];
	v11 =	vadd.f32 v11, v10;
	v12 =	vadd.f32 v12, v10;
	[tilespmem:s3+$0x320] =	vst v29;
	v23 =	vmul.f32 v29, v18;
	v31 =	vpop (erf)  }
0xc6: {  	s23 =	simm.s32 $0x200;
	v18 =	vadd.f32 v17, v10;
	v17 =	vadd.f32 v26, v10;
	v29 =	vld [tilespmem:s13+$0x320];
	[tilespmem:s3+$0x330] =	vst v31;
	v26 =	vmul.f32 v31, v30;
	v30 =	vpop (erf)  }
.LBB2_5:
0xc7: {  	p1 =	sne.s32 s23, $0x4F00;
	v31 =	vld [tilespmem:s13+$0x330];
	[tilespmem:s3+$0x340] =	vst v30;
	v28 =	vmul.f32 v30, v28;
	v30 =	vpop (erf)  }
0xc8: {  	v32 =	vld [tilespmem:s13+$0x340];
	[tilespmem:s3+$0x350] =	vst v30;
	v27 =	vmul.f32 v30, v27  }
0xc9: {  	v30 =	vld [tilespmem:s13+$0x350];
	[tilespmem:s3+$0x7B40] =	vst v28  }
0xca: {  	v28 =	vld [tilespmem:s13+$0x5340];
	[tilespmem:s3+$0x7B50] =	vst v27  }
0xcb: {  	v19 =	vadd.f32 v19, v29;
	v27 =	vld [tilespmem:s13+$0x5350];
	[tilespmem:s3+$0x7B30] =	vst v26  }
0xcc: {  	v21 =	vadd.f32 v21, v31;
	[tilespmem:s3+$0x7B20] =	vst v23;
	s3 =	smov.u32 s13  }
0xcd: {  	v19 =	vadd.f32 v24, v19;
	v20 =	vadd.f32 v20, v32  }
0xce: {  	v21 =	vadd.f32 v25, v21;
	v22 =	vadd.f32 v22, v30  }
0xcf: {  	[tilespmem:s3+$0x5320] =	vst v19;
	v23 =	vsub.f32 $0.0e+00, v19;
	v24 =	vmul.f32 v19, v19;
	v20 =	vadd.f32 v28, v20  }
0xd0: {  	[tilespmem:s3+$0x5330] =	vst v21;
	v25 =	vsub.f32 $0.0e+00, v21;
	v26 =	vmul.f32 v21, v21;
	v22 =	vadd.f32 v27, v22  }
0xd1: {  	v23 =	vmul.f32 $1.442695020e+00, v23;
	[tilespmem:s3+$0x5340] =	vst v20;
	v27 =	vsub.f32 $0.0e+00, v20;
	v28 =	vmul.f32 v20, v20  }
0xd2: {  	v25 =	vmul.f32 $1.442695020e+00, v25;
	[tilespmem:s3+$0x5350] =	vst v22;
	v29 =	vsub.f32 $0.0e+00, v22;
	v30 =	vmul.f32 v22, v22  }
0xd3: {  	v11 =	vadd.f32 v24, v11;
	v24 =	vmul.f32 $1.442695020e+00, v27;
	(erf) = vpow2.f32 v23  }
0xd4: {  	v12 =	vadd.f32 v26, v12;
	v23 =	vmul.f32 $1.442695020e+00, v29;
	(erf) = vpow2.f32 v25  }
0xd5: {  	v13 =	vadd.f32 v28, v13;
	v15 =	vadd.f32 v30, v15;
	(erf) = vpow2.f32 v24  }
0xd6: {  	v14 =	vadd.f32 v19, v14;
	v16 =	vadd.f32 v21, v16;
	(erf) = vpow2.f32 v23  }
0xd7: {  	v18 =	vadd.f32 v20, v18;
	v17 =	vadd.f32 v22, v17;
	_ =	sdelay $0x4  }
0xd8: {  	v19 =	vpop (erf)  }
0xd9: {  	v19 =	vadd.f32 $1.000000000e+00, v19;
	v20 =	vpop (erf)  }
0xda: {  	v20 =	vadd.f32 $1.000000000e+00, v20;
	v21 =	vpop (erf)  }
0xdb: {  	s13 =	sshra.s32 s23, $0x2;
	v22 =	vadd.f32 $1.000000000e+00, v21;
	(erf) = vrcp.f32 v19;
	v21 =	vpop (erf)  }
0xdc: {  	v19 =	vld [tilespmem:s13+$0x2B20];
	v23 =	vadd.f32 $1.000000000e+00, v21;
	(erf) = vrcp.f32 v20  }
0xdd: {  	v21 =	vld [tilespmem:s13+$0x2B30];
	(erf) = vrcp.f32 v22  }
0xde: {  	v20 =	vld [tilespmem:s13+$0x2B40];
	(erf) = vrcp.f32 v23  }
0xdf: {  	v22 =	vld [tilespmem:s13+$0x2B50]  }
0xe0: {  	v23 =	vld [tilespmem:s3+$0x7B20]  }
0xe1: {  	v26 =	vld [tilespmem:s3+$0x7B30]  }
.Ltmp1:
0xe2: {  	v28 =	vld [tilespmem:s3+$0x7B40];
	(pc) =	sbr.rel @p1 .LBB2_5-.Ltmp1, $4  }
0xe3: {  	v27 =	vld [tilespmem:s3+$0x7B50]  }
0xe4: {  	v24 =	vld [tilespmem:s13+$0x5320];
	v29 =	vpop (erf)  }
0xe5: {  	v25 =	vld [tilespmem:s13+$0x5330];
	[tilespmem:s3+$0x320] =	vst v29;
	v23 =	vmul.f32 v29, v23;
	v30 =	vpop (erf)  }
0xe6: {  	s23 =	sadd.s32 $0x100, s23;
	v29 =	vld [tilespmem:s13+$0x320];
	[tilespmem:s3+$0x330] =	vst v30;
	v26 =	vmul.f32 v30, v26;
	v30 =	vpop (erf)  }
0xe7: {  	v31 =	vld [tilespmem:s13+$0x330];
	[tilespmem:s3+$0x340] =	vst v30;
	v32 =	vpop (erf);
	v28 =	vmul.f32 v30, v28  }
0xe8: {  	v33 =	vld [tilespmem:s13+$0x340];
	[tilespmem:s3+$0x350] =	vst v32  }
0xe9: {  	v27 =	vmul.f32 v32, v27;
	v30 =	vld [tilespmem:s13+$0x350];
	[tilespmem:s3+$0x7B40] =	vst v28  }
0xea: {  	v28 =	vld [tilespmem:s13+$0x5340]  }
0xeb: {  	[tilespmem:s3+$0x7B50] =	vst v27;
	v19 =	vadd.f32 v19, v29  }
0xec: {  	v27 =	vld [tilespmem:s13+$0x5350];
	v21 =	vadd.f32 v21, v31  }
0xed: {  	v19 =	vadd.f32 v24, v19;
	v20 =	vadd.f32 v20, v33  }
0xee: {  	v21 =	vadd.f32 v25, v21;
	v24 =	vadd.f32 v22, v30  }
0xef: {  	v25 =	vsub.f32 $0.0e+00, v19;
	v22 =	vadd.f32 v28, v20  }
0xf0: {  	v28 =	vsub.f32 $0.0e+00, v21  }
0xf1: {  	v20 =	vadd.f32 v27, v24;
	v24 =	vmul.f32 $1.442695020e+00, v25;
	v25 =	vsub.f32 $0.0e+00, v22  }
0xf2: {  	v27 =	vmul.f32 $1.442695020e+00, v28  }
0xf3: {  	v25 =	vmul.f32 $1.442695020e+00, v25;
	(erf) = vpow2.f32 v24  }
0xf4: {  	v28 =	vsub.f32 $0.0e+00, v20;
	(erf) = vpow2.f32 v27  }
0xf5: {  	(erf) = vpow2.f32 v25  }
0xf6: {  	v24 =	vmul.f32 $1.442695020e+00, v28;
	_ =	sdelay $0x1  }
0xf7: {  	(erf) = vpow2.f32 v24;
	_ =	sdelay $0x3  }
0xf8: {  	v24 =	vpop (erf)  }
0xf9: {  	v24 =	vadd.f32 $1.000000000e+00, v24;
	v25 =	vpop (erf)  }
0xfa: {  	v25 =	vadd.f32 $1.000000000e+00, v25;
	v27 =	vpop (erf)  }
0xfb: {  	[tilespmem:s3+$0x7B30] =	vst v26;
	v26 =	vadd.f32 $1.000000000e+00, v27;
	(erf) = vrcp.f32 v24  }
0xfc: {  	(erf) = vrcp.f32 v25  }
0xfd: {  	v24 =	vpop (erf);
	(erf) = vrcp.f32 v26  }
0xfe: {  	[tilespmem:s3+$0x7B20] =	vst v23;
	v23 =	vadd.f32 $1.000000000e+00, v24;
	_ =	sdelay $0x1  }
0xff: {  	(erf) = vrcp.f32 v23  }
0x100: {  	[tilespmem:s13+$0x5320] =	vst v19;
	v23 =	vld [tilespmem:s13+$0x7B20]  }
0x101: {  	[tilespmem:s13+$0x5330] =	vst v21;
	v26 =	vld [tilespmem:s13+$0x7B30]  }
0x102: {  	[tilespmem:s13+$0x5340] =	vst v22;
	v24 =	vld [tilespmem:s13+$0x7B40]  }
0x103: {  	[tilespmem:s13+$0x5350] =	vst v20;
	v27 =	vpop (erf)  }
0x104: {  	v25 =	vld [tilespmem:s13+$0x7B50];
	[tilespmem:s13+$0x320] =	vst v27;
	v28 =	vpop (erf)  }
0x105: {  	v23 =	vmul.f32 v27, v23;
	[tilespmem:s13+$0x330] =	vst v28;
	v29 =	vpop (erf)  }
0x106: {  	v26 =	vmul.f32 v28, v26;
	[tilespmem:s13+$0x340] =	vst v29  }
0x107: {  	s2 =	smul.u32 $0x2800, s2;
	v24 =	vmul.f32 v29, v24;
	[tilespmem:s13+$0x7B20] =	vst v23  }
0x108: {  	[tilespmem:s13+$0x7B30] =	vst v26;
	v29 =	vpop (erf)  }
0x109: {  	s2 =	sor.u32 s24, s2;
	[tilespmem:s13+$0x7B40] =	vst v24;
	v25 =	vmul.f32 v29, v25  }
0x10a: {  	s2 =	sshrl.u32 s2, $0x3;
	[tilespmem:s13+$0x350] =	vst v29  }
0x10b: {  	s2 =	sadd.s32 s10, s2;
	[tilespmem:s13+$0x7B50] =	vst v25  }
0x10c: {  	[hbm4b:s2+s26] =	stream.strided.scatter [tilespmem:s29], [sflag:$0x5], $0x1400, s28, s26, $0x38;
	[tilespmem:$0x1F9E0] =	vst v63  }
0x10d: {  	_ = 	snop  }
0x10e: {  	[spmem:s14] =	stream.indirect.scatter.add.f32 [tilespmem:s22], [sflag:$0x7], $0x40, s0, s17, $0xb8;
	[tilespmem:$0x1F9E0] =	vst v63  }
0x10f: {  	_ = 	snop  }
0x110: {  	[spmem:s7] =	stream.indirect.scatter.add.f32 [tilespmem:s19], [sflag:$0x7], $0x40, s0, s17, $0xb8;
	[tilespmem:$0x1F9E0] =	vst v63  }
0x111: {  	_ =	swait.ge [sflag:s4], $0xA0  }
0x112: {  	[sflag:s4] =	ssyncset.done $0x0  }
0x113: {  	[sflag:s4] =	ssyncadd.s32 $0xFFFFFF60  }
0x114: {  	v23 =	vld [tilespmem:$0xA0]  }
0x115: {  	v24 =	vld [tilespmem:$0xF0];
	_ =	sdelay $0x1  }
0x116: {  	v25 =	vld [tilespmem:$0xB0]  }
0x117: {  	v26 =	vld [tilespmem:$0x100];
	_ =	sdelay $0x1  }
0x118: {  	v27 =	vld [tilespmem:$0xC0];
	v23 =	vadd.s32 v0, v23;
	[tilespmem:$0x2D0] =	vst v24  }
0x119: {  	[tilespmem:$0x230] =	vst v23;
	v23 =	vadd.s32 v0, v24  }
0x11a: {  	[tilespmem:$0x280] =	vst v23;
	v23 =	vld [tilespmem:$0x110]  }
0x11b: {  	[tilespmem:$0x2E0] =	vst v26;
	v24 =	vadd.s32 v0, v25;
	v25 =	vld [tilespmem:$0xD0]  }
0x11c: {  	[tilespmem:$0x240] =	vst v24;
	v24 =	vadd.s32 v0, v26  }
0x11d: {  	v26 =	vadd.s32 v0, v27;
	[tilespmem:$0x290] =	vst v24;
	v24 =	vld [tilespmem:$0x120]  }
0x11e: {  	v27 =	vld [tilespmem:$0xE0];
	[tilespmem:$0x250] =	vst v26  }
0x11f: {  	v26 =	vadd.s32 v0, v23;
	[tilespmem:$0x2F0] =	vst v23  }
0x120: {  	v23 =	vadd.s32 v0, v25;
	[tilespmem:$0x2A0] =	vst v26;
	v26 =	vld [tilespmem:$0x130]  }
0x121: {  	[tilespmem:$0x260] =	vst v23  }
0x122: {  	v23 =	vadd.s32 v0, v24;
	[tilespmem:$0x300] =	vst v24  }
0x123: {  	[tilespmem:$0x2B0] =	vst v23;
	v23 =	vadd.s32 v0, v27  }
0x124: {  	[tilespmem:$0x270] =	vst v23  }
0x125: {  	v23 =	vadd.s32 v0, v26;
	[tilespmem:$0x310] =	vst v26  }
0x126: {  	s23 =	simm.s32 $0x1720;
	s1 =	smul.u32 $0x2800, s1;
	s2 =	simm.s32 $0x230;
	[tilespmem:$0x2C0] =	vst v23  }
0x127: {  	[tilespmem:s23], [sflag:$0x4] =	stream.indirect.gather [hbm4b:s6+s17], $0x40, s2, s17, $0xb8;
	[tilespmem:$0x1F9E0] =	vst v63  }
0x128: {  	s1 =	sor.u32 s24, s1;
	s13 =	simm.s32 $0x280;
	s23 =	simm.s32 $0x3F20  }
0x129: {  	[tilespmem:s23], [sflag:$0x4] =	stream.indirect.gather [hbm4b:s8+s17], $0x40, s13, s17, $0xb8;
	[tilespmem:$0x1F9E0] =	vst v63  }
0x12a: {  	s1 =	sshrl.u32 s1, $0x3;
	s23 =	simm.s32 $0x8F20  }
0x12b: {  	[tilespmem:s23], [sflag:$0x4] =	stream.indirect.gather [hbm4b:s9+s17], $0x40, s2, s17, $0xb8;
	[tilespmem:$0x1F9E0] =	vst v63  }
0x12c: {  	s13 =	sadd.s32 s25, s1;
	s23 =	smov.u32 s25;
	s25 =	simm.s32 $0x6720  }
0x12d: {  	[tilespmem:s25], [sflag:$0x4] =	stream.strided.gather [hbm4b:s13+s26], $0x1400, s28, s26, $0x38;
	[tilespmem:$0x1F9E0] =	vst v63  }
0x12e: {  	_ =	swait.ge [sflag:s30], $0x1400  }
0x12f: {  	[sflag:s30] =	ssyncset.done $0x0  }
0x130: {  	[sflag:s30] =	ssyncadd.s32 $0xFFFFEC00  }
0x131: {  	_ =	swait.ge [sflag:s11], $0x1400  }
0x132: {  	s13 =	rddreg [dreg:$0x1c]  }
0x133: {  	[sflag:s11] =	ssyncset.done $0x0;
	s2 =	sadd.s32 s13, s21  }
0x134: {  	[sflag:s11] =	ssyncadd.s32 $0xFFFFEC00;
	s21 =	smin.u32 s2, $0xF9F  }
0x135: {  	_ =	swait.ge [sflag:s11], $0x1400;
	s2 =	smul.u32 $0x14, s21  }
0x136: {  	[sflag:s11] =	ssyncset.done $0x0  }
0x137: {  	s25 =	simm.s32 $0x0;
	[sflag:s11] =	ssyncadd.s32 $0xFFFFEC00;
	s2 =	sadd.s32 s5, s2  }
0x138: {  	[tilespmem:s25], [sflag:$0x1] =	stream.linear.gather [hbm4b:s2+s25], $0xA0, $0x38;
	[tilespmem:$0x1F9E0] =	vst v63  }
0x139: {  	_ =	swait.ge [sflag:s12], $0x1400  }
0x13a: {  	[sflag:s12] =	ssyncset.done $0x0  }
0x13b: {  	[sflag:s12] =	ssyncadd.s32 $0xFFFFEC00  }
0x13c: {  	_ =	swait.ge [sflag:s12], $0x1400  }
0x13d: {  	[sflag:s12] =	ssyncset.done $0x0  }
0x13e: {  	[sflag:s12] =	ssyncadd.s32 $0xFFFFEC00  }
0x13f: {  	_ =	swait.ge [sflag:s12], $0x1400  }
0x140: {  	[sflag:s12] =	ssyncset.done $0x0  }
0x141: {  	[sflag:s12] =	ssyncadd.s32 $0xFFFFEC00  }
0x142: {  	_ =	swait.ge [sflag:s12], $0x1400  }
0x143: {  	[sflag:s12] =	ssyncset.done $0x0  }
0x144: {  	s2 =	simm.s32 $0x0;
	[sflag:s12] =	ssyncadd.s32 $0xFFFFEC00  }
0x145: {  	v23 =	vld [tilespmem:s2+$0x3F20]  }
0x146: {  	v24 =	vld [tilespmem:s2+$0x3F30]  }
0x147: {  	v25 =	vld [tilespmem:s2+$0x3F40]  }
0x148: {  	v26 =	vld [tilespmem:s2+$0x1720]  }
0x149: {  	v27 =	vld [tilespmem:s2+$0x6720]  }
0x14a: {  	v28 =	vld [tilespmem:s2+$0x1730]  }
0x14b: {  	v29 =	vld [tilespmem:s2+$0x1740]  }
0x14c: {  	v30 =	vld [tilespmem:s2+$0x6730]  }
0x14d: {  	v31 =	vld [tilespmem:s2+$0x6740];
	_ =	sdelay $0x1  }
0x14e: {  	v23 =	vadd.f32 v23, v26  }
0x14f: {  	v24 =	vadd.f32 v24, v28;
	v25 =	vadd.f32 v25, v29  }
0x150: {  	v23 =	vadd.f32 v27, v23;
	v27 =	vld [tilespmem:s2+$0x3F50]  }
0x151: {  	v24 =	vadd.f32 v30, v24;
	v31 =	vadd.f32 v31, v25;
	v25 =	vld [tilespmem:s2+$0x1750]  }
0x152: {  	v26 =	vsub.f32 $0.0e+00, v23  }
0x153: {  	v30 =	vld [tilespmem:s2+$0x6750];
	v28 =	vsub.f32 $0.0e+00, v24  }
0x154: {  	v29 =	vsub.f32 $0.0e+00, v31;
	v26 =	vmul.f32 $1.442695020e+00, v26  }
0x155: {  	v28 =	vmul.f32 $1.442695020e+00, v28  }
0x156: {  	v25 =	vadd.f32 v27, v25;
	(erf) = vpow2.f32 v26;
	v26 =	vmul.f32 $1.442695020e+00, v29  }
0x157: {  	(erf) = vpow2.f32 v28  }
0x158: {  	(erf) = vpow2.f32 v26;
	v26 =	vadd.f32 v30, v25;
	_ =	sdelay $0x1  }
0x159: {  	v25 =	vsub.f32 $0.0e+00, v26;
	_ =	sdelay $0x1  }
0x15a: {  	v25 =	vmul.f32 $1.442695020e+00, v25;
	_ =	sdelay $0x1  }
0x15b: {  	(erf) = vpow2.f32 v25;
	_ =	sdelay $0x5  }
0x15c: {  	v27 =	vpop (erf)  }
0x15d: {  	v27 =	vadd.f32 $1.000000000e+00, v27;
	v25 =	vpop (erf)  }
0x15e: {  	v25 =	vadd.f32 $1.000000000e+00, v25;
	v28 =	vpop (erf)  }
0x15f: {  	(erf) = vrcp.f32 v27;
	v34 =	vadd.f32 $1.000000000e+00, v28;
	v63 =	vpop (erf)  }
0x160: {  	v39 =	vimm.f32 $0.0e+00;
	v62 =	vld [tilespmem:s2+$0x8F20];
	[tilespmem:s2+$0x6720] =	vst v23;
	(erf) = vrcp.f32 v25;
	v37 =	vadd.f32 $1.000000000e+00, v63  }
0x161: {  	v14 =	vadd.f32 v19, v14;
	v35 =	vmul.f32 v20, v20;
	v38 =	vld [tilespmem:s2+$0x8F30];
	[tilespmem:s2+$0x6730] =	vst v24;
	(erf) = vrcp.f32 v34  }
0x162: {  	v60 =	vmul.f32 v21, v21;
	v16 =	vadd.f32 v21, v16;
	v36 =	vld [tilespmem:s2+$0x8F40];
	[tilespmem:s2+$0x6740] =	vst v31;
	(erf) = vrcp.f32 v37  }
0x163: {  	s3 =	simm.s32 $0x40;
	v61 =	vmul.f32 v22, v22;
	v15 =	vadd.f32 v35, v15;
	v35 =	vld [tilespmem:s2+$0x8F50];
	v30 =	vmul.f32 v19, v19;
	[tilespmem:s2+$0x6750] =	vst v26  }
0x164: {  	v18 =	vadd.f32 v22, v18;
	v12 =	vadd.f32 v60, v12;
	v21 =	vmul.f32 v24, v24;
	v29 =	vld [tilespmem:s3+$0x3F30]  }
0x165: {  	v17 =	vadd.f32 v20, v17;
	v22 =	vmul.f32 v31, v31;
	v11 =	vadd.f32 v30, v11;
	v30 =	vld [tilespmem:s3+$0x3F50]  }
0x166: {  	v13 =	vadd.f32 v61, v13;
	v20 =	vadd.f32 v21, v39;
	v19 =	vmul.f32 v23, v23;
	v32 =	vld [tilespmem:s3+$0x6720]  }
0x167: {  	v21 =	vadd.f32 v22, v39;
	v23 =	vadd.f32 v23, v39;
	v33 =	vld [tilespmem:s3+$0x6730];
	v25 =	vmul.f32 v26, v26  }
0x168: {  	v19 =	vadd.f32 v19, v39;
	v27 =	vld [tilespmem:s3+$0x3F20];
	v26 =	vadd.f32 v26, v39;
	v40 =	vpop (erf)  }
0x169: {  	v28 =	vld [tilespmem:s3+$0x3F40];
	v22 =	vadd.f32 v25, v39;
	v25 =	vadd.f32 v24, v39;
	[tilespmem:s2+$0x1720] =	vst v40;
	v41 =	vpop (erf)  }
0x16a: {  	s13 =	simm.s32 $0x200;
	v24 =	vadd.f32 v31, v39;
	v31 =	vmul.f32 v40, v62;
	v37 =	vld [tilespmem:s3+$0x1720];
	[tilespmem:s2+$0x1730] =	vst v41;
	v34 =	vmul.f32 v41, v38;
	v38 =	vpop (erf)  }
.LBB2_7:
0x16b: {  	p1 =	sne.s32 s13, $0x4F00;
	v39 =	vld [tilespmem:s3+$0x1730];
	[tilespmem:s2+$0x1740] =	vst v38;
	v36 =	vmul.f32 v38, v36;
	v38 =	vpop (erf)  }
0x16c: {  	v40 =	vld [tilespmem:s3+$0x1740];
	[tilespmem:s2+$0x1750] =	vst v38;
	v35 =	vmul.f32 v38, v35  }
0x16d: {  	v38 =	vld [tilespmem:s3+$0x1750];
	[tilespmem:s2+$0x8F40] =	vst v36  }
0x16e: {  	v36 =	vld [tilespmem:s3+$0x6740];
	[tilespmem:s2+$0x8F50] =	vst v35  }
0x16f: {  	v27 =	vadd.f32 v27, v37;
	v35 =	vld [tilespmem:s3+$0x6750];
	[tilespmem:s2+$0x8F30] =	vst v34  }
0x170: {  	v29 =	vadd.f32 v29, v39;
	[tilespmem:s2+$0x8F20] =	vst v31;
	s2 =	smov.u32 s3  }
0x171: {  	v27 =	vadd.f32 v32, v27;
	v28 =	vadd.f32 v28, v40  }
0x172: {  	v29 =	vadd.f32 v33, v29;
	v30 =	vadd.f32 v30, v38  }
0x173: {  	[tilespmem:s2+$0x6720] =	vst v27;
	v31 =	vsub.f32 $0.0e+00, v27;
	v32 =	vmul.f32 v27, v27;
	v28 =	vadd.f32 v36, v28  }
0x174: {  	[tilespmem:s2+$0x6730] =	vst v29;
	v33 =	vsub.f32 $0.0e+00, v29;
	v34 =	vmul.f32 v29, v29;
	v30 =	vadd.f32 v35, v30  }
0x175: {  	v31 =	vmul.f32 $1.442695020e+00, v31;
	[tilespmem:s2+$0x6740] =	vst v28;
	v35 =	vsub.f32 $0.0e+00, v28;
	v36 =	vmul.f32 v28, v28  }
0x176: {  	v33 =	vmul.f32 $1.442695020e+00, v33;
	[tilespmem:s2+$0x6750] =	vst v30;
	v37 =	vsub.f32 $0.0e+00, v30;
	v38 =	vmul.f32 v30, v30  }
0x177: {  	v19 =	vadd.f32 v32, v19;
	v32 =	vmul.f32 $1.442695020e+00, v35;
	(erf) = vpow2.f32 v31  }
0x178: {  	v20 =	vadd.f32 v34, v20;
	v31 =	vmul.f32 $1.442695020e+00, v37;
	(erf) = vpow2.f32 v33  }
0x179: {  	v21 =	vadd.f32 v36, v21;
	v22 =	vadd.f32 v38, v22;
	(erf) = vpow2.f32 v32  }
0x17a: {  	v23 =	vadd.f32 v27, v23;
	v25 =	vadd.f32 v29, v25;
	(erf) = vpow2.f32 v31  }
0x17b: {  	v24 =	vadd.f32 v28, v24;
	v26 =	vadd.f32 v30, v26;
	_ =	sdelay $0x4  }
0x17c: {  	v27 =	vpop (erf)  }
0x17d: {  	v27 =	vadd.f32 $1.000000000e+00, v27;
	v28 =	vpop (erf)  }
0x17e: {  	v28 =	vadd.f32 $1.000000000e+00, v28;
	v29 =	vpop (erf)  }
0x17f: {  	s3 =	sshra.s32 s13, $0x2;
	v30 =	vadd.f32 $1.000000000e+00, v29;
	(erf) = vrcp.f32 v27;
	v29 =	vpop (erf)  }
0x180: {  	v27 =	vld [tilespmem:s3+$0x3F20];
	v31 =	vadd.f32 $1.000000000e+00, v29;
	(erf) = vrcp.f32 v28  }
0x181: {  	v29 =	vld [tilespmem:s3+$0x3F30];
	(erf) = vrcp.f32 v30  }
0x182: {  	v28 =	vld [tilespmem:s3+$0x3F40];
	(erf) = vrcp.f32 v31  }
0x183: {  	v30 =	vld [tilespmem:s3+$0x3F50]  }
0x184: {  	v31 =	vld [tilespmem:s2+$0x8F20]  }
0x185: {  	v34 =	vld [tilespmem:s2+$0x8F30]  }
.Ltmp2:
0x186: {  	v36 =	vld [tilespmem:s2+$0x8F40];
	(pc) =	sbr.rel @p1 .LBB2_7-.Ltmp2, $4  }
0x187: {  	v35 =	vld [tilespmem:s2+$0x8F50]  }
0x188: {  	v32 =	vld [tilespmem:s3+$0x6720];
	v37 =	vpop (erf)  }
0x189: {  	v33 =	vld [tilespmem:s3+$0x6730];
	[tilespmem:s2+$0x1720] =	vst v37;
	v31 =	vmul.f32 v37, v31;
	v38 =	vpop (erf)  }
0x18a: {  	s13 =	sadd.s32 $0x100, s13;
	v37 =	vld [tilespmem:s3+$0x1720];
	[tilespmem:s2+$0x1730] =	vst v38;
	v34 =	vmul.f32 v38, v34;
	v38 =	vpop (erf)  }
0x18b: {  	v39 =	vld [tilespmem:s3+$0x1730];
	[tilespmem:s2+$0x1740] =	vst v38;
	v40 =	vpop (erf);
	v36 =	vmul.f32 v38, v36  }
0x18c: {  	v41 =	vld [tilespmem:s3+$0x1740];
	[tilespmem:s2+$0x1750] =	vst v40  }
0x18d: {  	v35 =	vmul.f32 v40, v35;
	v48 =	vld [tilespmem:s3+$0x1750];
	[tilespmem:s2+$0x8F40] =	vst v36  }
0x18e: {  	v36 =	vld [tilespmem:s3+$0x6740]  }
0x18f: {  	[tilespmem:s2+$0x8F50] =	vst v35;
	v27 =	vadd.f32 v27, v37  }
0x190: {  	v35 =	vld [tilespmem:s3+$0x6750];
	v29 =	vadd.f32 v29, v39  }
0x191: {  	v27 =	vadd.f32 v32, v27;
	v28 =	vadd.f32 v28, v41  }
0x192: {  	v29 =	vadd.f32 v33, v29;
	v30 =	vadd.f32 v30, v48  }
0x193: {  	v32 =	vsub.f32 $0.0e+00, v27;
	v28 =	vadd.f32 v36, v28  }
0x194: {  	v33 =	vsub.f32 $0.0e+00, v29  }
0x195: {  	v30 =	vadd.f32 v35, v30;
	v32 =	vmul.f32 $1.442695020e+00, v32;
	v49 =	vsub.f32 $0.0e+00, v28  }
0x196: {  	v33 =	vmul.f32 $1.442695020e+00, v33  }
0x197: {  	v50 =	vsub.f32 $0.0e+00, v30;
	v35 =	vmul.f32 $1.442695020e+00, v49;
	(erf) = vpow2.f32 v32  }
0x198: {  	(erf) = vpow2.f32 v33  }
0x199: {  	v51 =	vmul.f32 $1.442695020e+00, v50;
	(erf) = vpow2.f32 v35;
	_ =	sdelay $0x1  }
0x19a: {  	(erf) = vpow2.f32 v51;
	_ =	sdelay $0x4  }
0x19b: {  	v52 =	vpop (erf)  }
0x19c: {  	v32 =	vadd.f32 $1.000000000e+00, v52;
	v33 =	vpop (erf)  }
0x19d: {  	v33 =	vadd.f32 $1.000000000e+00, v33;
	v35 =	vpop (erf)  }
0x19e: {  	v53 =	vadd.f32 $1.000000000e+00, v35;
	(erf) = vrcp.f32 v32  }
0x19f: {  	v54 =	vpop (erf);
	(erf) = vrcp.f32 v33  }
0x1a0: {  	v55 =	vadd.f32 $1.000000000e+00, v54;
	(erf) = vrcp.f32 v53;
	_ =	sdelay $0x1  }
0x1a1: {  	[tilespmem:s2+$0x8F30] =	vst v34;
	(erf) = vrcp.f32 v55  }
0x1a2: {  	[tilespmem:s2+$0x8F20] =	vst v31  }
0x1a3: {  	v56 =	vld [tilespmem:s3+$0x8F20];
	[tilespmem:s3+$0x6720] =	vst v27  }
0x1a4: {  	[tilespmem:s3+$0x6730] =	vst v29  }
0x1a5: {  	v59 =	vld [tilespmem:s3+$0x8F30];
	[tilespmem:s3+$0x6740] =	vst v28  }
0x1a6: {  	v57 =	vld [tilespmem:s3+$0x8F40];
	[tilespmem:s3+$0x6750] =	vst v30;
	v60 =	vpop (erf)  }
0x1a7: {  	v58 =	vld [tilespmem:s3+$0x8F50];
	[tilespmem:s3+$0x1720] =	vst v60;
	v61 =	vpop (erf)  }
0x1a8: {  	v31 =	vmul.f32 v60, v56;
	[tilespmem:s3+$0x1730] =	vst v61;
	v62 =	vpop (erf)  }
0x1a9: {  	[tilespmem:s3+$0x1740] =	vst v62  }
0x1aa: {  	v34 =	vmul.f32 v61, v59;
	v63 =	vpop (erf);
	[tilespmem:s3+$0x8F20] =	vst v31  }
0x1ab: {  	v32 =	vmul.f32 v62, v57;
	[tilespmem:s3+$0x1750] =	vst v63  }
0x1ac: {  	v33 =	vmul.f32 v63, v58;
	[tilespmem:s3+$0x8F30] =	vst v34  }
0x1ad: {  	[tilespmem:s3+$0x8F40] =	vst v32  }
0x1ae: {  	s1 =	sadd.s32 s10, s1;
	s13 =	simm.s32 $0x6720;
	[tilespmem:s3+$0x8F50] =	vst v33  }
0x1af: {  	[hbm4b:s1+s26] =	stream.strided.scatter [tilespmem:s13], [sflag:$0x6], $0x1400, s28, s26, $0x38;
	[tilespmem:$0x1F9E0] =	vst v63  }
0x1b0: {  	s25 =	simm.s32 $0x8F20  }
0x1b1: {  	[spmem:s14] =	stream.indirect.scatter.add.f32 [tilespmem:s25], [sflag:$0x8], $0x40, s20, s17, $0xb8;
	[tilespmem:$0x1F9E0] =	vst v63  }
0x1b2: {  	s2 =	simm.s32 $0x1720  }
0x1b3: {  	[spmem:s7] =	stream.indirect.scatter.add.f32 [tilespmem:s2], [sflag:$0x8], $0x40, s20, s17, $0xb8;
	[tilespmem:$0x1F9E0] =	vst v63  }
0x1b4: {  	_ =	swait.ge [sflag:s16], $0xA0  }
0x1b5: {  	[sflag:s16] =	ssyncset.done $0x0  }
0x1b6: {  	[sflag:s16] =	ssyncadd.s32 $0xFFFFFF60  }
0x1b7: {  	v36 =	vld [tilespmem:$0x0]  }
0x1b8: {  	v37 =	vld [tilespmem:$0x50];
	_ =	sdelay $0x1  }
0x1b9: {  	v38 =	vld [tilespmem:$0x10]  }
0x1ba: {  	v39 =	vld [tilespmem:$0x60]  }
0x1bb: {  	v31 =	vadd.s32 v0, v36  }
0x1bc: {  	p1 =	seq.s32 s15, $0x7C;
	v41 =	vld [tilespmem:$0x20];
	v40 =	vadd.s32 v0, v37;
	[tilespmem:$0x140] =	vst v31  }
0x1bd: {  	v43 =	vld [tilespmem:$0x70];
	v42 =	vpsel p1, $0x2710, v37;
	[tilespmem:$0x190] =	vst v40  }
0x1be: {  	v44 =	vadd.s32 v0, v38;
	[tilespmem:$0x1E0] =	vst v42  }
0x1bf: {  	v46 =	vld [tilespmem:$0x30];
	v45 =	vadd.s32 v0, v39;
	[tilespmem:$0x150] =	vst v44  }
0x1c0: {  	v48 =	vld [tilespmem:$0x80];
	v47 =	vpsel p1, $0x2710, v39;
	[tilespmem:$0x1A0] =	vst v45  }
0x1c1: {  	v49 =	vadd.s32 v0, v41;
	[tilespmem:$0x1F0] =	vst v47  }
0x1c2: {  	v51 =	vld [tilespmem:$0x40];
	v50 =	vadd.s32 v0, v43;
	[tilespmem:$0x160] =	vst v49  }
0x1c3: {  	v53 =	vld [tilespmem:$0x90];
	v52 =	vpsel p1, $0x2710, v43;
	[tilespmem:$0x1B0] =	vst v50  }
0x1c4: {  	v54 =	vadd.s32 v0, v46;
	[tilespmem:$0x200] =	vst v52  }
0x1c5: {  	v55 =	vadd.s32 v0, v48;
	[tilespmem:$0x170] =	vst v54  }
0x1c6: {  	v9 =	vadd.f32 v14, v9;
	v8 =	vadd.f32 v16, v8;
	v56 =	vpsel p1, $0x2710, v48;
	[tilespmem:$0x1C0] =	vst v55  }
0x1c7: {  	v6 =	vadd.f32 v18, v6;
	v4 =	vadd.f32 v17, v4;
	v57 =	vadd.s32 v0, v51;
	[tilespmem:$0x210] =	vst v56  }
0x1c8: {  	v7 =	vadd.f32 v11, v7;
	v5 =	vadd.f32 v12, v5;
	v58 =	vadd.s32 v0, v53;
	[tilespmem:$0x180] =	vst v57  }
0x1c9: {  	v3 =	vadd.f32 v13, v3;
	v23 =	vadd.f32 v27, v23;
	v61 =	vpsel p1, $0x2710, v53;
	[tilespmem:$0x1D0] =	vst v58  }
0x1ca: {  	s15 =	sadd.s32 $0x1, s15;
	v2 =	vadd.f32 v15, v2;
	v25 =	vadd.f32 v29, v25;
	s3 =	simm.s32 $0x190;
	[tilespmem:$0x220] =	vst v61  }
0x1cb: {  	v24 =	vadd.f32 v28, v24;
	v9 =	vadd.f32 v23, v9;
	[tilespmem:s19], [sflag:$0x3] =	stream.indirect.gather [hbm4b:s6+s17], $0x40, s18, s17, $0xb8;
	[tilespmem:$0x1F9E0] =	vst v63  }
0x1cc: {  	v26 =	vadd.f32 v30, v26;
	v8 =	vadd.f32 v25, v8;
	s13 =	simm.s32 $0x2B20;
	s25 =	smul.u32 $0x2800, s21;
	p1 =	sne.s32 s15, $0x7D  }
0x1cd: {  	v6 =	vadd.f32 v24, v6;
	v60 =	vmul.f32 v29, v29;
	v59 =	vmul.f32 v27, v27;
	[tilespmem:s13], [sflag:$0x3] =	stream.indirect.gather [hbm4b:s8+s17], $0x40, s3, s17, $0xb8;
	[tilespmem:$0x1F9E0] =	vst v63  }
.Ltmp3:
0x1ce: {  	v4 =	vadd.f32 v26, v4;
	v62 =	vmul.f32 v28, v28;
	v63 =	vmul.f32 v30, v30;
	s1 =	sor.u32 s24, s25;
	(pc) =	sbr.rel @p1 .LBB2_4-.Ltmp3, $4  }
0x1cf: {  	v20 =	vadd.f32 v60, v20;
	v19 =	vadd.f32 v59, v19;
	s1 =	sshrl.u32 s1, $0x3  }
0x1d0: {  	v21 =	vadd.f32 v62, v21;
	v22 =	vadd.f32 v63, v22;
	[tilespmem:s22], [sflag:$0x3] =	stream.indirect.gather [hbm4b:s9+s17], $0x40, s18, s17, $0xb8;
	[tilespmem:$0x1F9E0] =	vst v63  }
0x1d1: {  	v5 =	vadd.f32 v20, v5;
	v7 =	vadd.f32 v19, v7;
	s1 =	sadd.s32 s23, s1  }
0x1d2: {  	v3 =	vadd.f32 v21, v3;
	v2 =	vadd.f32 v22, v2;
	[tilespmem:s29], [sflag:$0x3] =	stream.strided.gather [hbm4b:s1+s26], $0x1400, s28, s26, $0x38;
	[tilespmem:$0x1F9E0] =	vst v63  }
0x1d3: {  	_ =	swait.ge [sflag:s31], $0x1400  }
0x1d4: {  	[sflag:s31] =	ssyncset.done $0x0  }
0x1d5: {  	[sflag:s31] =	ssyncadd.s32 $0xFFFFEC00  }
0x1d6: {  	_ =	swait.ge [sflag:s31], $0x1400  }
0x1d7: {  	[sflag:s31] =	ssyncset.done $0x0  }
0x1d8: {  	[sflag:s31] =	ssyncadd.s32 $0xFFFFEC00  }
0x1d9: {  	_ =	swait.ge [sflag:s31], $0x1400  }
0x1da: {  	[sflag:s31] =	ssyncset.done $0x0  }
0x1db: {  	[sflag:s31] =	ssyncadd.s32 $0xFFFFEC00  }
0x1dc: {  	_ =	swait.ge [sflag:s31], $0x1400  }
0x1dd: {  	[sflag:s31] =	ssyncset.done $0x0  }
0x1de: {  	s1 =	simm.s32 $0x0;
	[sflag:s31] =	ssyncadd.s32 $0xFFFFEC00  }
0x1df: {  	v10 =	vld [tilespmem:s1+$0x2B20]  }
0x1e0: {  	v11 =	vld [tilespmem:s1+$0x2B30]  }
0x1e1: {  	v12 =	vld [tilespmem:s1+$0x2B40]  }
0x1e2: {  	v13 =	vld [tilespmem:s1+$0x320]  }
0x1e3: {  	v14 =	vld [tilespmem:s1+$0x5320]  }
0x1e4: {  	v15 =	vld [tilespmem:s1+$0x330]  }
0x1e5: {  	v16 =	vld [tilespmem:s1+$0x340]  }
0x1e6: {  	v17 =	vld [tilespmem:s1+$0x5330]  }
0x1e7: {  	v18 =	vld [tilespmem:s1+$0x5340]  }
0x1e8: {  	v10 =	vadd.f32 v10, v13  }
0x1e9: {  	v11 =	vadd.f32 v11, v15  }
0x1ea: {  	v13 =	vadd.f32 v14, v10;
	v10 =	vadd.f32 v12, v16  }
0x1eb: {  	v15 =	vadd.f32 v17, v11;
	v12 =	vld [tilespmem:s1+$0x2B50]  }
0x1ec: {  	v11 =	vsub.f32 $0.0e+00, v13;
	v22 =	vadd.f32 v18, v10;
	v10 =	vld [tilespmem:s1+$0x350];
	_ =	sdelay $0x1  }
0x1ed: {  	v17 =	vld [tilespmem:s1+$0x5350];
	v14 =	vsub.f32 $0.0e+00, v15;
	v11 =	vmul.f32 $1.442695020e+00, v11;
	_ =	sdelay $0x1  }
0x1ee: {  	v14 =	vmul.f32 $1.442695020e+00, v14;
	(erf) = vpow2.f32 v11  }
0x1ef: {  	v16 =	vsub.f32 $0.0e+00, v22;
	v10 =	vadd.f32 v12, v10  }
0x1f0: {  	(erf) = vpow2.f32 v14  }
0x1f1: {  	v11 =	vmul.f32 $1.442695020e+00, v16;
	v25 =	vadd.f32 v17, v10;
	_ =	sdelay $0x1  }
0x1f2: {  	(erf) = vpow2.f32 v11;
	v10 =	vsub.f32 $0.0e+00, v25;
	_ =	sdelay $0x1  }
0x1f3: {  	v10 =	vmul.f32 $1.442695020e+00, v10;
	_ =	sdelay $0x1  }
0x1f4: {  	v11 =	vpop (erf);
	(erf) = vpow2.f32 v10;
	_ =	sdelay $0x1  }
0x1f5: {  	v11 =	vadd.f32 $1.000000000e+00, v11;
	v10 =	vpop (erf)  }
0x1f6: {  	v10 =	vadd.f32 $1.000000000e+00, v10  }
0x1f7: {  	(erf) = vrcp.f32 v11  }
0x1f8: {  	v12 =	vpop (erf);
	(erf) = vrcp.f32 v10;
	v10 =	vmul.f32 v13, v13;
	_ =	sdelay $0x2  }
0x1f9: {  	v31 =	vimm.f32 $0.0e+00  }
0x1fa: {  	v11 =	vadd.f32 $1.000000000e+00, v12;
	v14 =	vadd.f32 v10, v31;
	v10 =	vpop (erf)  }
0x1fb: {  	v29 =	vld [tilespmem:s1+$0x7B20];
	[tilespmem:s1+$0x5320] =	vst v13;
	v28 =	vadd.f32 $1.000000000e+00, v10  }
0x1fc: {  	v30 =	vld [tilespmem:s1+$0x7B30];
	[tilespmem:s1+$0x5330] =	vst v15;
	(erf) = vrcp.f32 v11  }
0x1fd: {  	v27 =	vld [tilespmem:s1+$0x7B40];
	[tilespmem:s1+$0x5340] =	vst v22;
	(erf) = vrcp.f32 v28  }
0x1fe: {  	s2 =	simm.s32 $0x40;
	v26 =	vld [tilespmem:s1+$0x7B50];
	[tilespmem:s1+$0x5350] =	vst v25  }
0x1ff: {  	v20 =	vld [tilespmem:s2+$0x2B20]  }
0x200: {  	v16 =	vmul.f32 v22, v22;
	v21 =	vld [tilespmem:s2+$0x2B30];
	v11 =	vmul.f32 v15, v15  }
0x201: {  	v18 =	vld [tilespmem:s2+$0x2B40]  }
0x202: {  	v17 =	vmul.f32 v25, v25;
	v19 =	vld [tilespmem:s2+$0x2B50];
	v12 =	vadd.f32 v11, v31;
	v11 =	vadd.f32 v16, v31  }
0x203: {  	v23 =	vld [tilespmem:s2+$0x5320];
	v16 =	vadd.f32 v15, v31;
	v15 =	vadd.f32 v22, v31;
	v32 =	vpop (erf)  }
0x204: {  	v24 =	vld [tilespmem:s2+$0x5330];
	v10 =	vadd.f32 v17, v31;
	v17 =	vadd.f32 v13, v31;
	[tilespmem:s1+$0x320] =	vst v32;
	v33 =	vpop (erf)  }
0x205: {  	s3 =	simm.s32 $0x200;
	v13 =	vadd.f32 v25, v31;
	v22 =	vmul.f32 v32, v29;
	v28 =	vld [tilespmem:s2+$0x320];
	[tilespmem:s1+$0x330] =	vst v33;
	v25 =	vmul.f32 v33, v30;
	v29 =	vpop (erf)  }
.LBB2_10:
0x206: {  	p1 =	sne.s32 s3, $0x4F00;
	v30 =	vld [tilespmem:s2+$0x330];
	[tilespmem:s1+$0x340] =	vst v29;
	v27 =	vmul.f32 v29, v27;
	v29 =	vpop (erf)  }
0x207: {  	v31 =	vld [tilespmem:s2+$0x340];
	[tilespmem:s1+$0x350] =	vst v29;
	v26 =	vmul.f32 v29, v26  }
0x208: {  	v29 =	vld [tilespmem:s2+$0x350];
	[tilespmem:s1+$0x7B40] =	vst v27  }
0x209: {  	v27 =	vld [tilespmem:s2+$0x5340];
	[tilespmem:s1+$0x7B50] =	vst v26  }
0x20a: {  	v20 =	vadd.f32 v20, v28;
	v26 =	vld [tilespmem:s2+$0x5350];
	[tilespmem:s1+$0x7B30] =	vst v25  }
0x20b: {  	v21 =	vadd.f32 v21, v30;
	[tilespmem:s1+$0x7B20] =	vst v22;
	s1 =	smov.u32 s2  }
0x20c: {  	v20 =	vadd.f32 v23, v20;
	v18 =	vadd.f32 v18, v31  }
0x20d: {  	v21 =	vadd.f32 v24, v21;
	v19 =	vadd.f32 v19, v29  }
0x20e: {  	[tilespmem:s1+$0x5320] =	vst v20;
	v22 =	vsub.f32 $0.0e+00, v20;
	v23 =	vmul.f32 v20, v20;
	v18 =	vadd.f32 v27, v18  }
0x20f: {  	[tilespmem:s1+$0x5330] =	vst v21;
	v24 =	vsub.f32 $0.0e+00, v21;
	v25 =	vmul.f32 v21, v21;
	v19 =	vadd.f32 v26, v19  }
0x210: {  	v22 =	vmul.f32 $1.442695020e+00, v22;
	[tilespmem:s1+$0x5340] =	vst v18;
	v26 =	vsub.f32 $0.0e+00, v18;
	v27 =	vmul.f32 v18, v18  }
0x211: {  	v24 =	vmul.f32 $1.442695020e+00, v24;
	[tilespmem:s1+$0x5350] =	vst v19;
	v28 =	vsub.f32 $0.0e+00, v19;
	v29 =	vmul.f32 v19, v19  }
0x212: {  	v14 =	vadd.f32 v23, v14;
	v23 =	vmul.f32 $1.442695020e+00, v26;
	(erf) = vpow2.f32 v22  }
0x213: {  	v12 =	vadd.f32 v25, v12;
	v22 =	vmul.f32 $1.442695020e+00, v28;
	(erf) = vpow2.f32 v24  }
0x214: {  	v11 =	vadd.f32 v27, v11;
	v10 =	vadd.f32 v29, v10;
	(erf) = vpow2.f32 v23  }
0x215: {  	v17 =	vadd.f32 v20, v17;
	v16 =	vadd.f32 v21, v16;
	(erf) = vpow2.f32 v22  }
0x216: {  	v15 =	vadd.f32 v18, v15;
	v13 =	vadd.f32 v19, v13;
	_ =	sdelay $0x4  }
0x217: {  	v18 =	vpop (erf)  }
0x218: {  	v21 =	vadd.f32 $1.000000000e+00, v18;
	v19 =	vpop (erf)  }
0x219: {  	v19 =	vadd.f32 $1.000000000e+00, v19;
	v20 =	vpop (erf)  }
0x21a: {  	s2 =	sshra.s32 s3, $0x2;
	v22 =	vadd.f32 $1.000000000e+00, v20;
	(erf) = vrcp.f32 v21;
	v18 =	vpop (erf)  }
0x21b: {  	v20 =	vld [tilespmem:s2+$0x2B20];
	v23 =	vadd.f32 $1.000000000e+00, v18;
	(erf) = vrcp.f32 v19  }
0x21c: {  	v21 =	vld [tilespmem:s2+$0x2B30];
	(erf) = vrcp.f32 v22  }
0x21d: {  	v18 =	vld [tilespmem:s2+$0x2B40];
	(erf) = vrcp.f32 v23  }
0x21e: {  	v19 =	vld [tilespmem:s2+$0x2B50]  }
0x21f: {  	v22 =	vld [tilespmem:s1+$0x7B20]  }
0x220: {  	v25 =	vld [tilespmem:s1+$0x7B30]  }
.Ltmp4:
0x221: {  	v27 =	vld [tilespmem:s1+$0x7B40];
	(pc) =	sbr.rel @p1 .LBB2_10-.Ltmp4, $4  }
0x222: {  	v26 =	vld [tilespmem:s1+$0x7B50]  }
0x223: {  	v23 =	vld [tilespmem:s2+$0x5320];
	v28 =	vpop (erf)  }
0x224: {  	v24 =	vld [tilespmem:s2+$0x5330];
	[tilespmem:s1+$0x320] =	vst v28;
	v22 =	vmul.f32 v28, v22;
	v29 =	vpop (erf)  }
0x225: {  	s3 =	sadd.s32 $0x100, s3;
	v28 =	vld [tilespmem:s2+$0x320];
	[tilespmem:s1+$0x330] =	vst v29;
	v25 =	vmul.f32 v29, v25;
	v29 =	vpop (erf)  }
0x226: {  	v30 =	vld [tilespmem:s2+$0x330];
	[tilespmem:s1+$0x340] =	vst v29;
	v31 =	vpop (erf);
	v27 =	vmul.f32 v29, v27  }
0x227: {  	v32 =	vld [tilespmem:s2+$0x340];
	[tilespmem:s1+$0x350] =	vst v31  }
0x228: {  	v26 =	vmul.f32 v31, v26;
	v63 =	vld [tilespmem:s2+$0x350];
	[tilespmem:s1+$0x7B40] =	vst v27  }
0x229: {  	v27 =	vld [tilespmem:s2+$0x5340]  }
0x22a: {  	[tilespmem:s1+$0x7B50] =	vst v26;
	v20 =	vadd.f32 v20, v28  }
0x22b: {  	v26 =	vld [tilespmem:s2+$0x5350];
	v21 =	vadd.f32 v21, v30  }
0x22c: {  	v23 =	vadd.f32 v23, v20;
	v18 =	vadd.f32 v18, v32  }
0x22d: {  	v32 =	vadd.f32 v24, v21;
	v33 =	vadd.f32 v19, v63  }
0x22e: {  	v34 =	vsub.f32 $0.0e+00, v23;
	v35 =	vadd.f32 v27, v18  }
0x22f: {  	v36 =	vsub.f32 $0.0e+00, v32  }
0x230: {  	v37 =	vadd.f32 v26, v33;
	v38 =	vmul.f32 $1.442695020e+00, v34;
	v39 =	vsub.f32 $0.0e+00, v35  }
0x231: {  	v40 =	vmul.f32 $1.442695020e+00, v36  }
0x232: {  	v41 =	vsub.f32 $0.0e+00, v37;
	v24 =	vmul.f32 $1.442695020e+00, v39;
	(erf) = vpow2.f32 v38  }
0x233: {  	(erf) = vpow2.f32 v40  }
0x234: {  	v42 =	vmul.f32 $1.442695020e+00, v41;
	(erf) = vpow2.f32 v24;
	_ =	sdelay $0x1  }
0x235: {  	(erf) = vpow2.f32 v42;
	_ =	sdelay $0x4  }
0x236: {  	v43 =	vpop (erf)  }
0x237: {  	v21 =	vadd.f32 $1.000000000e+00, v43;
	v44 =	vpop (erf)  }
0x238: {  	v24 =	vadd.f32 $1.000000000e+00, v44;
	v45 =	vpop (erf)  }
0x239: {  	v46 =	vadd.f32 $1.000000000e+00, v45;
	(erf) = vrcp.f32 v21  }
0x23a: {  	v47 =	vpop (erf);
	(erf) = vrcp.f32 v24  }
0x23b: {  	v21 =	vadd.f32 $1.000000000e+00, v47;
	(erf) = vrcp.f32 v46;
	_ =	sdelay $0x1  }
0x23c: {  	[tilespmem:s1+$0x7B30] =	vst v25;
	(erf) = vrcp.f32 v21  }
0x23d: {  	[tilespmem:s1+$0x7B20] =	vst v22  }
0x23e: {  	v48 =	vld [tilespmem:s2+$0x7B20];
	[tilespmem:s2+$0x5320] =	vst v23  }
0x23f: {  	[tilespmem:s2+$0x5330] =	vst v32  }
0x240: {  	v50 =	vld [tilespmem:s2+$0x7B30];
	[tilespmem:s2+$0x5340] =	vst v35  }
0x241: {  	v22 =	vld [tilespmem:s2+$0x7B40];
	[tilespmem:s2+$0x5350] =	vst v37;
	v51 =	vpop (erf)  }
0x242: {  	v49 =	vld [tilespmem:s2+$0x7B50];
	[tilespmem:s2+$0x320] =	vst v51;
	v52 =	vpop (erf)  }
0x243: {  	v21 =	vmul.f32 v51, v48;
	[tilespmem:s2+$0x330] =	vst v52;
	v53 =	vpop (erf)  }
0x244: {  	[tilespmem:s2+$0x340] =	vst v53  }
0x245: {  	v25 =	vmul.f32 v52, v50;
	v54 =	vpop (erf);
	[tilespmem:s2+$0x7B20] =	vst v21  }
0x246: {  	v22 =	vmul.f32 v53, v22;
	[tilespmem:s2+$0x350] =	vst v54  }
0x247: {  	v24 =	vmul.f32 v54, v49;
	[tilespmem:s2+$0x7B30] =	vst v25  }
0x248: {  	[tilespmem:s2+$0x7B40] =	vst v22  }
0x249: {  	s15 =	rddreg [dreg:$0x17];
	[tilespmem:s2+$0x7B50] =	vst v24  }
0x24a: {  	[hbm4b:s15+s26] =	stream.strided.scatter [tilespmem:s29], [sflag:$0x5], $0x1400, s28, s26, $0x38;
	[tilespmem:$0x1F9E0] =	vst v63  }
0x24b: {  	_ = 	snop  }
0x24c: {  	[spmem:s14] =	stream.indirect.scatter.add.f32 [tilespmem:s22], [sflag:$0x7], $0x40, s0, s17, $0xb8;
	[tilespmem:$0x1F9E0] =	vst v63  }
0x24d: {  	s21 =	simm.s32 $0x6  }
0x24e: {  	[spmem:s7] =	stream.indirect.scatter.add.f32 [tilespmem:s19], [sflag:$0x7], $0x40, s0, s17, $0xb8;
	[tilespmem:$0x1F9E0] =	vst v63  }
0x24f: {  	_ =	swait.ge [sflag:s21], $0x1400  }
0x250: {  	[sflag:s21] =	ssyncset.done $0x0  }
0x251: {  	s25 =	simm.s32 $0x8;
	[sflag:s21] =	ssyncadd.s32 $0xFFFFEC00  }
0x252: {  	_ =	swait.ge [sflag:s25], $0x1400  }
0x253: {  	[sflag:s25] =	ssyncset.done $0x0  }
0x254: {  	[sflag:s25] =	ssyncadd.s32 $0xFFFFEC00  }
0x255: {  	_ =	swait.ge [sflag:s25], $0x1400  }
0x256: {  	[sflag:s25] =	ssyncset.done $0x0  }
0x257: {  	[sflag:s25] =	ssyncadd.s32 $0xFFFFEC00  }
0x258: {  	_ =	swait.ge [sflag:s30], $0x1400  }
0x259: {  	[sflag:s30] =	ssyncset.done $0x0  }
0x25a: {  	[sflag:s30] =	ssyncadd.s32 $0xFFFFEC00  }
0x25b: {  	_ =	swait.ge [sflag:s11], $0x1400  }
0x25c: {  	[sflag:s11] =	ssyncset.done $0x0  }
0x25d: {  	[sflag:s11] =	ssyncadd.s32 $0xFFFFEC00  }
0x25e: {  	_ =	swait.ge [sflag:s11], $0x1400  }
0x25f: {  	[sflag:s11] =	ssyncset.done $0x0  }
0x260: {  	[sflag:s11] =	ssyncadd.s32 $0xFFFFEC00  }
0x261: {  	[tilespmem:$0xA3A0] =	vst v1  }
0x262: {  	[tilespmem:$0xA3B0] =	vst v1  }
0x263: {  	[tilespmem:$0xA3C0] =	vst v1  }
0x264: {  	[tilespmem:$0xA3D0] =	vst v1  }
0x265: {  	[tilespmem:$0xA3E0] =	vst v1  }
0x266: {  	[tilespmem:$0xA3F0] =	vst v1  }
0x267: {  	[tilespmem:$0xA400] =	vst v1  }
0x268: {  	[tilespmem:$0xA410] =	vst v1  }
0x269: {  	[tilespmem:$0xA420] =	vst v1  }
0x26a: {  	[tilespmem:$0xA430] =	vst v1  }
0x26b: {  	[tilespmem:$0xA440] =	vst v1  }
0x26c: {  	[tilespmem:$0xA450] =	vst v1  }
0x26d: {  	[tilespmem:$0xA460] =	vst v1  }
0x26e: {  	[tilespmem:$0xA470] =	vst v1  }
0x26f: {  	[tilespmem:$0xA480] =	vst v1  }
0x270: {  	[tilespmem:$0xA490] =	vst v1  }
0x271: {  	[tilespmem:$0xA4A0] =	vst v1  }
0x272: {  	[tilespmem:$0xA4B0] =	vst v1  }
0x273: {  	[tilespmem:$0xA4C0] =	vst v1  }
0x274: {  	[tilespmem:$0xA4D0] =	vst v1  }
0x275: {  	[tilespmem:$0xA4E0] =	vst v1  }
0x276: {  	[tilespmem:$0xA4F0] =	vst v1  }
0x277: {  	[tilespmem:$0xA500] =	vst v1  }
0x278: {  	[tilespmem:$0xA510] =	vst v1  }
0x279: {  	[tilespmem:$0xA520] =	vst v1  }
0x27a: {  	[tilespmem:$0xA530] =	vst v1  }
0x27b: {  	[tilespmem:$0xA540] =	vst v1  }
0x27c: {  	[tilespmem:$0xA550] =	vst v1  }
0x27d: {  	[tilespmem:$0xA560] =	vst v1  }
0x27e: {  	[tilespmem:$0xA570] =	vst v1  }
0x27f: {  	[tilespmem:$0xA580] =	vst v1  }
0x280: {  	[tilespmem:$0xA590] =	vst v1  }
0x281: {  	[tilespmem:$0xA5A0] =	vst v1  }
0x282: {  	[tilespmem:$0xA5B0] =	vst v1  }
0x283: {  	[tilespmem:$0xA5C0] =	vst v1  }
0x284: {  	[tilespmem:$0xA5D0] =	vst v1  }
0x285: {  	[tilespmem:$0xA5E0] =	vst v1  }
0x286: {  	[tilespmem:$0xA5F0] =	vst v1  }
0x287: {  	[tilespmem:$0xA600] =	vst v1  }
0x288: {  	[tilespmem:$0xA610] =	vst v1  }
0x289: {  	[tilespmem:$0xA620] =	vst v1  }
0x28a: {  	[tilespmem:$0xA630] =	vst v1  }
0x28b: {  	[tilespmem:$0xA640] =	vst v1  }
0x28c: {  	[tilespmem:$0xA650] =	vst v1  }
0x28d: {  	[tilespmem:$0xA660] =	vst v1  }
0x28e: {  	[tilespmem:$0xA670] =	vst v1  }
0x28f: {  	[tilespmem:$0xA680] =	vst v1  }
0x290: {  	[tilespmem:$0xA690] =	vst v1  }
0x291: {  	[tilespmem:$0xA6A0] =	vst v1  }
0x292: {  	v55 =	vmul.f32 v23, v23;
	[tilespmem:$0xA6B0] =	vst v1  }
0x293: {  	v17 =	vadd.f32 v23, v17;
	[tilespmem:$0xA6C0] =	vst v1  }
0x294: {  	v56 =	vmul.f32 v32, v32;
	v14 =	vadd.f32 v55, v14;
	[tilespmem:$0xA6D0] =	vst v1  }
0x295: {  	v16 =	vadd.f32 v32, v16;
	v57 =	vmul.f32 v35, v35;
	v17 =	vmul.f32 $0.0e+00, v17;
	[tilespmem:$0xA6E0] =	vst v1  }
0x296: {  	v15 =	vadd.f32 v35, v15;
	v12 =	vadd.f32 v56, v12;
	v14 =	vmul.f32 $0.0e+00, v14;
	[tilespmem:$0xA6F0] =	vst v1  }
0x297: {  	v58 =	vmul.f32 v37, v37;
	v16 =	vmul.f32 $0.0e+00, v16;
	v9 =	vadd.f32 v17, v9;
	[tilespmem:$0xA700] =	vst v1  }
0x298: {  	v11 =	vadd.f32 v57, v11;
	v12 =	vmul.f32 $0.0e+00, v12;
	v7 =	vadd.f32 v14, v7;
	[tilespmem:$0xA710] =	vst v1  }
0x299: {  	v13 =	vadd.f32 v37, v13;
	v59 =	vmul.f32 $0.0e+00, v15;
	v8 =	vadd.f32 v16, v8;
	[tilespmem:$0xA320] =	vst v9  }
0x29a: {  	v60 =	vadd.f32 v58, v10;
	v61 =	vmul.f32 $0.0e+00, v11;
	v5 =	vadd.f32 v12, v5;
	[tilespmem:$0xA360] =	vst v7  }
0x29b: {  	v62 =	vmul.f32 $0.0e+00, v13;
	v6 =	vadd.f32 v59, v6;
	[tilespmem:$0xA330] =	vst v8  }
0x29c: {  	v63 =	vmul.f32 $0.0e+00, v60;
	v3 =	vadd.f32 v61, v3;
	[tilespmem:$0xA370] =	vst v5  }
0x29d: {  	v4 =	vadd.f32 v62, v4;
	[tilespmem:$0xA340] =	vst v6  }
0x29e: {  	v2 =	vadd.f32 v63, v2;
	[tilespmem:$0xA380] =	vst v3  }
0x29f: {  	[tilespmem:$0xA350] =	vst v4  }
0x2a0: {  	s3 =	simm.s32 $0xA320;
	s2 =	simm.s32 $0x0;
	s13 =	rddreg [dreg:$0x18];
	[tilespmem:$0xA390] =	vst v2  }
0x2a1: {  	[hbm4b:s13+s2] =	stream.linear.scatter [tilespmem:s3], [sflag:$0x9], $0x400, $0x38;
	[tilespmem:$0x1F9E0] =	vst v63  }
0x2a2: {  	s13 =	simm.s32 $0x9  }
0x2a3: {  	_ =	swait.ge [sflag:s13], $0x400  }
0x2a4: {  	[sflag:s13] =	ssyncset.done $0x0  }
0x2a5: {  	[sflag:s13] =	ssyncadd.s32 $0xFFFFFC00  }
0x2a6: {  	s15 =	stileid.u32;
	[bflag:$0x0] =	sbarrier.arrive $0xFFFF  }
0x2a7: {  	s1 =	sshll.u32 s15, $0x6;
	s15 =	rddreg [dreg:$0x11]  }
0x2a8: {  	s1 =	sor.u32 $0x1C09, s1;
	s25 =	rddreg [dreg:$0x9];
	s21 =	sshrl.u32 s15, $0x3  }
0x2a9: {  	[hbm:s25], [sflag:s1] =	dma.local [spmem:s21], $0x1380  }
0x2aa: {  	_ =	swait.ge [sflag:s13], $0x1380  }
0x2ab: {  	[sflag:s13] =	ssyncset.done $0x0;
	s21 =	rddreg [dreg:$0x12]  }
0x2ac: {  	s25 =	rddreg [dreg:$0xa];
	[sflag:s13] =	ssyncadd.s32 $0xFFFFEC80;
	s3 =	sshrl.u32 s21, $0x3  }
0x2ad: {  	[hbm:s25], [sflag:s1] =	dma.local [spmem:s3], $0x1380  }
0x2ae: {  	_ =	swait.ge [sflag:s13], $0x1380  }
0x2af: {  	[sflag:s13] =	ssyncset.done $0x0;
	s25 =	rddreg [dreg:$0x1a]  }
0x2b0: {  	s3 =	rddreg [dreg:$0xb];
	[sflag:s13] =	ssyncadd.s32 $0xFFFFEC80;
	s2 =	sshrl.u32 @!p0 s25, $0x3  }
0x2b1: {  	[hbm:s3], [sflag:s1] =	dma.local @!p0 [spmem:s2], $0x80  }
0x2b2: {  	s2 =	simm.s32 @!p0 $0x9  }
0x2b3: {  	_ =	swait.ge @!p0 [sflag:s2], $0x80  }
0x2b4: {  	[sflag:s2] =	ssyncset.done @!p0 $0x0;
	s3 =	rddreg [dreg:$0x1b]  }
0x2b5: {  	s13 =	rddreg [dreg:$0xc];
	[sflag:s2] =	ssyncadd.s32 @!p0 $0xFFFFFF80;
	s3 =	sshrl.u32 @!p0 s3, $0x3  }
0x2b6: {  	[hbm:s13], [sflag:s1] =	dma.local @!p0 [spmem:s3], $0x80  }
0x2b7: {  	_ =	swait.ge @!p0 [sflag:s2], $0x80  }
0x2b8: {  	s1 =	rddreg [dreg:$0x1d]  }
0x2b9: {  	s13 =	rddreg [dreg:$0x19];
	s3 =	sadd.s32 $0x1, s1  }
0x2ba: {  	p1 =	sne.s32 s3, s13  }
.Ltmp5:
0x2bb: {  	_ = 	snop;
	(pc) =	sbr.rel @p1 .LBB2_1-.Ltmp5, $3  }
0x2bc: {  	_ =	sdelay $0x1  }
0x2bd: {  	[sflag:s2] =	ssyncset.done @!p0 $0x0  }
0x2be: {  	[sflag:s2] =	ssyncadd.s32 @!p0 $0xFFFFFF80  }
0x2bf: {  	_ =	sfence.sel $0x180000  }
0x2c0: {  	[bflag:$0x0] =	sbarrier.arrive $0xFFFF  }
0x2c1: {  	_ =	strace $0x90000047  }
0x2c2: {  	s0 =	stileid.u32;
	[bflag:$0x2] =	sbarrier.arrive $0xFFFF  }
0x2c3: {  	p0 =	sne.s32 s0, $0x0;
	s0 =	rddreg [dreg:$0x4]  }
0x2c4: {  	s0 =	sadd.s32 @!p0 $0x100000, s0  }
0x2c5: {  	[sflag:s0] =	ssyncadd.tile.s32 @!p0 $0x1;
	_ =	shalt  }
.Lfunc_end2:
_tile_overlayer_lowered:
.L_overlay_start_2:
0x2c6: {  	(tag) =	ssettag $0x2  }
0x2c7: {  	s0 =	rddreg [dreg:$0x0];
	s2 =	stileid.u32  }
0x2c8: {  	s1 =	rddreg [dreg:$0x1];
	p0 =	sne.s32 s2, $0x0  }
0x2c9: {  	s3 =	rddreg [dreg:$0x2];
	[bflag:$0x3] =	sbarrier.arrive $0xFFFF;
	s2 =	simm.s32 @!p0 $0x1C09  }
0x2ca: {  	[timem:s3], [sflag:s2] =	dma.local @!p0 [hbm:s0], s1  }
0x2cb: {  	s0 =	simm.s32 @!p0 $0x9  }
0x2cc: {  	_ =	swait.ge @!p0 [sflag:s0], s1  }
0x2cd: {  	s1 =	ssub.s32 @!p0 $0x0, s1;
	[sflag:s0] =	ssyncset.done @!p0 $0x0  }
0x2ce: {  	[sflag:s0] =	ssyncadd.s32 @!p0 s1  }
0x2cf: {  	[bflag:$0x3] =	sbarrier.arrive $0xFFFF  }
0x2d0: {  	_ =	shalt  }

</sc_bundles>
